<compile_context>
chip_gen: v7x
topology: tpu7x:2x2x1
jax: 0.10.2.dev20260603
libtpu: 0.0.44.dev20260713+nightly
codegen_flags: <defaults>
</compile_context>

<pallas_src>
import jax
import jax.numpy as jnp
from jax import lax
from jax.experimental import pallas as pl
from jax.experimental.pallas import tpu as pltpu
from jax.experimental.pallas import tpu_sc as plsc

N = 10000
E = 160000
DN = 128
DE = 16
U = 64

NC, NS, L = 2, 16, 16
NW = NC * NS
N_PAD = 10240
CHUNK = E // NW
CAP = 5008
NG = 10016
NFULL = CHUNK // L
TAIL = CHUNK - NFULL * L
H0 = 2512
H1 = CHUNK - H0
H1CAP = 2496
EB = 16000

_mesh = plsc.VectorSubcoreMesh(core_axis_name="c", subcore_axis_name="s")
_HI = lax.Precision.HIGHEST
_sc_params = pltpu.CompilerParams(needs_layout_passes=False,
                                  use_tc_tiling_on_sc=False)


def _proj_body(us_ref, vs_ref, es2_ref, ku_ref, kv_ref, ke_ref, watt_ref,
               au_ref, av1_ref, av2_ref, ae_ref):
    i = pl.program_id(0)
    watt = watt_ref[...]
    we = jnp.dot(ke_ref[...], watt[192:256], precision=_HI)[:, 0]
    wrep = jnp.concatenate([we] * 8)
    r = lax.broadcasted_iota(jnp.int32, (DN, 8), 0)
    c = lax.broadcasted_iota(jnp.int32, (DN, 8), 1)
    wmat = jnp.where((r // DE) == c, wrep[:, None], 0.0)
    ae_ref[...] = jnp.dot(es2_ref[...], wmat, precision=_HI)

    @pl.when(i == 0)
    def _node_scalars():
        wu = jnp.dot(ku_ref[...], watt[0:64], precision=_HI)[:, 0]
        wv1 = jnp.dot(kv_ref[...], watt[64:128], precision=_HI)[:, 0]
        wv2 = jnp.dot(kv_ref[...], watt[128:192], precision=_HI)[:, 0]
        us = us_ref[...]
        vs = vs_ref[...]
        au_ref[...] = jnp.sum(us * wu[None, :], axis=1)
        av1_ref[...] = jnp.sum(vs * wv1[None, :], axis=1)
        av2_ref[...] = jnp.sum(vs * wv2[None, :], axis=1)


def _proj(us, vs, es2, ku, kv, ke, watt):
    g = 10
    eb = E // 8 // g
    return pl.pallas_call(
        _proj_body,
        grid=(g,),
        in_specs=[
            pl.BlockSpec((N, DN), lambda i: (0, 0)),
            pl.BlockSpec((N, DN), lambda i: (0, 0)),
            pl.BlockSpec((eb, DN), lambda i: (i, 0)),
            pl.BlockSpec((DN, U), lambda i: (0, 0)),
            pl.BlockSpec((DN, U), lambda i: (0, 0)),
            pl.BlockSpec((DE, U), lambda i: (0, 0)),
            pl.BlockSpec((4 * U, 1), lambda i: (0, 0)),
        ],
        out_specs=(
            pl.BlockSpec((N,), lambda i: (0,)),
            pl.BlockSpec((N,), lambda i: (0,)),
            pl.BlockSpec((N,), lambda i: (0,)),
            pl.BlockSpec((eb, 8), lambda i: (i, 0)),
        ),
        out_shape=(
            jax.ShapeDtypeStruct((N,), jnp.float32),
            jax.ShapeDtypeStruct((N,), jnp.float32),
            jax.ShapeDtypeStruct((N,), jnp.float32),
            jax.ShapeDtypeStruct((E // 8, 8), jnp.float32),
        ),
    )(us, vs, es2, ku, kv, ke, watt)


def _scores_body(e0_hbm, e1_hbm, e2_hbm, au_hbm, av1_hbm, av2_hbm, ae_hbm,
                 s_hbm, pcnt_hbm, psum_hbm,
                 e0v, e1v, e2v, aev, auv, av1v, av2v, sv, onesv, zbuf,
                 sh_cnt, sh_sum, sems):
    cid = lax.axis_index("c")
    sid = lax.axis_index("s")
    wid = cid * NS + sid
    base = wid * CHUNK

    cps = [
        pltpu.async_copy(e0_hbm.at[pl.ds(base, CHUNK)],
                         e0v.at[pl.ds(0, CHUNK)], sems.at[0]),
        pltpu.async_copy(e1_hbm.at[pl.ds(base, CHUNK)],
                         e1v.at[pl.ds(0, CHUNK)], sems.at[1]),
        pltpu.async_copy(e2_hbm.at[pl.ds(base, CHUNK)],
                         e2v.at[pl.ds(0, CHUNK)], sems.at[2]),
        pltpu.async_copy(ae_hbm.at[pl.ds(base, CHUNK)],
                         aev.at[pl.ds(0, CHUNK)], sems.at[3]),
        pltpu.async_copy(au_hbm, auv.at[pl.ds(0, N)], sems.at[4]),
        pltpu.async_copy(av1_hbm, av1v.at[pl.ds(0, N)], sems.at[5]),
        pltpu.async_copy(av2_hbm, av2v.at[pl.ds(0, N)], sems.at[6]),
    ]

    zero16 = jnp.zeros((L,), jnp.float32)
    one16 = jnp.ones((L,), jnp.float32)
    lane = lax.iota(jnp.int32, L)
    mtail = lane < TAIL

    def _fill(i, _):
        zbuf[pl.ds(i * L, L)] = zero16
        return 0
    lax.fori_loop(0, 40, _fill, 0)

    def _fill_ones(i, _):
        onesv[pl.ds(i * L, L)] = one16
        return 0
    lax.fori_loop(0, NFULL, _fill_ones, 0)
    onesv[pl.ds(NFULL * L, L)] = jnp.where(mtail, 1.0, 0.0)

    pltpu.sync_copy(zbuf, sh_cnt.at[pl.ds(sid * 640, 640)])
    pltpu.sync_copy(zbuf, sh_sum.at[pl.ds(sid * 640, 640)])
    for cp in cps:
        cp.wait()

    def _score_vec(i0, i1, i2, ea):
        a = (plsc.load_gather(auv, [i0]) + plsc.load_gather(av1v, [i1])
             + plsc.load_gather(av2v, [i2]) + ea)
        a = jnp.where(a >= 0.0, a, 0.2 * a)
        return jnp.exp(jnp.clip(a, -2.0, 2.0))

    def _score(j, _):
        off = j * L
        sv[pl.ds(off, L)] = _score_vec(
            e0v[pl.ds(off, L)], e1v[pl.ds(off, L)], e2v[pl.ds(off, L)],
            aev[pl.ds(off, L)])
        return 0
    lax.fori_loop(0, NFULL, _score, 0)

    off = NFULL * L
    t0 = jnp.where(mtail, e0v[pl.ds(off, L)], 0)
    t1 = jnp.where(mtail, e1v[pl.ds(off, L)], 0)
    t2 = jnp.where(mtail, e2v[pl.ds(off, L)], 0)
    sv[pl.ds(off, L)] = _score_vec(t0, t1, t2, aev[pl.ds(off, L)])
    e0v[pl.ds(off, L)] = jnp.where(mtail, t0, N)

    s_cp = pltpu.async_copy(sv.at[pl.ds(0, CHUNK)],
                            s_hbm.at[pl.ds(base, CHUNK)], sems.at[7])

    plsc.subcore_barrier()
    pltpu.sync_copy(onesv, sh_cnt.at[e0v], add=True)
    pltpu.sync_copy(sv, sh_sum.at[e0v], add=True)
    plsc.subcore_barrier()

    pltpu.sync_copy(sh_cnt.at[pl.ds(sid * 640, 640)],
                    pcnt_hbm.at[pl.ds(cid * N_PAD + sid * 640, 640)])
    pltpu.sync_copy(sh_sum.at[pl.ds(sid * 640, 640)],
                    psum_hbm.at[pl.ds(cid * N_PAD + sid * 640, 640)])
    s_cp.wait()


def _scores(e0, e1, e2, au, av1, av2, ae):
    f = pl.kernel(
        _scores_body,
        out_type=(
            jax.ShapeDtypeStruct((E,), jnp.float32),
            jax.ShapeDtypeStruct((NC * N_PAD,), jnp.float32),
            jax.ShapeDtypeStruct((NC * N_PAD,), jnp.float32),
        ),
        mesh=_mesh,
        compiler_params=_sc_params,
        scratch_types=[
            pltpu.VMEM((CAP,), jnp.int32),
            pltpu.VMEM((CAP,), jnp.int32),
            pltpu.VMEM((CAP,), jnp.int32),
            pltpu.VMEM((CAP,), jnp.float32),
            pltpu.VMEM((N_PAD,), jnp.float32),
            pltpu.VMEM((N_PAD,), jnp.float32),
            pltpu.VMEM((N_PAD,), jnp.float32),
            pltpu.VMEM((CAP,), jnp.float32),
            pltpu.VMEM((CAP,), jnp.float32),
            pltpu.VMEM((640,), jnp.float32),
            pltpu.VMEM_SHARED((N_PAD,), jnp.float32),
            pltpu.VMEM_SHARED((N_PAD,), jnp.float32),
            pltpu.SemaphoreType.DMA((8,)),
        ],
    )
    return f(e0, e1, e2, au, av1, av2, ae)


def _scatter_body(pcnt_hbm, psum_hbm, s_hbm, e0_hbm, es_hbm,
                  pacc_hbm,
                  ccv, ssumv, sv, e0a, e0b, rows, psv, zbuf,
                  sh_acc, sems):
    cid = lax.axis_index("c")
    sid = lax.axis_index("s")
    wid = cid * NS + sid
    base = wid * CHUNK
    lane = lax.iota(jnp.int32, L)
    mtail = lane < TAIL

    cp_c0 = pltpu.async_copy(pcnt_hbm.at[pl.ds(0, NG)], ccv, sems.at[0])
    cp_c1 = pltpu.async_copy(pcnt_hbm.at[pl.ds(N_PAD, NG)], ssumv, sems.at[1])
    cp_p0 = pltpu.async_copy(psum_hbm.at[pl.ds(0, NG)], psv, sems.at[2])
    cp_s = pltpu.async_copy(s_hbm.at[pl.ds(base, CHUNK)],
                            sv.at[pl.ds(0, CHUNK)], sems.at[3])
    cp_e0a = pltpu.async_copy(e0_hbm.at[pl.ds(base, H0)], e0a, sems.at[4])
    cp_e0b = pltpu.async_copy(e0_hbm.at[pl.ds(base + H0, H1)],
                              e0b.at[pl.ds(0, H1)], sems.at[5])
    cp_rows = pltpu.async_copy(es_hbm.at[pl.ds(base, CHUNK), :],
                               rows.at[pl.ds(0, CHUNK), :], sems.at[6])
    cp_c0.wait()
    cp_c1.wait()

    def _cc(j, carry):
        c = ccv[pl.ds(j * L, L)] + ssumv[pl.ds(j * L, L)]
        ccv[pl.ds(j * L, L)] = plsc.cumsum(c) + carry
        return carry + jnp.sum(c)
    lax.fori_loop(0, NG // L, _cc, jnp.float32(0.0))

    pltpu.sync_copy(psum_hbm.at[pl.ds(N_PAD, NG)], ssumv)

    zero16 = jnp.zeros((L,), jnp.float32)

    def _fill(i, _):
        zbuf[i, :] = zero16
        return 0
    lax.fori_loop(0, 32, _fill, 0)

    for t in range(20):
        pltpu.sync_copy(zbuf, sh_acc.at[pl.ds(sid * 640 + t * 32, 32), :])
    plsc.subcore_barrier()

    cp_p0.wait()
    cp_s.wait()
    cp_rows.wait()

    def _search(j, _):
        off = j * L
        pos = (base + off + lane).astype(jnp.float32)
        lo = jnp.zeros((L,), jnp.int32)
        step = 8192
        while step >= 1:
            cand = lo + step
            idx = jnp.minimum(cand, N) - 1
            v = plsc.load_gather(ccv, [idx])
            take = (cand <= N) & (v <= pos)
            lo = jnp.where(take, cand, lo)
            step //= 2
        rep = plsc.load_gather(psv, [lo]) + plsc.load_gather(ssumv, [lo])
        sv[pl.ds(off, L)] = sv[pl.ds(off, L)] / rep
        return 0
    lax.fori_loop(0, NFULL + 1, _search, 0)

    cp_e0a.wait()
    cp_e0b.wait()
    tb = NFULL * L - H0
    e0b[pl.ds(tb, L)] = jnp.where(mtail, e0b[pl.ds(tb, L)], N)

    def _scale0(j, _):
        wv = sv[pl.ds(j * L, L)]
        for r2 in range(L):
            r = j * L + r2
            rows[r, :] = rows[r, :] * jnp.full((L,), wv[r2])
        return 0
    lax.fori_loop(0, H0 // L, _scale0, 0)
    st1 = pltpu.async_copy(rows.at[pl.ds(0, H0), :], sh_acc.at[e0a],
                           sems.at[7], add=True)

    def _scale1(j, _):
        off1 = H0 + j * L
        wv = sv[pl.ds(off1, L)]
        for r2 in range(L):
            r = off1 + r2
            rows[r, :] = rows[r, :] * jnp.full((L,), wv[r2])
        return 0
    lax.fori_loop(0, (NFULL * L - H0) // L, _scale1, 0)
    off = NFULL * L
    wtail = sv[pl.ds(off, L)]
    for r2 in range(TAIL):
        rows[off + r2, :] = rows[off + r2, :] * jnp.full((L,), wtail[r2])

    st2 = pltpu.async_copy(rows.at[pl.ds(H0, H1CAP), :], sh_acc.at[e0b],
                           sems.at[2], add=True)
    st1.wait()
    st2.wait()
    plsc.subcore_barrier()

    pltpu.sync_copy(sh_acc.at[pl.ds(sid * 640, 640), :],
                    pacc_hbm.at[pl.ds(cid * N_PAD + sid * 640, 640), :])


def _scatter(pcnt, psum, s, e0, es):
    f = pl.kernel(
        _scatter_body,
        out_type=jax.ShapeDtypeStruct((NC * N_PAD, DE), jnp.float32),
        mesh=_mesh,
        compiler_params=_sc_params,
        scratch_types=[
            pltpu.VMEM((NG,), jnp.float32),
            pltpu.VMEM((NG,), jnp.float32),
            pltpu.VMEM((CAP,), jnp.float32),
            pltpu.VMEM((H0,), jnp.int32),
            pltpu.VMEM((H1CAP,), jnp.int32),
            pltpu.VMEM((CAP, DE), jnp.float32),
            pltpu.VMEM((NG,), jnp.float32),
            pltpu.VMEM((32, DE), jnp.float32),
            pltpu.VMEM_SHARED((N_PAD, DE), jnp.float32),
            pltpu.SemaphoreType.DMA((8,)),
        ],
    )
    return f(pcnt, psum, s, e0, es)


def _out_body(pacc_ref, ke_ref, out_ref):
    acc = pacc_ref[0, :, :] + pacc_ref[1, :, :]
    res = jnp.dot(acc, ke_ref[...], precision=_HI)
    out_ref[...] = res[0:N, :]


def _out_mm(pacc, ke):
    return pl.pallas_call(
        _out_body,
        out_shape=jax.ShapeDtypeStruct((N, U), jnp.float32),
    )(pacc, ke)


def kernel(user_states, video_states, edge_states, hyper_edges,
           kernel_user, kernel_video, kernel_edge, kernel_user_attention):
    e0 = hyper_edges[:, 0]
    e1 = hyper_edges[:, 1]
    e2 = hyper_edges[:, 2]
    lin = lax.optimization_barrier(edge_states.reshape(E * DE))
    es2 = lin.reshape(E // 8, DN)
    esd = lin.reshape(E, DE)

    au, av1, av2, ae2 = _proj(user_states, video_states, es2, kernel_user,
                              kernel_video, kernel_edge,
                              kernel_user_attention)
    s, pcnt, psum = _scores(e0, e1, e2, au, av1, av2, ae2.reshape(E))
    pacc = _scatter(pcnt, psum, s, e0, esd)
    return _out_mm(pacc.reshape(NC, N_PAD, DE), kernel_edge)

# --- scband reference (transcript-rebuilt; emitter-appended) ---
"""Pipeline reference for scband-hyper-graph-attention-87136296501910 (READ-ONLY COPY).

The authoritative reference and input builder live on the scoring server;
editing this copy changes nothing except your own understanding.
"""

import jax, jax.numpy as jnp
import numpy as np

N_USER = 10000
N_VIDEO = 10000
E = 160000
D_NODE = 128
D_EDGE = 16
UNITS = 64


def _glorot(key, shape):
    fan_in, fan_out = shape[0], shape[1]
    limit = np.sqrt(6.0 / (fan_in + fan_out))
    return jax.random.uniform(key, shape, dtype=jnp.float32, minval=-limit, maxval=limit)


def setup_inputs(seed: int = 0) -> dict:
    key = jax.random.key(seed)
    k1, k2, k3, k4, k5, k6, k7, k8 = jax.random.split(key, 8)
    user_states = jax.random.normal(k1, (N_USER, D_NODE), dtype=jnp.float32)
    video_states = jax.random.normal(k2, (N_VIDEO, D_NODE), dtype=jnp.float32)
    edge_states = jax.random.normal(k3, (E, D_EDGE), dtype=jnp.float32)
    hyper_edges = jax.random.randint(k4, (E, 3), 0, N_USER, dtype=jnp.int32)
    kernel_user = _glorot(k5, (D_NODE, UNITS))
    kernel_video = _glorot(k6, (D_NODE, UNITS))
    kernel_edge = _glorot(k7, (D_EDGE, UNITS))
    kernel_user_attention = _glorot(k8, (UNITS * 4, 1))
    return {
        "user_states": user_states,
        "video_states": video_states,
        "edge_states": edge_states,
        "hyper_edges": hyper_edges,
        "kernel_user": kernel_user,
        "kernel_video": kernel_video,
        "kernel_edge": kernel_edge,
        "kernel_user_attention": kernel_user_attention,
    }


def reference(user_states, video_states, edge_states, hyper_edges,
              kernel_user, kernel_video, kernel_edge, kernel_user_attention):
    user_t = user_states @ kernel_user
    video_t = video_states @ kernel_video
    edge_t = edge_states @ kernel_edge
    seg = hyper_edges[:, 0]
    hyper_edge_states = jnp.concatenate([
        jnp.take(user_t, seg, axis=0),
        jnp.take(video_t, hyper_edges[:, 1], axis=0),
        jnp.take(video_t, hyper_edges[:, 2], axis=0),
        edge_t,
    ], axis=1)
    scores = jax.nn.leaky_relu(hyper_edge_states @ kernel_user_attention, negative_slope=0.2)
    scores = jnp.squeeze(scores, -1)
    scores = jnp.exp(jnp.clip(scores, -2.0, 2.0))
    num_seg = user_states.shape[0]
    scores_sum = jax.ops.segment_sum(scores, seg, num_segments=num_seg)
    counts = jnp.bincount(seg, length=num_seg)
    scores_sum_rep = jnp.repeat(scores_sum, counts, total_repeat_length=edge_states.shape[0])
    scores_norm = scores / scores_sum_rep
    out = jax.ops.segment_sum(edge_t * scores_norm[:, None], seg, num_segments=user_states.shape[0])
    return out

if __name__ == "__main__":
    import jax
    _d = setup_inputs()
    print(jax.jit(kernel)(*tuple(_d.values())))

</pallas_src>

<mosaic_0001>
#map = affine_map<(d0, d1) -> (0)>
module attributes {stable_mosaic.version = 14 : i64} {
  func.func @_scores_body(%arg0: i32, %arg1: i32, %arg2: memref<160000xi32, #tpu.memory_space<hbm>>, %arg3: memref<160000xi32, #tpu.memory_space<hbm>>, %arg4: memref<160000xi32, #tpu.memory_space<hbm>>, %arg5: memref<10000xf32, #tpu.memory_space<hbm>>, %arg6: memref<10000xf32, #tpu.memory_space<hbm>>, %arg7: memref<10000xf32, #tpu.memory_space<hbm>>, %arg8: memref<160000xf32, #tpu.memory_space<hbm>>, %arg9: memref<160000xf32, #tpu.memory_space<hbm>>, %arg10: memref<20480xf32, #tpu.memory_space<hbm>>, %arg11: memref<20480xf32, #tpu.memory_space<hbm>>, %arg12: memref<5008xi32, #tpu.memory_space<vmem>>, %arg13: memref<5008xi32, #tpu.memory_space<vmem>>, %arg14: memref<5008xi32, #tpu.memory_space<vmem>>, %arg15: memref<5008xf32, #tpu.memory_space<vmem>>, %arg16: memref<10240xf32, #tpu.memory_space<vmem>>, %arg17: memref<10240xf32, #tpu.memory_space<vmem>>, %arg18: memref<10240xf32, #tpu.memory_space<vmem>>, %arg19: memref<5008xf32, #tpu.memory_space<vmem>>, %arg20: memref<5008xf32, #tpu.memory_space<vmem>>, %arg21: memref<640xf32, #tpu.memory_space<vmem>>, %arg22: memref<10240xf32, #tpu.memory_space<vmem_shared>>, %arg23: memref<10240xf32, #tpu.memory_space<vmem_shared>>, %arg24: memref<8x!tpu.dma_semaphore, #tpu.memory_space<semaphore_mem>>) attributes {dimension_semantics = [#tpu.dimension_semantics<core_parallel>, #tpu.dimension_semantics<subcore_parallel>], iteration_bounds = array<i64: 2, 16>, scalar_prefetch = 0 : i64, scratch_operands = 13 : i64, tpu.core_type = #tpu.core_type<sc_vector_subcore>, window_params = [{transform_indices = #map}, {transform_indices = #map}, {transform_indices = #map}, {transform_indices = #map}, {transform_indices = #map}, {transform_indices = #map}, {transform_indices = #map}, {transform_indices = #map}, {transform_indices = #map}, {transform_indices = #map}]} {
    %mul3A = arith.constant 16 : i32
    %mul3A_0 = arith.muli %arg0, %mul3A : i32
    %add3A = arith.addi %mul3A_0, %arg1 : i32
    %mul3A_1 = arith.constant 5000 : i32
    %mul3A_2 = arith.muli %add3A, %mul3A_1 : i32
    %dma_start3A = arith.constant 0 : i32
    %dma_start3A_3 = arith.constant 0 : i32
    %dma_start3A_4 = tpu.memref_slice %arg12[%dma_start3A_3] : memref<5008xi32, #tpu.memory_space<vmem>> -> memref<5000xi32, #tpu.memory_space<vmem>>
    %dma_start3A_5 = tpu.memref_slice %arg2[%mul3A_2] : memref<160000xi32, #tpu.memory_space<hbm>> -> memref<5000xi32, #tpu.memory_space<hbm>>
    %dma_start3A_6 = tpu.memref_slice %arg24[%dma_start3A] : memref<8x!tpu.dma_semaphore, #tpu.memory_space<semaphore_mem>> -> memref<1x!tpu.dma_semaphore, #tpu.memory_space<semaphore_mem>>
    %dma_start3A_7 = tpu.memref_squeeze %dma_start3A_6 : memref<1x!tpu.dma_semaphore, #tpu.memory_space<semaphore_mem>> -> memref<!tpu.dma_semaphore, #tpu.memory_space<semaphore_mem>>
    %dma_start3A_8 = arith.constant 0 : i32
    %dma_start3A_9 = tpu.memref_slice %arg12[%dma_start3A_8] : memref<5008xi32, #tpu.memory_space<vmem>> -> memref<5000xi32, #tpu.memory_space<vmem>>
    %dma_start3A_10 = tpu.memref_slice %arg2[%mul3A_2] : memref<160000xi32, #tpu.memory_space<hbm>> -> memref<5000xi32, #tpu.memory_space<hbm>>
    tpu.enqueue_dma source(%dma_start3A_10 : memref<5000xi32, #tpu.memory_space<hbm>>) target(%dma_start3A_9 : memref<5000xi32, #tpu.memory_space<vmem>>) target_semaphore(%dma_start3A_7 : memref<!tpu.dma_semaphore, #tpu.memory_space<semaphore_mem>>)
    %dma_start3A_11 = arith.constant 1 : i32
    %dma_start3A_12 = arith.constant 0 : i32
    %dma_start3A_13 = tpu.memref_slice %arg13[%dma_start3A_12] : memref<5008xi32, #tpu.memory_space<vmem>> -> memref<5000xi32, #tpu.memory_space<vmem>>
    %dma_start3A_14 = tpu.memref_slice %arg3[%mul3A_2] : memref<160000xi32, #tpu.memory_space<hbm>> -> memref<5000xi32, #tpu.memory_space<hbm>>
    %dma_start3A_15 = tpu.memref_slice %arg24[%dma_start3A_11] : memref<8x!tpu.dma_semaphore, #tpu.memory_space<semaphore_mem>> -> memref<1x!tpu.dma_semaphore, #tpu.memory_space<semaphore_mem>>
    %dma_start3A_16 = tpu.memref_squeeze %dma_start3A_15 : memref<1x!tpu.dma_semaphore, #tpu.memory_space<semaphore_mem>> -> memref<!tpu.dma_semaphore, #tpu.memory_space<semaphore_mem>>
    %dma_start3A_17 = arith.constant 0 : i32
    %dma_start3A_18 = tpu.memref_slice %arg13[%dma_start3A_17] : memref<5008xi32, #tpu.memory_space<vmem>> -> memref<5000xi32, #tpu.memory_space<vmem>>
    %dma_start3A_19 = tpu.memref_slice %arg3[%mul3A_2] : memref<160000xi32, #tpu.memory_space<hbm>> -> memref<5000xi32, #tpu.memory_space<hbm>>
    tpu.enqueue_dma source(%dma_start3A_19 : memref<5000xi32, #tpu.memory_space<hbm>>) target(%dma_start3A_18 : memref<5000xi32, #tpu.memory_space<vmem>>) target_semaphore(%dma_start3A_16 : memref<!tpu.dma_semaphore, #tpu.memory_space<semaphore_mem>>)
    %dma_start3A_20 = arith.constant 2 : i32
    %dma_start3A_21 = arith.constant 0 : i32
    %dma_start3A_22 = tpu.memref_slice %arg14[%dma_start3A_21] : memref<5008xi32, #tpu.memory_space<vmem>> -> memref<5000xi32, #tpu.memory_space<vmem>>
    %dma_start3A_23 = tpu.memref_slice %arg4[%mul3A_2] : memref<160000xi32, #tpu.memory_space<hbm>> -> memref<5000xi32, #tpu.memory_space<hbm>>
    %dma_start3A_24 = tpu.memref_slice %arg24[%dma_start3A_20] : memref<8x!tpu.dma_semaphore, #tpu.memory_space<semaphore_mem>> -> memref<1x!tpu.dma_semaphore, #tpu.memory_space<semaphore_mem>>
    %dma_start3A_25 = tpu.memref_squeeze %dma_start3A_24 : memref<1x!tpu.dma_semaphore, #tpu.memory_space<semaphore_mem>> -> memref<!tpu.dma_semaphore, #tpu.memory_space<semaphore_mem>>
    %dma_start3A_26 = arith.constant 0 : i32
    %dma_start3A_27 = tpu.memref_slice %arg14[%dma_start3A_26] : memref<5008xi32, #tpu.memory_space<vmem>> -> memref<5000xi32, #tpu.memory_space<vmem>>
    %dma_start3A_28 = tpu.memref_slice %arg4[%mul3A_2] : memref<160000xi32, #tpu.memory_space<hbm>> -> memref<5000xi32, #tpu.memory_space<hbm>>
    tpu.enqueue_dma source(%dma_start3A_28 : memref<5000xi32, #tpu.memory_space<hbm>>) target(%dma_start3A_27 : memref<5000xi32, #tpu.memory_space<vmem>>) target_semaphore(%dma_start3A_25 : memref<!tpu.dma_semaphore, #tpu.memory_space<semaphore_mem>>)
    %dma_start3A_29 = arith.constant 3 : i32
    %dma_start3A_30 = arith.constant 0 : i32
    %dma_start3A_31 = tpu.memref_slice %arg15[%dma_start3A_30] : memref<5008xf32, #tpu.memory_space<vmem>> -> memref<5000xf32, #tpu.memory_space<vmem>>
    %dma_start3A_32 = tpu.memref_slice %arg8[%mul3A_2] : memref<160000xf32, #tpu.memory_space<hbm>> -> memref<5000xf32, #tpu.memory_space<hbm>>
    %dma_start3A_33 = tpu.memref_slice %arg24[%dma_start3A_29] : memref<8x!tpu.dma_semaphore, #tpu.memory_space<semaphore_mem>> -> memref<1x!tpu.dma_semaphore, #tpu.memory_space<semaphore_mem>>
    %dma_start3A_34 = tpu.memref_squeeze %dma_start3A_33 : memref<1x!tpu.dma_semaphore, #tpu.memory_space<semaphore_mem>> -> memref<!tpu.dma_semaphore, #tpu.memory_space<semaphore_mem>>
    %dma_start3A_35 = arith.constant 0 : i32
    %dma_start3A_36 = tpu.memref_slice %arg15[%dma_start3A_35] : memref<5008xf32, #tpu.memory_space<vmem>> -> memref<5000xf32, #tpu.memory_space<vmem>>
    %dma_start3A_37 = tpu.memref_slice %arg8[%mul3A_2] : memref<160000xf32, #tpu.memory_space<hbm>> -> memref<5000xf32, #tpu.memory_space<hbm>>
    tpu.enqueue_dma source(%dma_start3A_37 : memref<5000xf32, #tpu.memory_space<hbm>>) target(%dma_start3A_36 : memref<5000xf32, #tpu.memory_space<vmem>>) target_semaphore(%dma_start3A_34 : memref<!tpu.dma_semaphore, #tpu.memory_space<semaphore_mem>>)
    %dma_start3A_38 = arith.constant 4 : i32
    %dma_start3A_39 = arith.constant 0 : i32
    %dma_start3A_40 = tpu.memref_slice %arg16[%dma_start3A_39] : memref<10240xf32, #tpu.memory_space<vmem>> -> memref<10000xf32, #tpu.memory_space<vmem>>
    %dma_start3A_41 = tpu.memref_slice %arg24[%dma_start3A_38] : memref<8x!tpu.dma_semaphore, #tpu.memory_space<semaphore_mem>> -> memref<1x!tpu.dma_semaphore, #tpu.memory_space<semaphore_mem>>
    %dma_start3A_42 = tpu.memref_squeeze %dma_start3A_41 : memref<1x!tpu.dma_semaphore, #tpu.memory_space<semaphore_mem>> -> memref<!tpu.dma_semaphore, #tpu.memory_space<semaphore_mem>>
    %dma_start3A_43 = arith.constant 0 : i32
    %dma_start3A_44 = tpu.memref_slice %arg16[%dma_start3A_43] : memref<10240xf32, #tpu.memory_space<vmem>> -> memref<10000xf32, #tpu.memory_space<vmem>>
    tpu.enqueue_dma source(%arg5 : memref<10000xf32, #tpu.memory_space<hbm>>) target(%dma_start3A_44 : memref<10000xf32, #tpu.memory_space<vmem>>) target_semaphore(%dma_start3A_42 : memref<!tpu.dma_semaphore, #tpu.memory_space<semaphore_mem>>)
    %dma_start3A_45 = arith.constant 5 : i32
    %dma_start3A_46 = arith.constant 0 : i32
    %dma_start3A_47 = tpu.memref_slice %arg17[%dma_start3A_46] : memref<10240xf32, #tpu.memory_space<vmem>> -> memref<10000xf32, #tpu.memory_space<vmem>>
    %dma_start3A_48 = tpu.memref_slice %arg24[%dma_start3A_45] : memref<8x!tpu.dma_semaphore, #tpu.memory_space<semaphore_mem>> -> memref<1x!tpu.dma_semaphore, #tpu.memory_space<semaphore_mem>>
    %dma_start3A_49 = tpu.memref_squeeze %dma_start3A_48 : memref<1x!tpu.dma_semaphore, #tpu.memory_space<semaphore_mem>> -> memref<!tpu.dma_semaphore, #tpu.memory_space<semaphore_mem>>
    %dma_start3A_50 = arith.constant 0 : i32
    %dma_start3A_51 = tpu.memref_slice %arg17[%dma_start3A_50] : memref<10240xf32, #tpu.memory_space<vmem>> -> memref<10000xf32, #tpu.memory_space<vmem>>
    tpu.enqueue_dma source(%arg6 : memref<10000xf32, #tpu.memory_space<hbm>>) target(%dma_start3A_51 : memref<10000xf32, #tpu.memory_space<vmem>>) target_semaphore(%dma_start3A_49 : memref<!tpu.dma_semaphore, #tpu.memory_space<semaphore_mem>>)
    %dma_start3A_52 = arith.constant 6 : i32
    %dma_start3A_53 = arith.constant 0 : i32
    %dma_start3A_54 = tpu.memref_slice %arg18[%dma_start3A_53] : memref<10240xf32, #tpu.memory_space<vmem>> -> memref<10000xf32, #tpu.memory_space<vmem>>
    %dma_start3A_55 = tpu.memref_slice %arg24[%dma_start3A_52] : memref<8x!tpu.dma_semaphore, #tpu.memory_space<semaphore_mem>> -> memref<1x!tpu.dma_semaphore, #tpu.memory_space<semaphore_mem>>
    %dma_start3A_56 = tpu.memref_squeeze %dma_start3A_55 : memref<1x!tpu.dma_semaphore, #tpu.memory_space<semaphore_mem>> -> memref<!tpu.dma_semaphore, #tpu.memory_space<semaphore_mem>>
    %dma_start3A_57 = arith.constant 0 : i32
    %dma_start3A_58 = tpu.memref_slice %arg18[%dma_start3A_57] : memref<10240xf32, #tpu.memory_space<vmem>> -> memref<10000xf32, #tpu.memory_space<vmem>>
    tpu.enqueue_dma source(%arg7 : memref<10000xf32, #tpu.memory_space<hbm>>) target(%dma_start3A_58 : memref<10000xf32, #tpu.memory_space<vmem>>) target_semaphore(%dma_start3A_56 : memref<!tpu.dma_semaphore, #tpu.memory_space<semaphore_mem>>)
    %broadcast_in_dim3A = arith.constant 0.000000e+00 : f32
    %broadcast_in_dim3A_59 = vector.broadcast %broadcast_in_dim3A : f32 to vector<16xf32>
    %broadcast_in_dim3A_60 = arith.constant 1.000000e+00 : f32
    %broadcast_in_dim3A_61 = vector.broadcast %broadcast_in_dim3A_60 : f32 to vector<16xf32>
    %iota3A = tpu.iota {dimensions = array<i32: 0>} : vector<16xi32>
    %lt3A = arith.constant 8 : i32
    %lt3A_62 = vector.broadcast %lt3A : i32 to vector<16xi32>
    %lt3A_63 = arith.cmpi slt, %iota3A, %lt3A_62 : vector<16xi32>
    %scan3A = arith.constant 0 : i32
    %scan3A_64 = arith.constant 0 : i32
    %scan3A_65 = arith.constant 40 : i32
    %scan3A_66 = arith.addi %scan3A_64, %scan3A_65 : i32
    %scan3A_67 = arith.constant 1 : i32
    %scan3A_68 = scf.for %scan3A_219 = %scan3A_64 to %scan3A_66 step %scan3A_67 iter_args(%scan3A_220 = %scan3A) -> (i32)  : i32 {
      %mul3A_221 = arith.constant 16 : i32
      %mul3A_222 = arith.muli %scan3A_219, %mul3A_221 : i32
      %swap3A_223 = arith.index_cast %mul3A_222 : i32 to index
      %swap3A_224 = tpu.vector_load %arg21[%swap3A_223] {strides = array<i32>} : memref<640xf32, #tpu.memory_space<vmem>>, vector<16xf32>,
      tpu.vector_store %arg21[%swap3A_223], %broadcast_in_dim3A_59 {strides = array<i32>} : memref<640xf32, #tpu.memory_space<vmem>>, vector<16xf32>,
      %scan3A_225 = arith.constant 0 : i32
      scf.yield %scan3A_225 : i32
    }
    %scan3A_69 = arith.constant 40 : i32
    %scan3A_70 = arith.constant 0 : i32
    %scan3A_71 = arith.constant 0 : i32
    %scan3A_72 = arith.constant 312 : i32
    %scan3A_73 = arith.addi %scan3A_71, %scan3A_72 : i32
    %scan3A_74 = arith.constant 1 : i32
    %scan3A_75 = scf.for %scan3A_219 = %scan3A_71 to %scan3A_73 step %scan3A_74 iter_args(%scan3A_220 = %scan3A_70) -> (i32)  : i32 {
      %mul3A_221 = arith.constant 16 : i32
      %mul3A_222 = arith.muli %scan3A_219, %mul3A_221 : i32
      %swap3A_223 = arith.index_cast %mul3A_222 : i32 to index
      %swap3A_224 = tpu.vector_load %arg20[%swap3A_223] {strides = array<i32>} : memref<5008xf32, #tpu.memory_space<vmem>>, vector<16xf32>,
      tpu.vector_store %arg20[%swap3A_223], %broadcast_in_dim3A_61 {strides = array<i32>} : memref<5008xf32, #tpu.memory_space<vmem>>, vector<16xf32>,
      %scan3A_225 = arith.constant 0 : i32
      scf.yield %scan3A_225 : i32
    }
    %scan3A_76 = arith.constant 312 : i32
    %jit3A = arith.constant 1.000000e+00 : f32
    %jit3A_77 = arith.constant 0.000000e+00 : f32
    %broadcast_in_dim3A_78 = vector.broadcast %jit3A : f32 to vector<16xf32>
    %broadcast_in_dim3A_79 = vector.broadcast %jit3A_77 : f32 to vector<16xf32>
    %select_n3A = arith.select %lt3A_63, %broadcast_in_dim3A_78, %broadcast_in_dim3A_79 : vector<16xi1>, vector<16xf32>
    %swap3A = arith.constant 4992 : index
    %swap3A_80 = tpu.vector_load %arg20[%swap3A] {strides = array<i32>} : memref<5008xf32, #tpu.memory_space<vmem>>, vector<16xf32>,
    tpu.vector_store %arg20[%swap3A], %select_n3A {strides = array<i32>} : memref<5008xf32, #tpu.memory_space<vmem>>, vector<16xf32>,
    %mul3A_81 = arith.constant 640 : i32
    %mul3A_82 = arith.muli %arg1, %mul3A_81 : i32
    "tpu.region"() ({
      %run_scoped3A = tpu.sem_alloc : memref<!tpu.dma_semaphore, #tpu.memory_space<semaphore_mem>>
      %dma_start3A_219 = tpu.memref_slice %arg22[%mul3A_82] : memref<10240xf32, #tpu.memory_space<vmem_shared>> -> memref<640xf32, #tpu.memory_space<vmem_shared>>
      %dma_start3A_220 = tpu.memref_slice %arg22[%mul3A_82] : memref<10240xf32, #tpu.memory_space<vmem_shared>> -> memref<640xf32, #tpu.memory_space<vmem_shared>>
      tpu.enqueue_dma source(%arg21 : memref<640xf32, #tpu.memory_space<vmem>>) target(%dma_start3A_220 : memref<640xf32, #tpu.memory_space<vmem_shared>>) target_semaphore(%run_scoped3A : memref<!tpu.dma_semaphore, #tpu.memory_space<semaphore_mem>>)
      %dma_wait3A_221 = tpu.memref_slice %arg22[%mul3A_82] : memref<10240xf32, #tpu.memory_space<vmem_shared>> -> memref<640xf32, #tpu.memory_space<vmem_shared>>
      %dma_wait3A_222 = tpu.memref_slice %arg22[%mul3A_82] : memref<10240xf32, #tpu.memory_space<vmem_shared>> -> memref<640xf32, #tpu.memory_space<vmem_shared>>
      tpu.wait_dma2 semaphore(%run_scoped3A : memref<!tpu.dma_semaphore, #tpu.memory_space<semaphore_mem>>) src(%arg21 : memref<640xf32, #tpu.memory_space<vmem>>) dst(%dma_wait3A_222 : memref<640xf32, #tpu.memory_space<vmem_shared>>)
      tpu.yield
    }) : () -> ()
    %mul3A_83 = arith.constant 640 : i32
    %mul3A_84 = arith.muli %arg1, %mul3A_83 : i32
    "tpu.region"() ({
      %run_scoped3A = tpu.sem_alloc : memref<!tpu.dma_semaphore, #tpu.memory_space<semaphore_mem>>
      %dma_start3A_219 = tpu.memref_slice %arg23[%mul3A_84] : memref<10240xf32, #tpu.memory_space<vmem_shared>> -> memref<640xf32, #tpu.memory_space<vmem_shared>>
      %dma_start3A_220 = tpu.memref_slice %arg23[%mul3A_84] : memref<10240xf32, #tpu.memory_space<vmem_shared>> -> memref<640xf32, #tpu.memory_space<vmem_shared>>
      tpu.enqueue_dma source(%arg21 : memref<640xf32, #tpu.memory_space<vmem>>) target(%dma_start3A_220 : memref<640xf32, #tpu.memory_space<vmem_shared>>) target_semaphore(%run_scoped3A : memref<!tpu.dma_semaphore, #tpu.memory_space<semaphore_mem>>)
      %dma_wait3A_221 = tpu.memref_slice %arg23[%mul3A_84] : memref<10240xf32, #tpu.memory_space<vmem_shared>> -> memref<640xf32, #tpu.memory_space<vmem_shared>>
      %dma_wait3A_222 = tpu.memref_slice %arg23[%mul3A_84] : memref<10240xf32, #tpu.memory_space<vmem_shared>> -> memref<640xf32, #tpu.memory_space<vmem_shared>>
      tpu.wait_dma2 semaphore(%run_scoped3A : memref<!tpu.dma_semaphore, #tpu.memory_space<semaphore_mem>>) src(%arg21 : memref<640xf32, #tpu.memory_space<vmem>>) dst(%dma_wait3A_222 : memref<640xf32, #tpu.memory_space<vmem_shared>>)
      tpu.yield
    }) : () -> ()
    %dma_wait3A = arith.constant 0 : i32
    %dma_wait3A_85 = arith.constant 0 : i32
    %dma_wait3A_86 = tpu.memref_slice %arg12[%dma_wait3A_85] : memref<5008xi32, #tpu.memory_space<vmem>> -> memref<5000xi32, #tpu.memory_space<vmem>>
    %dma_wait3A_87 = tpu.memref_slice %arg2[%mul3A_2] : memref<160000xi32, #tpu.memory_space<hbm>> -> memref<5000xi32, #tpu.memory_space<hbm>>
    %dma_wait3A_88 = tpu.memref_slice %arg24[%dma_wait3A] : memref<8x!tpu.dma_semaphore, #tpu.memory_space<semaphore_mem>> -> memref<1x!tpu.dma_semaphore, #tpu.memory_space<semaphore_mem>>
    %dma_wait3A_89 = tpu.memref_squeeze %dma_wait3A_88 : memref<1x!tpu.dma_semaphore, #tpu.memory_space<semaphore_mem>> -> memref<!tpu.dma_semaphore, #tpu.memory_space<semaphore_mem>>
    %dma_wait3A_90 = arith.constant 0 : i32
    %dma_wait3A_91 = tpu.memref_slice %arg12[%dma_wait3A_90] : memref<5008xi32, #tpu.memory_space<vmem>> -> memref<5000xi32, #tpu.memory_space<vmem>>
    %dma_wait3A_92 = tpu.memref_slice %arg2[%mul3A_2] : memref<160000xi32, #tpu.memory_space<hbm>> -> memref<5000xi32, #tpu.memory_space<hbm>>
    tpu.wait_dma2 semaphore(%dma_wait3A_89 : memref<!tpu.dma_semaphore, #tpu.memory_space<semaphore_mem>>) src(%dma_wait3A_92 : memref<5000xi32, #tpu.memory_space<hbm>>) dst(%dma_wait3A_91 : memref<5000xi32, #tpu.memory_space<vmem>>)
    %dma_wait3A_93 = arith.constant 1 : i32
    %dma_wait3A_94 = arith.constant 0 : i32
    %dma_wait3A_95 = tpu.memref_slice %arg13[%dma_wait3A_94] : memref<5008xi32, #tpu.memory_space<vmem>> -> memref<5000xi32, #tpu.memory_space<vmem>>
    %dma_wait3A_96 = tpu.memref_slice %arg3[%mul3A_2] : memref<160000xi32, #tpu.memory_space<hbm>> -> memref<5000xi32, #tpu.memory_space<hbm>>
    %dma_wait3A_97 = tpu.memref_slice %arg24[%dma_wait3A_93] : memref<8x!tpu.dma_semaphore, #tpu.memory_space<semaphore_mem>> -> memref<1x!tpu.dma_semaphore, #tpu.memory_space<semaphore_mem>>
    %dma_wait3A_98 = tpu.memref_squeeze %dma_wait3A_97 : memref<1x!tpu.dma_semaphore, #tpu.memory_space<semaphore_mem>> -> memref<!tpu.dma_semaphore, #tpu.memory_space<semaphore_mem>>
    %dma_wait3A_99 = arith.constant 0 : i32
    %dma_wait3A_100 = tpu.memref_slice %arg13[%dma_wait3A_99] : memref<5008xi32, #tpu.memory_space<vmem>> -> memref<5000xi32, #tpu.memory_space<vmem>>
    %dma_wait3A_101 = tpu.memref_slice %arg3[%mul3A_2] : memref<160000xi32, #tpu.memory_space<hbm>> -> memref<5000xi32, #tpu.memory_space<hbm>>
    tpu.wait_dma2 semaphore(%dma_wait3A_98 : memref<!tpu.dma_semaphore, #tpu.memory_space<semaphore_mem>>) src(%dma_wait3A_101 : memref<5000xi32, #tpu.memory_space<hbm>>) dst(%dma_wait3A_100 : memref<5000xi32, #tpu.memory_space<vmem>>)
    %dma_wait3A_102 = arith.constant 2 : i32
    %dma_wait3A_103 = arith.constant 0 : i32
    %dma_wait3A_104 = tpu.memref_slice %arg14[%dma_wait3A_103] : memref<5008xi32, #tpu.memory_space<vmem>> -> memref<5000xi32, #tpu.memory_space<vmem>>
    %dma_wait3A_105 = tpu.memref_slice %arg4[%mul3A_2] : memref<160000xi32, #tpu.memory_space<hbm>> -> memref<5000xi32, #tpu.memory_space<hbm>>
    %dma_wait3A_106 = tpu.memref_slice %arg24[%dma_wait3A_102] : memref<8x!tpu.dma_semaphore, #tpu.memory_space<semaphore_mem>> -> memref<1x!tpu.dma_semaphore, #tpu.memory_space<semaphore_mem>>
    %dma_wait3A_107 = tpu.memref_squeeze %dma_wait3A_106 : memref<1x!tpu.dma_semaphore, #tpu.memory_space<semaphore_mem>> -> memref<!tpu.dma_semaphore, #tpu.memory_space<semaphore_mem>>
    %dma_wait3A_108 = arith.constant 0 : i32
    %dma_wait3A_109 = tpu.memref_slice %arg14[%dma_wait3A_108] : memref<5008xi32, #tpu.memory_space<vmem>> -> memref<5000xi32, #tpu.memory_space<vmem>>
    %dma_wait3A_110 = tpu.memref_slice %arg4[%mul3A_2] : memref<160000xi32, #tpu.memory_space<hbm>> -> memref<5000xi32, #tpu.memory_space<hbm>>
    tpu.wait_dma2 semaphore(%dma_wait3A_107 : memref<!tpu.dma_semaphore, #tpu.memory_space<semaphore_mem>>) src(%dma_wait3A_110 : memref<5000xi32, #tpu.memory_space<hbm>>) dst(%dma_wait3A_109 : memref<5000xi32, #tpu.memory_space<vmem>>)
    %dma_wait3A_111 = arith.constant 3 : i32
    %dma_wait3A_112 = arith.constant 0 : i32
    %dma_wait3A_113 = tpu.memref_slice %arg15[%dma_wait3A_112] : memref<5008xf32, #tpu.memory_space<vmem>> -> memref<5000xf32, #tpu.memory_space<vmem>>
    %dma_wait3A_114 = tpu.memref_slice %arg8[%mul3A_2] : memref<160000xf32, #tpu.memory_space<hbm>> -> memref<5000xf32, #tpu.memory_space<hbm>>
    %dma_wait3A_115 = tpu.memref_slice %arg24[%dma_wait3A_111] : memref<8x!tpu.dma_semaphore, #tpu.memory_space<semaphore_mem>> -> memref<1x!tpu.dma_semaphore, #tpu.memory_space<semaphore_mem>>
    %dma_wait3A_116 = tpu.memref_squeeze %dma_wait3A_115 : memref<1x!tpu.dma_semaphore, #tpu.memory_space<semaphore_mem>> -> memref<!tpu.dma_semaphore, #tpu.memory_space<semaphore_mem>>
    %dma_wait3A_117 = arith.constant 0 : i32
    %dma_wait3A_118 = tpu.memref_slice %arg15[%dma_wait3A_117] : memref<5008xf32, #tpu.memory_space<vmem>> -> memref<5000xf32, #tpu.memory_space<vmem>>
    %dma_wait3A_119 = tpu.memref_slice %arg8[%mul3A_2] : memref<160000xf32, #tpu.memory_space<hbm>> -> memref<5000xf32, #tpu.memory_space<hbm>>
    tpu.wait_dma2 semaphore(%dma_wait3A_116 : memref<!tpu.dma_semaphore, #tpu.memory_space<semaphore_mem>>) src(%dma_wait3A_119 : memref<5000xf32, #tpu.memory_space<hbm>>) dst(%dma_wait3A_118 : memref<5000xf32, #tpu.memory_space<vmem>>)
    %dma_wait3A_120 = arith.constant 4 : i32
    %dma_wait3A_121 = arith.constant 0 : i32
    %dma_wait3A_122 = tpu.memref_slice %arg16[%dma_wait3A_121] : memref<10240xf32, #tpu.memory_space<vmem>> -> memref<10000xf32, #tpu.memory_space<vmem>>
    %dma_wait3A_123 = tpu.memref_slice %arg24[%dma_wait3A_120] : memref<8x!tpu.dma_semaphore, #tpu.memory_space<semaphore_mem>> -> memref<1x!tpu.dma_semaphore, #tpu.memory_space<semaphore_mem>>
    %dma_wait3A_124 = tpu.memref_squeeze %dma_wait3A_123 : memref<1x!tpu.dma_semaphore, #tpu.memory_space<semaphore_mem>> -> memref<!tpu.dma_semaphore, #tpu.memory_space<semaphore_mem>>
    %dma_wait3A_125 = arith.constant 0 : i32
    %dma_wait3A_126 = tpu.memref_slice %arg16[%dma_wait3A_125] : memref<10240xf32, #tpu.memory_space<vmem>> -> memref<10000xf32, #tpu.memory_space<vmem>>
    tpu.wait_dma2 semaphore(%dma_wait3A_124 : memref<!tpu.dma_semaphore, #tpu.memory_space<semaphore_mem>>) src(%arg5 : memref<10000xf32, #tpu.memory_space<hbm>>) dst(%dma_wait3A_126 : memref<10000xf32, #tpu.memory_space<vmem>>)
    %dma_wait3A_127 = arith.constant 5 : i32
    %dma_wait3A_128 = arith.constant 0 : i32
    %dma_wait3A_129 = tpu.memref_slice %arg17[%dma_wait3A_128] : memref<10240xf32, #tpu.memory_space<vmem>> -> memref<10000xf32, #tpu.memory_space<vmem>>
    %dma_wait3A_130 = tpu.memref_slice %arg24[%dma_wait3A_127] : memref<8x!tpu.dma_semaphore, #tpu.memory_space<semaphore_mem>> -> memref<1x!tpu.dma_semaphore, #tpu.memory_space<semaphore_mem>>
    %dma_wait3A_131 = tpu.memref_squeeze %dma_wait3A_130 : memref<1x!tpu.dma_semaphore, #tpu.memory_space<semaphore_mem>> -> memref<!tpu.dma_semaphore, #tpu.memory_space<semaphore_mem>>
    %dma_wait3A_132 = arith.constant 0 : i32
    %dma_wait3A_133 = tpu.memref_slice %arg17[%dma_wait3A_132] : memref<10240xf32, #tpu.memory_space<vmem>> -> memref<10000xf32, #tpu.memory_space<vmem>>
    tpu.wait_dma2 semaphore(%dma_wait3A_131 : memref<!tpu.dma_semaphore, #tpu.memory_space<semaphore_mem>>) src(%arg6 : memref<10000xf32, #tpu.memory_space<hbm>>) dst(%dma_wait3A_133 : memref<10000xf32, #tpu.memory_space<vmem>>)
    %dma_wait3A_134 = arith.constant 6 : i32
    %dma_wait3A_135 = arith.constant 0 : i32
    %dma_wait3A_136 = tpu.memref_slice %arg18[%dma_wait3A_135] : memref<10240xf32, #tpu.memory_space<vmem>> -> memref<10000xf32, #tpu.memory_space<vmem>>
    %dma_wait3A_137 = tpu.memref_slice %arg24[%dma_wait3A_134] : memref<8x!tpu.dma_semaphore, #tpu.memory_space<semaphore_mem>> -> memref<1x!tpu.dma_semaphore, #tpu.memory_space<semaphore_mem>>
    %dma_wait3A_138 = tpu.memref_squeeze %dma_wait3A_137 : memref<1x!tpu.dma_semaphore, #tpu.memory_space<semaphore_mem>> -> memref<!tpu.dma_semaphore, #tpu.memory_space<semaphore_mem>>
    %dma_wait3A_139 = arith.constant 0 : i32
    %dma_wait3A_140 = tpu.memref_slice %arg18[%dma_wait3A_139] : memref<10240xf32, #tpu.memory_space<vmem>> -> memref<10000xf32, #tpu.memory_space<vmem>>
    tpu.wait_dma2 semaphore(%dma_wait3A_138 : memref<!tpu.dma_semaphore, #tpu.memory_space<semaphore_mem>>) src(%arg7 : memref<10000xf32, #tpu.memory_space<hbm>>) dst(%dma_wait3A_140 : memref<10000xf32, #tpu.memory_space<vmem>>)
    %scan3A_141 = arith.constant 0 : i32
    %scan3A_142 = arith.constant 0 : i32
    %scan3A_143 = arith.constant 312 : i32
    %scan3A_144 = arith.addi %scan3A_142, %scan3A_143 : i32
    %scan3A_145 = arith.constant 1 : i32
    %scan3A_146 = scf.for %scan3A_219 = %scan3A_142 to %scan3A_144 step %scan3A_145 iter_args(%scan3A_220 = %scan3A_141) -> (i32)  : i32 {
      %mul3A_221 = arith.constant 16 : i32
      %mul3A_222 = arith.muli %scan3A_219, %mul3A_221 : i32
      %get3A_223 = arith.index_cast %mul3A_222 : i32 to index
      %get3A_224 = tpu.vector_load %arg12[%get3A_223] {strides = array<i32>} : memref<5008xi32, #tpu.memory_space<vmem>>, vector<16xi32>,
      %get3A_225 = arith.index_cast %mul3A_222 : i32 to index
      %get3A_226 = tpu.vector_load %arg13[%get3A_225] {strides = array<i32>} : memref<5008xi32, #tpu.memory_space<vmem>>, vector<16xi32>,
      %get3A_227 = arith.index_cast %mul3A_222 : i32 to index
      %get3A_228 = tpu.vector_load %arg14[%get3A_227] {strides = array<i32>} : memref<5008xi32, #tpu.memory_space<vmem>>, vector<16xi32>,
      %get3A_229 = arith.index_cast %mul3A_222 : i32 to index
      %get3A_230 = tpu.vector_load %arg15[%get3A_229] {strides = array<i32>} : memref<5008xf32, #tpu.memory_space<vmem>>, vector<16xf32>,
      %gather3A_231 = tpu.vector_load_idx %arg16[%get3A_224] : memref<10240xf32, #tpu.memory_space<vmem>>[vector<16xi32>], vector<16xf32>,
      %gather3A_232 = tpu.vector_load_idx %arg17[%get3A_226] : memref<10240xf32, #tpu.memory_space<vmem>>[vector<16xi32>], vector<16xf32>,
      %add3A_233 = arith.addf %gather3A_231, %gather3A_232 : vector<16xf32>
      %gather3A_234 = tpu.vector_load_idx %arg18[%get3A_228] : memref<10240xf32, #tpu.memory_space<vmem>>[vector<16xi32>], vector<16xf32>,
      %add3A_235 = arith.addf %add3A_233, %gather3A_234 : vector<16xf32>
      %add3A_236 = arith.addf %add3A_235, %get3A_230 : vector<16xf32>
      %ge3A_237 = arith.constant 0.000000e+00 : f32
      %ge3A_238 = vector.broadcast %ge3A_237 : f32 to vector<16xf32>
      %ge3A_239 = arith.cmpf oge, %add3A_236, %ge3A_238 : vector<16xf32>
      %mul3A_240 = arith.constant 2.000000e-01 : f32
      %mul3A_241 = vector.broadcast %mul3A_240 : f32 to vector<16xf32>
      %mul3A_242 = arith.mulf %mul3A_241, %add3A_236 : vector<16xf32>
      %select_n3A_243 = arith.select %ge3A_239, %add3A_236, %mul3A_242 : vector<16xi1>, vector<16xf32>
      %jit3A_244 = arith.constant -2.000000e+00 : f32
      %jit3A_245 = arith.constant 2.000000e+00 : f32
      %max3A_246 = vector.broadcast %jit3A_244 : f32 to vector<16xf32>
      %max3A_247 = arith.maximumf %max3A_246, %select_n3A_243 : vector<16xf32>
      %min3A_248 = vector.broadcast %jit3A_245 : f32 to vector<16xf32>
      %min3A_249 = arith.minimumf %min3A_248, %max3A_247 : vector<16xf32>
      %exp3A_250 = math.exp %min3A_249 : vector<16xf32>
      %swap3A_251 = arith.index_cast %mul3A_222 : i32 to index
      %swap3A_252 = tpu.vector_load %arg19[%swap3A_251] {strides = array<i32>} : memref<5008xf32, #tpu.memory_space<vmem>>, vector<16xf32>,
      tpu.vector_store %arg19[%swap3A_251], %exp3A_250 {strides = array<i32>} : memref<5008xf32, #tpu.memory_space<vmem>>, vector<16xf32>,
      %scan3A_253 = arith.constant 0 : i32
      scf.yield %scan3A_253 : i32
    }
    %scan3A_147 = arith.constant 312 : i32
    %get3A = arith.constant 4992 : index
    %get3A_148 = tpu.vector_load %arg12[%get3A] {strides = array<i32>} : memref<5008xi32, #tpu.memory_space<vmem>>, vector<16xi32>,
    %jit3A_149 = arith.constant 0 : i32
    %broadcast_in_dim3A_150 = vector.broadcast %jit3A_149 : i32 to vector<16xi32>
    %select_n3A_151 = arith.select %lt3A_63, %get3A_148, %broadcast_in_dim3A_150 : vector<16xi1>, vector<16xi32>
    %get3A_152 = arith.constant 4992 : index
    %get3A_153 = tpu.vector_load %arg13[%get3A_152] {strides = array<i32>} : memref<5008xi32, #tpu.memory_space<vmem>>, vector<16xi32>,
    %jit3A_154 = arith.constant 0 : i32
    %broadcast_in_dim3A_155 = vector.broadcast %jit3A_154 : i32 to vector<16xi32>
    %select_n3A_156 = arith.select %lt3A_63, %get3A_153, %broadcast_in_dim3A_155 : vector<16xi1>, vector<16xi32>
    %get3A_157 = arith.constant 4992 : index
    %get3A_158 = tpu.vector_load %arg14[%get3A_157] {strides = array<i32>} : memref<5008xi32, #tpu.memory_space<vmem>>, vector<16xi32>,
    %jit3A_159 = arith.constant 0 : i32
    %broadcast_in_dim3A_160 = vector.broadcast %jit3A_159 : i32 to vector<16xi32>
    %select_n3A_161 = arith.select %lt3A_63, %get3A_158, %broadcast_in_dim3A_160 : vector<16xi1>, vector<16xi32>
    %get3A_162 = arith.constant 4992 : index
    %get3A_163 = tpu.vector_load %arg15[%get3A_162] {strides = array<i32>} : memref<5008xf32, #tpu.memory_space<vmem>>, vector<16xf32>,
    %gather3A = tpu.vector_load_idx %arg16[%select_n3A_151] : memref<10240xf32, #tpu.memory_space<vmem>>[vector<16xi32>], vector<16xf32>,
    %gather3A_164 = tpu.vector_load_idx %arg17[%select_n3A_156] : memref<10240xf32, #tpu.memory_space<vmem>>[vector<16xi32>], vector<16xf32>,
    %add3A_165 = arith.addf %gather3A, %gather3A_164 : vector<16xf32>
    %gather3A_166 = tpu.vector_load_idx %arg18[%select_n3A_161] : memref<10240xf32, #tpu.memory_space<vmem>>[vector<16xi32>], vector<16xf32>,
    %add3A_167 = arith.addf %add3A_165, %gather3A_166 : vector<16xf32>
    %add3A_168 = arith.addf %add3A_167, %get3A_163 : vector<16xf32>
    %ge3A = arith.constant 0.000000e+00 : f32
    %ge3A_169 = vector.broadcast %ge3A : f32 to vector<16xf32>
    %ge3A_170 = arith.cmpf oge, %add3A_168, %ge3A_169 : vector<16xf32>
    %mul3A_171 = arith.constant 2.000000e-01 : f32
    %mul3A_172 = vector.broadcast %mul3A_171 : f32 to vector<16xf32>
    %mul3A_173 = arith.mulf %mul3A_172, %add3A_168 : vector<16xf32>
    %select_n3A_174 = arith.select %ge3A_170, %add3A_168, %mul3A_173 : vector<16xi1>, vector<16xf32>
    %jit3A_175 = arith.constant -2.000000e+00 : f32
    %jit3A_176 = arith.constant 2.000000e+00 : f32
    %max3A = vector.broadcast %jit3A_175 : f32 to vector<16xf32>
    %max3A_177 = arith.maximumf %max3A, %select_n3A_174 : vector<16xf32>
    %min3A = vector.broadcast %jit3A_176 : f32 to vector<16xf32>
    %min3A_178 = arith.minimumf %min3A, %max3A_177 : vector<16xf32>
    %exp3A = math.exp %min3A_178 : vector<16xf32>
    %swap3A_179 = arith.constant 4992 : index
    %swap3A_180 = tpu.vector_load %arg19[%swap3A_179] {strides = array<i32>} : memref<5008xf32, #tpu.memory_space<vmem>>, vector<16xf32>,
    tpu.vector_store %arg19[%swap3A_179], %exp3A {strides = array<i32>} : memref<5008xf32, #tpu.memory_space<vmem>>, vector<16xf32>,
    %jit3A_181 = arith.constant 10000 : i32
    %broadcast_in_dim3A_182 = vector.broadcast %jit3A_181 : i32 to vector<16xi32>
    %select_n3A_183 = arith.select %lt3A_63, %select_n3A_151, %broadcast_in_dim3A_182 : vector<16xi1>, vector<16xi32>
    %swap3A_184 = arith.constant 4992 : index
    %swap3A_185 = tpu.vector_load %arg12[%swap3A_184] {strides = array<i32>} : memref<5008xi32, #tpu.memory_space<vmem>>, vector<16xi32>,
    tpu.vector_store %arg12[%swap3A_184], %select_n3A_183 {strides = array<i32>} : memref<5008xi32, #tpu.memory_space<vmem>>, vector<16xi32>,
    %dma_start3A_186 = arith.constant 7 : i32
    %dma_start3A_187 = arith.constant 0 : i32
    %dma_start3A_188 = tpu.memref_slice %arg19[%dma_start3A_187] : memref<5008xf32, #tpu.memory_space<vmem>> -> memref<5000xf32, #tpu.memory_space<vmem>>
    %dma_start3A_189 = tpu.memref_slice %arg9[%mul3A_2] : memref<160000xf32, #tpu.memory_space<hbm>> -> memref<5000xf32, #tpu.memory_space<hbm>>
    %dma_start3A_190 = tpu.memref_slice %arg24[%dma_start3A_186] : memref<8x!tpu.dma_semaphore, #tpu.memory_space<semaphore_mem>> -> memref<1x!tpu.dma_semaphore, #tpu.memory_space<semaphore_mem>>
    %dma_start3A_191 = tpu.memref_squeeze %dma_start3A_190 : memref<1x!tpu.dma_semaphore, #tpu.memory_space<semaphore_mem>> -> memref<!tpu.dma_semaphore, #tpu.memory_space<semaphore_mem>>
    %dma_start3A_192 = tpu.memref_slice %arg9[%mul3A_2] : memref<160000xf32, #tpu.memory_space<hbm>> -> memref<5000xf32, #tpu.memory_space<hbm>>
    %dma_start3A_193 = arith.constant 0 : i32
    %dma_start3A_194 = tpu.memref_slice %arg19[%dma_start3A_193] : memref<5008xf32, #tpu.memory_space<vmem>> -> memref<5000xf32, #tpu.memory_space<vmem>>
    tpu.enqueue_dma source(%dma_start3A_194 : memref<5000xf32, #tpu.memory_space<vmem>>) target(%dma_start3A_192 : memref<5000xf32, #tpu.memory_space<hbm>>) target_semaphore(%dma_start3A_191 : memref<!tpu.dma_semaphore, #tpu.memory_space<semaphore_mem>>)
    %barrier3A = arith.constant 0 : index
    tpu.barrier barrier_id(%barrier3A)
    "tpu.region"() ({
      %run_scoped3A = tpu.sem_alloc : memref<!tpu.dma_semaphore, #tpu.memory_space<semaphore_mem>>
      %dma_start3A_219 = arith.constant 0 : i32
      %dma_start3A_220 = tpu.memref_slice %arg22[%dma_start3A_219] : memref<10240xf32, #tpu.memory_space<vmem_shared>> -> memref<10240xf32, #tpu.memory_space<vmem_shared>>
      tpu.enqueue_indirect_dma source(%arg20 : memref<5008xf32, #tpu.memory_space<vmem>>) target(%dma_start3A_220 : memref<10240xf32, #tpu.memory_space<vmem_shared>>) offsets(%arg12 : memref<5008xi32, #tpu.memory_space<vmem>>) semaphore(%run_scoped3A : memref<!tpu.dma_semaphore, #tpu.memory_space<semaphore_mem>>) {add = true}
      %dma_wait3A_221 = arith.constant 0 : i32
      %dma_wait3A_222 = tpu.memref_slice %arg22[%dma_wait3A_221] : memref<10240xf32, #tpu.memory_space<vmem_shared>> -> memref<10240xf32, #tpu.memory_space<vmem_shared>>
      tpu.wait_indirect_dma semaphore(%run_scoped3A : memref<!tpu.dma_semaphore, #tpu.memory_space<semaphore_mem>>) src(%arg20 : memref<5008xf32, #tpu.memory_space<vmem>>) dst(%dma_wait3A_222 : memref<10240xf32, #tpu.memory_space<vmem_shared>>)
      tpu.yield
    }) : () -> ()
    "tpu.region"() ({
      %run_scoped3A = tpu.sem_alloc : memref<!tpu.dma_semaphore, #tpu.memory_space<semaphore_mem>>
      %dma_start3A_219 = arith.constant 0 : i32
      %dma_start3A_220 = tpu.memref_slice %arg23[%dma_start3A_219] : memref<10240xf32, #tpu.memory_space<vmem_shared>> -> memref<10240xf32, #tpu.memory_space<vmem_shared>>
      tpu.enqueue_indirect_dma source(%arg19 : memref<5008xf32, #tpu.memory_space<vmem>>) target(%dma_start3A_220 : memref<10240xf32, #tpu.memory_space<vmem_shared>>) offsets(%arg12 : memref<5008xi32, #tpu.memory_space<vmem>>) semaphore(%run_scoped3A : memref<!tpu.dma_semaphore, #tpu.memory_space<semaphore_mem>>) {add = true}
      %dma_wait3A_221 = arith.constant 0 : i32
      %dma_wait3A_222 = tpu.memref_slice %arg23[%dma_wait3A_221] : memref<10240xf32, #tpu.memory_space<vmem_shared>> -> memref<10240xf32, #tpu.memory_space<vmem_shared>>
      tpu.wait_indirect_dma semaphore(%run_scoped3A : memref<!tpu.dma_semaphore, #tpu.memory_space<semaphore_mem>>) src(%arg19 : memref<5008xf32, #tpu.memory_space<vmem>>) dst(%dma_wait3A_222 : memref<10240xf32, #tpu.memory_space<vmem_shared>>)
      tpu.yield
    }) : () -> ()
    %barrier3A_195 = arith.constant 0 : index
    tpu.barrier barrier_id(%barrier3A_195)
    %mul3A_196 = arith.constant 640 : i32
    %mul3A_197 = arith.muli %arg1, %mul3A_196 : i32
    %mul3A_198 = arith.constant 10240 : i32
    %mul3A_199 = arith.muli %arg0, %mul3A_198 : i32
    %mul3A_200 = arith.constant 640 : i32
    %mul3A_201 = arith.muli %arg1, %mul3A_200 : i32
    %add3A_202 = arith.addi %mul3A_199, %mul3A_201 : i32
    "tpu.region"() ({
      %run_scoped3A = tpu.sem_alloc : memref<!tpu.dma_semaphore, #tpu.memory_space<semaphore_mem>>
      %dma_start3A_219 = tpu.memref_slice %arg10[%add3A_202] : memref<20480xf32, #tpu.memory_space<hbm>> -> memref<640xf32, #tpu.memory_space<hbm>>
      %dma_start3A_220 = tpu.memref_slice %arg22[%mul3A_197] : memref<10240xf32, #tpu.memory_space<vmem_shared>> -> memref<640xf32, #tpu.memory_space<vmem_shared>>
      tpu.enqueue_dma source(%dma_start3A_220 : memref<640xf32, #tpu.memory_space<vmem_shared>>) target(%dma_start3A_219 : memref<640xf32, #tpu.memory_space<hbm>>) target_semaphore(%run_scoped3A : memref<!tpu.dma_semaphore, #tpu.memory_space<semaphore_mem>>)
      %dma_wait3A_221 = tpu.memref_slice %arg10[%add3A_202] : memref<20480xf32, #tpu.memory_space<hbm>> -> memref<640xf32, #tpu.memory_space<hbm>>
      %dma_wait3A_222 = tpu.memref_slice %arg22[%mul3A_197] : memref<10240xf32, #tpu.memory_space<vmem_shared>> -> memref<640xf32, #tpu.memory_space<vmem_shared>>
      tpu.wait_dma2 semaphore(%run_scoped3A : memref<!tpu.dma_semaphore, #tpu.memory_space<semaphore_mem>>) src(%dma_wait3A_222 : memref<640xf32, #tpu.memory_space<vmem_shared>>) dst(%dma_wait3A_221 : memref<640xf32, #tpu.memory_space<hbm>>)
      tpu.yield
    }) : () -> ()
    %mul3A_203 = arith.constant 640 : i32
    %mul3A_204 = arith.muli %arg1, %mul3A_203 : i32
    %mul3A_205 = arith.constant 10240 : i32
    %mul3A_206 = arith.muli %arg0, %mul3A_205 : i32
    %mul3A_207 = arith.constant 640 : i32
    %mul3A_208 = arith.muli %arg1, %mul3A_207 : i32
    %add3A_209 = arith.addi %mul3A_206, %mul3A_208 : i32
    "tpu.region"() ({
      %run_scoped3A = tpu.sem_alloc : memref<!tpu.dma_semaphore, #tpu.memory_space<semaphore_mem>>
      %dma_start3A_219 = tpu.memref_slice %arg11[%add3A_209] : memref<20480xf32, #tpu.memory_space<hbm>> -> memref<640xf32, #tpu.memory_space<hbm>>
      %dma_start3A_220 = tpu.memref_slice %arg23[%mul3A_204] : memref<10240xf32, #tpu.memory_space<vmem_shared>> -> memref<640xf32, #tpu.memory_space<vmem_shared>>
      tpu.enqueue_dma source(%dma_start3A_220 : memref<640xf32, #tpu.memory_space<vmem_shared>>) target(%dma_start3A_219 : memref<640xf32, #tpu.memory_space<hbm>>) target_semaphore(%run_scoped3A : memref<!tpu.dma_semaphore, #tpu.memory_space<semaphore_mem>>)
      %dma_wait3A_221 = tpu.memref_slice %arg11[%add3A_209] : memref<20480xf32, #tpu.memory_space<hbm>> -> memref<640xf32, #tpu.memory_space<hbm>>
      %dma_wait3A_222 = tpu.memref_slice %arg23[%mul3A_204] : memref<10240xf32, #tpu.memory_space<vmem_shared>> -> memref<640xf32, #tpu.memory_space<vmem_shared>>
      tpu.wait_dma2 semaphore(%run_scoped3A : memref<!tpu.dma_semaphore, #tpu.memory_space<semaphore_mem>>) src(%dma_wait3A_222 : memref<640xf32, #tpu.memory_space<vmem_shared>>) dst(%dma_wait3A_221 : memref<640xf32, #tpu.memory_space<hbm>>)
      tpu.yield
    }) : () -> ()
    %dma_wait3A_210 = arith.constant 7 : i32
    %dma_wait3A_211 = arith.constant 0 : i32
    %dma_wait3A_212 = tpu.memref_slice %arg19[%dma_wait3A_211] : memref<5008xf32, #tpu.memory_space<vmem>> -> memref<5000xf32, #tpu.memory_space<vmem>>
    %dma_wait3A_213 = tpu.memref_slice %arg9[%mul3A_2] : memref<160000xf32, #tpu.memory_space<hbm>> -> memref<5000xf32, #tpu.memory_space<hbm>>
    %dma_wait3A_214 = tpu.memref_slice %arg24[%dma_wait3A_210] : memref<8x!tpu.dma_semaphore, #tpu.memory_space<semaphore_mem>> -> memref<1x!tpu.dma_semaphore, #tpu.memory_space<semaphore_mem>>
    %dma_wait3A_215 = tpu.memref_squeeze %dma_wait3A_214 : memref<1x!tpu.dma_semaphore, #tpu.memory_space<semaphore_mem>> -> memref<!tpu.dma_semaphore, #tpu.memory_space<semaphore_mem>>
    %dma_wait3A_216 = tpu.memref_slice %arg9[%mul3A_2] : memref<160000xf32, #tpu.memory_space<hbm>> -> memref<5000xf32, #tpu.memory_space<hbm>>
    %dma_wait3A_217 = arith.constant 0 : i32
    %dma_wait3A_218 = tpu.memref_slice %arg19[%dma_wait3A_217] : memref<5008xf32, #tpu.memory_space<vmem>> -> memref<5000xf32, #tpu.memory_space<vmem>>
    tpu.wait_dma2 semaphore(%dma_wait3A_215 : memref<!tpu.dma_semaphore, #tpu.memory_space<semaphore_mem>>) src(%dma_wait3A_218 : memref<5000xf32, #tpu.memory_space<vmem>>) dst(%dma_wait3A_216 : memref<5000xf32, #tpu.memory_space<hbm>>)
    return
  }
}

#map = affine_map<(d0, d1) -> (0)>
#map1 = affine_map<(d0, d1) -> (0, 0)>
module attributes {stable_mosaic.version = 14 : i64} {
  func.func @_scatter_body(%arg0: i32, %arg1: i32, %arg2: memref<20480xf32, #tpu.memory_space<hbm>>, %arg3: memref<20480xf32, #tpu.memory_space<hbm>>, %arg4: memref<160000xf32, #tpu.memory_space<hbm>>, %arg5: memref<160000xi32, #tpu.memory_space<hbm>>, %arg6: memref<160000x16xf32, #tpu.memory_space<hbm>>, %arg7: memref<20480x16xf32, #tpu.memory_space<hbm>>, %arg8: memref<10016xf32, #tpu.memory_space<vmem>>, %arg9: memref<10016xf32, #tpu.memory_space<vmem>>, %arg10: memref<5008xf32, #tpu.memory_space<vmem>>, %arg11: memref<2512xi32, #tpu.memory_space<vmem>>, %arg12: memref<2496xi32, #tpu.memory_space<vmem>>, %arg13: memref<5008x16xf32, #tpu.memory_space<vmem>>, %arg14: memref<10016xf32, #tpu.memory_space<vmem>>, %arg15: memref<32x16xf32, #tpu.memory_space<vmem>>, %arg16: memref<10240x16xf32, #tpu.memory_space<vmem_shared>>, %arg17: memref<8x!tpu.dma_semaphore, #tpu.memory_space<semaphore_mem>>) attributes {dimension_semantics = [#tpu.dimension_semantics<core_parallel>, #tpu.dimension_semantics<subcore_parallel>], iteration_bounds = array<i64: 2, 16>, scalar_prefetch = 0 : i64, scratch_operands = 10 : i64, tpu.core_type = #tpu.core_type<sc_vector_subcore>, window_params = [{transform_indices = #map}, {transform_indices = #map}, {transform_indices = #map}, {transform_indices = #map}, {transform_indices = #map1}, {transform_indices = #map1}]} {
    %mul3A = arith.constant 16 : i32
    %mul3A_0 = arith.muli %arg0, %mul3A : i32
    %add3A = arith.addi %mul3A_0, %arg1 : i32
    %mul3A_1 = arith.constant 5000 : i32
    %mul3A_2 = arith.muli %add3A, %mul3A_1 : i32
    %iota3A = tpu.iota {dimensions = array<i32: 0>} : vector<16xi32>
    %lt3A = arith.constant 8 : i32
    %lt3A_3 = vector.broadcast %lt3A : i32 to vector<16xi32>
    %lt3A_4 = arith.cmpi slt, %iota3A, %lt3A_3 : vector<16xi32>
    %dma_start3A = arith.constant 0 : i32
    %dma_start3A_5 = arith.constant 0 : i32
    %dma_start3A_6 = tpu.memref_slice %arg2[%dma_start3A_5] : memref<20480xf32, #tpu.memory_space<hbm>> -> memref<10016xf32, #tpu.memory_space<hbm>>
    %dma_start3A_7 = tpu.memref_slice %arg17[%dma_start3A] : memref<8x!tpu.dma_semaphore, #tpu.memory_space<semaphore_mem>> -> memref<1x!tpu.dma_semaphore, #tpu.memory_space<semaphore_mem>>
    %dma_start3A_8 = tpu.memref_squeeze %dma_start3A_7 : memref<1x!tpu.dma_semaphore, #tpu.memory_space<semaphore_mem>> -> memref<!tpu.dma_semaphore, #tpu.memory_space<semaphore_mem>>
    %dma_start3A_9 = arith.constant 0 : i32
    %dma_start3A_10 = tpu.memref_slice %arg2[%dma_start3A_9] : memref<20480xf32, #tpu.memory_space<hbm>> -> memref<10016xf32, #tpu.memory_space<hbm>>
    tpu.enqueue_dma source(%dma_start3A_10 : memref<10016xf32, #tpu.memory_space<hbm>>) target(%arg8 : memref<10016xf32, #tpu.memory_space<vmem>>) target_semaphore(%dma_start3A_8 : memref<!tpu.dma_semaphore, #tpu.memory_space<semaphore_mem>>)
    %dma_start3A_11 = arith.constant 1 : i32
    %dma_start3A_12 = arith.constant 10240 : i32
    %dma_start3A_13 = tpu.memref_slice %arg2[%dma_start3A_12] : memref<20480xf32, #tpu.memory_space<hbm>> -> memref<10016xf32, #tpu.memory_space<hbm>>
    %dma_start3A_14 = tpu.memref_slice %arg17[%dma_start3A_11] : memref<8x!tpu.dma_semaphore, #tpu.memory_space<semaphore_mem>> -> memref<1x!tpu.dma_semaphore, #tpu.memory_space<semaphore_mem>>
    %dma_start3A_15 = tpu.memref_squeeze %dma_start3A_14 : memref<1x!tpu.dma_semaphore, #tpu.memory_space<semaphore_mem>> -> memref<!tpu.dma_semaphore, #tpu.memory_space<semaphore_mem>>
    %dma_start3A_16 = arith.constant 10240 : i32
    %dma_start3A_17 = tpu.memref_slice %arg2[%dma_start3A_16] : memref<20480xf32, #tpu.memory_space<hbm>> -> memref<10016xf32, #tpu.memory_space<hbm>>
    tpu.enqueue_dma source(%dma_start3A_17 : memref<10016xf32, #tpu.memory_space<hbm>>) target(%arg9 : memref<10016xf32, #tpu.memory_space<vmem>>) target_semaphore(%dma_start3A_15 : memref<!tpu.dma_semaphore, #tpu.memory_space<semaphore_mem>>)
    %dma_start3A_18 = arith.constant 2 : i32
    %dma_start3A_19 = arith.constant 0 : i32
    %dma_start3A_20 = tpu.memref_slice %arg3[%dma_start3A_19] : memref<20480xf32, #tpu.memory_space<hbm>> -> memref<10016xf32, #tpu.memory_space<hbm>>
    %dma_start3A_21 = tpu.memref_slice %arg17[%dma_start3A_18] : memref<8x!tpu.dma_semaphore, #tpu.memory_space<semaphore_mem>> -> memref<1x!tpu.dma_semaphore, #tpu.memory_space<semaphore_mem>>
    %dma_start3A_22 = tpu.memref_squeeze %dma_start3A_21 : memref<1x!tpu.dma_semaphore, #tpu.memory_space<semaphore_mem>> -> memref<!tpu.dma_semaphore, #tpu.memory_space<semaphore_mem>>
    %dma_start3A_23 = arith.constant 0 : i32
    %dma_start3A_24 = tpu.memref_slice %arg3[%dma_start3A_23] : memref<20480xf32, #tpu.memory_space<hbm>> -> memref<10016xf32, #tpu.memory_space<hbm>>
    tpu.enqueue_dma source(%dma_start3A_24 : memref<10016xf32, #tpu.memory_space<hbm>>) target(%arg14 : memref<10016xf32, #tpu.memory_space<vmem>>) target_semaphore(%dma_start3A_22 : memref<!tpu.dma_semaphore, #tpu.memory_space<semaphore_mem>>)
    %dma_start3A_25 = arith.constant 3 : i32
    %dma_start3A_26 = arith.constant 0 : i32
    %dma_start3A_27 = tpu.memref_slice %arg10[%dma_start3A_26] : memref<5008xf32, #tpu.memory_space<vmem>> -> memref<5000xf32, #tpu.memory_space<vmem>>
    %dma_start3A_28 = tpu.memref_slice %arg4[%mul3A_2] : memref<160000xf32, #tpu.memory_space<hbm>> -> memref<5000xf32, #tpu.memory_space<hbm>>
    %dma_start3A_29 = tpu.memref_slice %arg17[%dma_start3A_25] : memref<8x!tpu.dma_semaphore, #tpu.memory_space<semaphore_mem>> -> memref<1x!tpu.dma_semaphore, #tpu.memory_space<semaphore_mem>>
    %dma_start3A_30 = tpu.memref_squeeze %dma_start3A_29 : memref<1x!tpu.dma_semaphore, #tpu.memory_space<semaphore_mem>> -> memref<!tpu.dma_semaphore, #tpu.memory_space<semaphore_mem>>
    %dma_start3A_31 = arith.constant 0 : i32
    %dma_start3A_32 = tpu.memref_slice %arg10[%dma_start3A_31] : memref<5008xf32, #tpu.memory_space<vmem>> -> memref<5000xf32, #tpu.memory_space<vmem>>
    %dma_start3A_33 = tpu.memref_slice %arg4[%mul3A_2] : memref<160000xf32, #tpu.memory_space<hbm>> -> memref<5000xf32, #tpu.memory_space<hbm>>
    tpu.enqueue_dma source(%dma_start3A_33 : memref<5000xf32, #tpu.memory_space<hbm>>) target(%dma_start3A_32 : memref<5000xf32, #tpu.memory_space<vmem>>) target_semaphore(%dma_start3A_30 : memref<!tpu.dma_semaphore, #tpu.memory_space<semaphore_mem>>)
    %dma_start3A_34 = arith.constant 4 : i32
    %dma_start3A_35 = tpu.memref_slice %arg5[%mul3A_2] : memref<160000xi32, #tpu.memory_space<hbm>> -> memref<2512xi32, #tpu.memory_space<hbm>>
    %dma_start3A_36 = tpu.memref_slice %arg17[%dma_start3A_34] : memref<8x!tpu.dma_semaphore, #tpu.memory_space<semaphore_mem>> -> memref<1x!tpu.dma_semaphore, #tpu.memory_space<semaphore_mem>>
    %dma_start3A_37 = tpu.memref_squeeze %dma_start3A_36 : memref<1x!tpu.dma_semaphore, #tpu.memory_space<semaphore_mem>> -> memref<!tpu.dma_semaphore, #tpu.memory_space<semaphore_mem>>
    %dma_start3A_38 = tpu.memref_slice %arg5[%mul3A_2] : memref<160000xi32, #tpu.memory_space<hbm>> -> memref<2512xi32, #tpu.memory_space<hbm>>
    tpu.enqueue_dma source(%dma_start3A_38 : memref<2512xi32, #tpu.memory_space<hbm>>) target(%arg11 : memref<2512xi32, #tpu.memory_space<vmem>>) target_semaphore(%dma_start3A_37 : memref<!tpu.dma_semaphore, #tpu.memory_space<semaphore_mem>>)
    %add3A_39 = arith.constant 2512 : i32
    %add3A_40 = arith.addi %mul3A_2, %add3A_39 : i32
    %dma_start3A_41 = arith.constant 5 : i32
    %dma_start3A_42 = arith.constant 0 : i32
    %dma_start3A_43 = tpu.memref_slice %arg12[%dma_start3A_42] : memref<2496xi32, #tpu.memory_space<vmem>> -> memref<2488xi32, #tpu.memory_space<vmem>>
    %dma_start3A_44 = tpu.memref_slice %arg5[%add3A_40] : memref<160000xi32, #tpu.memory_space<hbm>> -> memref<2488xi32, #tpu.memory_space<hbm>>
    %dma_start3A_45 = tpu.memref_slice %arg17[%dma_start3A_41] : memref<8x!tpu.dma_semaphore, #tpu.memory_space<semaphore_mem>> -> memref<1x!tpu.dma_semaphore, #tpu.memory_space<semaphore_mem>>
    %dma_start3A_46 = tpu.memref_squeeze %dma_start3A_45 : memref<1x!tpu.dma_semaphore, #tpu.memory_space<semaphore_mem>> -> memref<!tpu.dma_semaphore, #tpu.memory_space<semaphore_mem>>
    %dma_start3A_47 = arith.constant 0 : i32
    %dma_start3A_48 = tpu.memref_slice %arg12[%dma_start3A_47] : memref<2496xi32, #tpu.memory_space<vmem>> -> memref<2488xi32, #tpu.memory_space<vmem>>
    %dma_start3A_49 = tpu.memref_slice %arg5[%add3A_40] : memref<160000xi32, #tpu.memory_space<hbm>> -> memref<2488xi32, #tpu.memory_space<hbm>>
    tpu.enqueue_dma source(%dma_start3A_49 : memref<2488xi32, #tpu.memory_space<hbm>>) target(%dma_start3A_48 : memref<2488xi32, #tpu.memory_space<vmem>>) target_semaphore(%dma_start3A_46 : memref<!tpu.dma_semaphore, #tpu.memory_space<semaphore_mem>>)
    %dma_start3A_50 = arith.constant 6 : i32
    %dma_start3A_51 = arith.constant 0 : i32
    %dma_start3A_52 = arith.constant 0 : i32
    %dma_start3A_53 = tpu.memref_slice %arg13[%dma_start3A_51, %dma_start3A_52] : memref<5008x16xf32, #tpu.memory_space<vmem>> -> memref<5000x16xf32, #tpu.memory_space<vmem>>
    %dma_start3A_54 = arith.constant 0 : i32
    %dma_start3A_55 = tpu.memref_slice %arg6[%mul3A_2, %dma_start3A_54] : memref<160000x16xf32, #tpu.memory_space<hbm>> -> memref<5000x16xf32, #tpu.memory_space<hbm>>
    %dma_start3A_56 = tpu.memref_slice %arg17[%dma_start3A_50] : memref<8x!tpu.dma_semaphore, #tpu.memory_space<semaphore_mem>> -> memref<1x!tpu.dma_semaphore, #tpu.memory_space<semaphore_mem>>
    %dma_start3A_57 = tpu.memref_squeeze %dma_start3A_56 : memref<1x!tpu.dma_semaphore, #tpu.memory_space<semaphore_mem>> -> memref<!tpu.dma_semaphore, #tpu.memory_space<semaphore_mem>>
    %dma_start3A_58 = arith.constant 0 : i32
    %dma_start3A_59 = arith.constant 0 : i32
    %dma_start3A_60 = tpu.memref_slice %arg13[%dma_start3A_58, %dma_start3A_59] : memref<5008x16xf32, #tpu.memory_space<vmem>> -> memref<5000x16xf32, #tpu.memory_space<vmem>>
    %dma_start3A_61 = arith.constant 0 : i32
    %dma_start3A_62 = tpu.memref_slice %arg6[%mul3A_2, %dma_start3A_61] : memref<160000x16xf32, #tpu.memory_space<hbm>> -> memref<5000x16xf32, #tpu.memory_space<hbm>>
    tpu.enqueue_dma source(%dma_start3A_62 : memref<5000x16xf32, #tpu.memory_space<hbm>>) target(%dma_start3A_60 : memref<5000x16xf32, #tpu.memory_space<vmem>>) target_semaphore(%dma_start3A_57 : memref<!tpu.dma_semaphore, #tpu.memory_space<semaphore_mem>>)
    %dma_wait3A = arith.constant 0 : i32
    %dma_wait3A_63 = arith.constant 0 : i32
    %dma_wait3A_64 = tpu.memref_slice %arg2[%dma_wait3A_63] : memref<20480xf32, #tpu.memory_space<hbm>> -> memref<10016xf32, #tpu.memory_space<hbm>>
    %dma_wait3A_65 = tpu.memref_slice %arg17[%dma_wait3A] : memref<8x!tpu.dma_semaphore, #tpu.memory_space<semaphore_mem>> -> memref<1x!tpu.dma_semaphore, #tpu.memory_space<semaphore_mem>>
    %dma_wait3A_66 = tpu.memref_squeeze %dma_wait3A_65 : memref<1x!tpu.dma_semaphore, #tpu.memory_space<semaphore_mem>> -> memref<!tpu.dma_semaphore, #tpu.memory_space<semaphore_mem>>
    %dma_wait3A_67 = arith.constant 0 : i32
    %dma_wait3A_68 = tpu.memref_slice %arg2[%dma_wait3A_67] : memref<20480xf32, #tpu.memory_space<hbm>> -> memref<10016xf32, #tpu.memory_space<hbm>>
    tpu.wait_dma2 semaphore(%dma_wait3A_66 : memref<!tpu.dma_semaphore, #tpu.memory_space<semaphore_mem>>) src(%dma_wait3A_68 : memref<10016xf32, #tpu.memory_space<hbm>>) dst(%arg8 : memref<10016xf32, #tpu.memory_space<vmem>>)
    %dma_wait3A_69 = arith.constant 1 : i32
    %dma_wait3A_70 = arith.constant 10240 : i32
    %dma_wait3A_71 = tpu.memref_slice %arg2[%dma_wait3A_70] : memref<20480xf32, #tpu.memory_space<hbm>> -> memref<10016xf32, #tpu.memory_space<hbm>>
    %dma_wait3A_72 = tpu.memref_slice %arg17[%dma_wait3A_69] : memref<8x!tpu.dma_semaphore, #tpu.memory_space<semaphore_mem>> -> memref<1x!tpu.dma_semaphore, #tpu.memory_space<semaphore_mem>>
    %dma_wait3A_73 = tpu.memref_squeeze %dma_wait3A_72 : memref<1x!tpu.dma_semaphore, #tpu.memory_space<semaphore_mem>> -> memref<!tpu.dma_semaphore, #tpu.memory_space<semaphore_mem>>
    %dma_wait3A_74 = arith.constant 10240 : i32
    %dma_wait3A_75 = tpu.memref_slice %arg2[%dma_wait3A_74] : memref<20480xf32, #tpu.memory_space<hbm>> -> memref<10016xf32, #tpu.memory_space<hbm>>
    tpu.wait_dma2 semaphore(%dma_wait3A_73 : memref<!tpu.dma_semaphore, #tpu.memory_space<semaphore_mem>>) src(%dma_wait3A_75 : memref<10016xf32, #tpu.memory_space<hbm>>) dst(%arg9 : memref<10016xf32, #tpu.memory_space<vmem>>)
    %scan3A = arith.constant 0.000000e+00 : f32
    %scan3A_76 = arith.constant 0 : i32
    %scan3A_77 = arith.constant 626 : i32
    %scan3A_78 = arith.addi %scan3A_76, %scan3A_77 : i32
    %scan3A_79 = arith.constant 1 : i32
    %scan3A_80 = scf.for %scan3A_377 = %scan3A_76 to %scan3A_78 step %scan3A_79 iter_args(%scan3A_378 = %scan3A) -> (f32)  : i32 {
      %mul3A_379 = arith.constant 16 : i32
      %mul3A_380 = arith.muli %scan3A_377, %mul3A_379 : i32
      %get3A_381 = arith.index_cast %mul3A_380 : i32 to index
      %get3A_382 = tpu.vector_load %arg8[%get3A_381] {strides = array<i32>} : memref<10016xf32, #tpu.memory_space<vmem>>, vector<16xf32>,
      %mul3A_383 = arith.constant 16 : i32
      %mul3A_384 = arith.muli %scan3A_377, %mul3A_383 : i32
      %get3A_385 = arith.index_cast %mul3A_384 : i32 to index
      %get3A_386 = tpu.vector_load %arg9[%get3A_385] {strides = array<i32>} : memref<10016xf32, #tpu.memory_space<vmem>>, vector<16xf32>,
      %add3A_387 = arith.addf %get3A_382, %get3A_386 : vector<16xf32>
      %broadcast_in_dim3A_388 = arith.constant true
      %broadcast_in_dim3A_389 = vector.broadcast %broadcast_in_dim3A_388 : i1 to vector<16xi1>
      %masked_cumsum3A = tpu.scan <sum>, %add3A_387 masked %broadcast_in_dim3A_389 : vector<16xf32>, vector<16xi1> -> vector<16xf32>
      %add3A_390 = vector.broadcast %scan3A_378 : f32 to vector<16xf32>
      %add3A_391 = arith.addf %masked_cumsum3A, %add3A_390 : vector<16xf32>
      %mul3A_392 = arith.constant 16 : i32
      %mul3A_393 = arith.muli %scan3A_377, %mul3A_392 : i32
      %swap3A_394 = arith.index_cast %mul3A_393 : i32 to index
      %swap3A_395 = tpu.vector_load %arg8[%swap3A_394] {strides = array<i32>} : memref<10016xf32, #tpu.memory_space<vmem>>, vector<16xf32>,
      tpu.vector_store %arg8[%swap3A_394], %add3A_391 {strides = array<i32>} : memref<10016xf32, #tpu.memory_space<vmem>>, vector<16xf32>,
      %reduce_sum3A = arith.constant true
      %reduce_sum3A_396 = vector.broadcast %reduce_sum3A : i1 to vector<16xi1>
      %reduce_sum3A_397 = tpu.scan <sum>, %add3A_387 masked %reduce_sum3A_396 : vector<16xf32>, vector<16xi1> -> vector<16xf32>
      %reduce_sum3A_398 = vector.extract %reduce_sum3A_397[15] : f32 from vector<16xf32>
      %add3A_399 = arith.addf %scan3A_378, %reduce_sum3A_398 : f32
      scf.yield %add3A_399 : f32
    }
    %scan3A_81 = arith.constant 626 : i32
    "tpu.region"() ({
      %run_scoped3A = tpu.sem_alloc : memref<!tpu.dma_semaphore, #tpu.memory_space<semaphore_mem>>
      %dma_start3A_377 = arith.constant 10240 : i32
      %dma_start3A_378 = tpu.memref_slice %arg3[%dma_start3A_377] : memref<20480xf32, #tpu.memory_space<hbm>> -> memref<10016xf32, #tpu.memory_space<hbm>>
      %dma_start3A_379 = arith.constant 10240 : i32
      %dma_start3A_380 = tpu.memref_slice %arg3[%dma_start3A_379] : memref<20480xf32, #tpu.memory_space<hbm>> -> memref<10016xf32, #tpu.memory_space<hbm>>
      tpu.enqueue_dma source(%dma_start3A_380 : memref<10016xf32, #tpu.memory_space<hbm>>) target(%arg9 : memref<10016xf32, #tpu.memory_space<vmem>>) target_semaphore(%run_scoped3A : memref<!tpu.dma_semaphore, #tpu.memory_space<semaphore_mem>>)
      %dma_wait3A_381 = arith.constant 10240 : i32
      %dma_wait3A_382 = tpu.memref_slice %arg3[%dma_wait3A_381] : memref<20480xf32, #tpu.memory_space<hbm>> -> memref<10016xf32, #tpu.memory_space<hbm>>
      %dma_wait3A_383 = arith.constant 10240 : i32
      %dma_wait3A_384 = tpu.memref_slice %arg3[%dma_wait3A_383] : memref<20480xf32, #tpu.memory_space<hbm>> -> memref<10016xf32, #tpu.memory_space<hbm>>
      tpu.wait_dma2 semaphore(%run_scoped3A : memref<!tpu.dma_semaphore, #tpu.memory_space<semaphore_mem>>) src(%dma_wait3A_384 : memref<10016xf32, #tpu.memory_space<hbm>>) dst(%arg9 : memref<10016xf32, #tpu.memory_space<vmem>>)
      tpu.yield
    }) : () -> ()
    %broadcast_in_dim3A = arith.constant 0.000000e+00 : f32
    %broadcast_in_dim3A_82 = vector.broadcast %broadcast_in_dim3A : f32 to vector<16xf32>
    %scan3A_83 = arith.constant 0 : i32
    %scan3A_84 = arith.constant 0 : i32
    %scan3A_85 = arith.constant 32 : i32
    %scan3A_86 = arith.addi %scan3A_84, %scan3A_85 : i32
    %scan3A_87 = arith.constant 1 : i32
    %scan3A_88 = scf.for %scan3A_377 = %scan3A_84 to %scan3A_86 step %scan3A_87 iter_args(%scan3A_378 = %scan3A_83) -> (i32)  : i32 {
      %swap3A_379 = arith.index_cast %scan3A_377 : i32 to index
      %swap3A_380 = arith.constant 0 : index
      %swap3A_381 = tpu.vector_load %arg15[%swap3A_379, %swap3A_380] {strides = array<i32>} : memref<32x16xf32, #tpu.memory_space<vmem>>, vector<16xf32>,
      tpu.vector_store %arg15[%swap3A_379, %swap3A_380], %broadcast_in_dim3A_82 {strides = array<i32>} : memref<32x16xf32, #tpu.memory_space<vmem>>, vector<16xf32>,
      %scan3A_382 = arith.constant 0 : i32
      scf.yield %scan3A_382 : i32
    }
    %scan3A_89 = arith.constant 32 : i32
    %mul3A_90 = arith.constant 640 : i32
    %mul3A_91 = arith.muli %arg1, %mul3A_90 : i32
    %add3A_92 = arith.constant 0 : i32
    %add3A_93 = arith.addi %mul3A_91, %add3A_92 : i32
    "tpu.region"() ({
      %run_scoped3A = tpu.sem_alloc : memref<!tpu.dma_semaphore, #tpu.memory_space<semaphore_mem>>
      %dma_start3A_377 = arith.constant 0 : i32
      %dma_start3A_378 = tpu.memref_slice %arg16[%add3A_93, %dma_start3A_377] : memref<10240x16xf32, #tpu.memory_space<vmem_shared>> -> memref<32x16xf32, #tpu.memory_space<vmem_shared>>
      %dma_start3A_379 = arith.constant 0 : i32
      %dma_start3A_380 = tpu.memref_slice %arg16[%add3A_93, %dma_start3A_379] : memref<10240x16xf32, #tpu.memory_space<vmem_shared>> -> memref<32x16xf32, #tpu.memory_space<vmem_shared>>
      tpu.enqueue_dma source(%arg15 : memref<32x16xf32, #tpu.memory_space<vmem>>) target(%dma_start3A_380 : memref<32x16xf32, #tpu.memory_space<vmem_shared>>) target_semaphore(%run_scoped3A : memref<!tpu.dma_semaphore, #tpu.memory_space<semaphore_mem>>)
      %dma_wait3A_381 = arith.constant 0 : i32
      %dma_wait3A_382 = tpu.memref_slice %arg16[%add3A_93, %dma_wait3A_381] : memref<10240x16xf32, #tpu.memory_space<vmem_shared>> -> memref<32x16xf32, #tpu.memory_space<vmem_shared>>
      %dma_wait3A_383 = arith.constant 0 : i32
      %dma_wait3A_384 = tpu.memref_slice %arg16[%add3A_93, %dma_wait3A_383] : memref<10240x16xf32, #tpu.memory_space<vmem_shared>> -> memref<32x16xf32, #tpu.memory_space<vmem_shared>>
      tpu.wait_dma2 semaphore(%run_scoped3A : memref<!tpu.dma_semaphore, #tpu.memory_space<semaphore_mem>>) src(%arg15 : memref<32x16xf32, #tpu.memory_space<vmem>>) dst(%dma_wait3A_384 : memref<32x16xf32, #tpu.memory_space<vmem_shared>>)
      tpu.yield
    }) : () -> ()
    %mul3A_94 = arith.constant 640 : i32
    %mul3A_95 = arith.muli %arg1, %mul3A_94 : i32
    %add3A_96 = arith.constant 32 : i32
    %add3A_97 = arith.addi %mul3A_95, %add3A_96 : i32
    "tpu.region"() ({
      %run_scoped3A = tpu.sem_alloc : memref<!tpu.dma_semaphore, #tpu.memory_space<semaphore_mem>>
      %dma_start3A_377 = arith.constant 0 : i32
      %dma_start3A_378 = tpu.memref_slice %arg16[%add3A_97, %dma_start3A_377] : memref<10240x16xf32, #tpu.memory_space<vmem_shared>> -> memref<32x16xf32, #tpu.memory_space<vmem_shared>>
      %dma_start3A_379 = arith.constant 0 : i32
      %dma_start3A_380 = tpu.memref_slice %arg16[%add3A_97, %dma_start3A_379] : memref<10240x16xf32, #tpu.memory_space<vmem_shared>> -> memref<32x16xf32, #tpu.memory_space<vmem_shared>>
      tpu.enqueue_dma source(%arg15 : memref<32x16xf32, #tpu.memory_space<vmem>>) target(%dma_start3A_380 : memref<32x16xf32, #tpu.memory_space<vmem_shared>>) target_semaphore(%run_scoped3A : memref<!tpu.dma_semaphore, #tpu.memory_space<semaphore_mem>>)
      %dma_wait3A_381 = arith.constant 0 : i32
      %dma_wait3A_382 = tpu.memref_slice %arg16[%add3A_97, %dma_wait3A_381] : memref<10240x16xf32, #tpu.memory_space<vmem_shared>> -> memref<32x16xf32, #tpu.memory_space<vmem_shared>>
      %dma_wait3A_383 = arith.constant 0 : i32
      %dma_wait3A_384 = tpu.memref_slice %arg16[%add3A_97, %dma_wait3A_383] : memref<10240x16xf32, #tpu.memory_space<vmem_shared>> -> memref<32x16xf32, #tpu.memory_space<vmem_shared>>
      tpu.wait_dma2 semaphore(%run_scoped3A : memref<!tpu.dma_semaphore, #tpu.memory_space<semaphore_mem>>) src(%arg15 : memref<32x16xf32, #tpu.memory_space<vmem>>) dst(%dma_wait3A_384 : memref<32x16xf32, #tpu.memory_space<vmem_shared>>)
      tpu.yield
    }) : () -> ()
    %mul3A_98 = arith.constant 640 : i32
    %mul3A_99 = arith.muli %arg1, %mul3A_98 : i32
    %add3A_100 = arith.constant 64 : i32
    %add3A_101 = arith.addi %mul3A_99, %add3A_100 : i32
    "tpu.region"() ({
      %run_scoped3A = tpu.sem_alloc : memref<!tpu.dma_semaphore, #tpu.memory_space<semaphore_mem>>
      %dma_start3A_377 = arith.constant 0 : i32
      %dma_start3A_378 = tpu.memref_slice %arg16[%add3A_101, %dma_start3A_377] : memref<10240x16xf32, #tpu.memory_space<vmem_shared>> -> memref<32x16xf32, #tpu.memory_space<vmem_shared>>
      %dma_start3A_379 = arith.constant 0 : i32
      %dma_start3A_380 = tpu.memref_slice %arg16[%add3A_101, %dma_start3A_379] : memref<10240x16xf32, #tpu.memory_space<vmem_shared>> -> memref<32x16xf32, #tpu.memory_space<vmem_shared>>
      tpu.enqueue_dma source(%arg15 : memref<32x16xf32, #tpu.memory_space<vmem>>) target(%dma_start3A_380 : memref<32x16xf32, #tpu.memory_space<vmem_shared>>) target_semaphore(%run_scoped3A : memref<!tpu.dma_semaphore, #tpu.memory_space<semaphore_mem>>)
      %dma_wait3A_381 = arith.constant 0 : i32
      %dma_wait3A_382 = tpu.memref_slice %arg16[%add3A_101, %dma_wait3A_381] : memref<10240x16xf32, #tpu.memory_space<vmem_shared>> -> memref<32x16xf32, #tpu.memory_space<vmem_shared>>
      %dma_wait3A_383 = arith.constant 0 : i32
      %dma_wait3A_384 = tpu.memref_slice %arg16[%add3A_101, %dma_wait3A_383] : memref<10240x16xf32, #tpu.memory_space<vmem_shared>> -> memref<32x16xf32, #tpu.memory_space<vmem_shared>>
      tpu.wait_dma2 semaphore(%run_scoped3A : memref<!tpu.dma_semaphore, #tpu.memory_space<semaphore_mem>>) src(%arg15 : memref<32x16xf32, #tpu.memory_space<vmem>>) dst(%dma_wait3A_384 : memref<32x16xf32, #tpu.memory_space<vmem_shared>>)
      tpu.yield
    }) : () -> ()
    %mul3A_102 = arith.constant 640 : i32
    %mul3A_103 = arith.muli %arg1, %mul3A_102 : i32
    %add3A_104 = arith.constant 96 : i32
    %add3A_105 = arith.addi %mul3A_103, %add3A_104 : i32
    "tpu.region"() ({
      %run_scoped3A = tpu.sem_alloc : memref<!tpu.dma_semaphore, #tpu.memory_space<semaphore_mem>>
      %dma_start3A_377 = arith.constant 0 : i32
      %dma_start3A_378 = tpu.memref_slice %arg16[%add3A_105, %dma_start3A_377] : memref<10240x16xf32, #tpu.memory_space<vmem_shared>> -> memref<32x16xf32, #tpu.memory_space<vmem_shared>>
      %dma_start3A_379 = arith.constant 0 : i32
      %dma_start3A_380 = tpu.memref_slice %arg16[%add3A_105, %dma_start3A_379] : memref<10240x16xf32, #tpu.memory_space<vmem_shared>> -> memref<32x16xf32, #tpu.memory_space<vmem_shared>>
      tpu.enqueue_dma source(%arg15 : memref<32x16xf32, #tpu.memory_space<vmem>>) target(%dma_start3A_380 : memref<32x16xf32, #tpu.memory_space<vmem_shared>>) target_semaphore(%run_scoped3A : memref<!tpu.dma_semaphore, #tpu.memory_space<semaphore_mem>>)
      %dma_wait3A_381 = arith.constant 0 : i32
      %dma_wait3A_382 = tpu.memref_slice %arg16[%add3A_105, %dma_wait3A_381] : memref<10240x16xf32, #tpu.memory_space<vmem_shared>> -> memref<32x16xf32, #tpu.memory_space<vmem_shared>>
      %dma_wait3A_383 = arith.constant 0 : i32
      %dma_wait3A_384 = tpu.memref_slice %arg16[%add3A_105, %dma_wait3A_383] : memref<10240x16xf32, #tpu.memory_space<vmem_shared>> -> memref<32x16xf32, #tpu.memory_space<vmem_shared>>
      tpu.wait_dma2 semaphore(%run_scoped3A : memref<!tpu.dma_semaphore, #tpu.memory_space<semaphore_mem>>) src(%arg15 : memref<32x16xf32, #tpu.memory_space<vmem>>) dst(%dma_wait3A_384 : memref<32x16xf32, #tpu.memory_space<vmem_shared>>)
      tpu.yield
    }) : () -> ()
    %mul3A_106 = arith.constant 640 : i32
    %mul3A_107 = arith.muli %arg1, %mul3A_106 : i32
    %add3A_108 = arith.constant 128 : i32
    %add3A_109 = arith.addi %mul3A_107, %add3A_108 : i32
    "tpu.region"() ({
      %run_scoped3A = tpu.sem_alloc : memref<!tpu.dma_semaphore, #tpu.memory_space<semaphore_mem>>
      %dma_start3A_377 = arith.constant 0 : i32
      %dma_start3A_378 = tpu.memref_slice %arg16[%add3A_109, %dma_start3A_377] : memref<10240x16xf32, #tpu.memory_space<vmem_shared>> -> memref<32x16xf32, #tpu.memory_space<vmem_shared>>
      %dma_start3A_379 = arith.constant 0 : i32
      %dma_start3A_380 = tpu.memref_slice %arg16[%add3A_109, %dma_start3A_379] : memref<10240x16xf32, #tpu.memory_space<vmem_shared>> -> memref<32x16xf32, #tpu.memory_space<vmem_shared>>
      tpu.enqueue_dma source(%arg15 : memref<32x16xf32, #tpu.memory_space<vmem>>) target(%dma_start3A_380 : memref<32x16xf32, #tpu.memory_space<vmem_shared>>) target_semaphore(%run_scoped3A : memref<!tpu.dma_semaphore, #tpu.memory_space<semaphore_mem>>)
      %dma_wait3A_381 = arith.constant 0 : i32
      %dma_wait3A_382 = tpu.memref_slice %arg16[%add3A_109, %dma_wait3A_381] : memref<10240x16xf32, #tpu.memory_space<vmem_shared>> -> memref<32x16xf32, #tpu.memory_space<vmem_shared>>
      %dma_wait3A_383 = arith.constant 0 : i32
      %dma_wait3A_384 = tpu.memref_slice %arg16[%add3A_109, %dma_wait3A_383] : memref<10240x16xf32, #tpu.memory_space<vmem_shared>> -> memref<32x16xf32, #tpu.memory_space<vmem_shared>>
      tpu.wait_dma2 semaphore(%run_scoped3A : memref<!tpu.dma_semaphore, #tpu.memory_space<semaphore_mem>>) src(%arg15 : memref<32x16xf32, #tpu.memory_space<vmem>>) dst(%dma_wait3A_384 : memref<32x16xf32, #tpu.memory_space<vmem_shared>>)
      tpu.yield
    }) : () -> ()
    %mul3A_110 = arith.constant 640 : i32
    %mul3A_111 = arith.muli %arg1, %mul3A_110 : i32
    %add3A_112 = arith.constant 160 : i32
    %add3A_113 = arith.addi %mul3A_111, %add3A_112 : i32
    "tpu.region"() ({
      %run_scoped3A = tpu.sem_alloc : memref<!tpu.dma_semaphore, #tpu.memory_space<semaphore_mem>>
      %dma_start3A_377 = arith.constant 0 : i32
      %dma_start3A_378 = tpu.memref_slice %arg16[%add3A_113, %dma_start3A_377] : memref<10240x16xf32, #tpu.memory_space<vmem_shared>> -> memref<32x16xf32, #tpu.memory_space<vmem_shared>>
      %dma_start3A_379 = arith.constant 0 : i32
      %dma_start3A_380 = tpu.memref_slice %arg16[%add3A_113, %dma_start3A_379] : memref<10240x16xf32, #tpu.memory_space<vmem_shared>> -> memref<32x16xf32, #tpu.memory_space<vmem_shared>>
      tpu.enqueue_dma source(%arg15 : memref<32x16xf32, #tpu.memory_space<vmem>>) target(%dma_start3A_380 : memref<32x16xf32, #tpu.memory_space<vmem_shared>>) target_semaphore(%run_scoped3A : memref<!tpu.dma_semaphore, #tpu.memory_space<semaphore_mem>>)
      %dma_wait3A_381 = arith.constant 0 : i32
      %dma_wait3A_382 = tpu.memref_slice %arg16[%add3A_113, %dma_wait3A_381] : memref<10240x16xf32, #tpu.memory_space<vmem_shared>> -> memref<32x16xf32, #tpu.memory_space<vmem_shared>>
      %dma_wait3A_383 = arith.constant 0 : i32
      %dma_wait3A_384 = tpu.memref_slice %arg16[%add3A_113, %dma_wait3A_383] : memref<10240x16xf32, #tpu.memory_space<vmem_shared>> -> memref<32x16xf32, #tpu.memory_space<vmem_shared>>
      tpu.wait_dma2 semaphore(%run_scoped3A : memref<!tpu.dma_semaphore, #tpu.memory_space<semaphore_mem>>) src(%arg15 : memref<32x16xf32, #tpu.memory_space<vmem>>) dst(%dma_wait3A_384 : memref<32x16xf32, #tpu.memory_space<vmem_shared>>)
      tpu.yield
    }) : () -> ()
    %mul3A_114 = arith.constant 640 : i32
    %mul3A_115 = arith.muli %arg1, %mul3A_114 : i32
    %add3A_116 = arith.constant 192 : i32
    %add3A_117 = arith.addi %mul3A_115, %add3A_116 : i32
    "tpu.region"() ({
      %run_scoped3A = tpu.sem_alloc : memref<!tpu.dma_semaphore, #tpu.memory_space<semaphore_mem>>
      %dma_start3A_377 = arith.constant 0 : i32
      %dma_start3A_378 = tpu.memref_slice %arg16[%add3A_117, %dma_start3A_377] : memref<10240x16xf32, #tpu.memory_space<vmem_shared>> -> memref<32x16xf32, #tpu.memory_space<vmem_shared>>
      %dma_start3A_379 = arith.constant 0 : i32
      %dma_start3A_380 = tpu.memref_slice %arg16[%add3A_117, %dma_start3A_379] : memref<10240x16xf32, #tpu.memory_space<vmem_shared>> -> memref<32x16xf32, #tpu.memory_space<vmem_shared>>
      tpu.enqueue_dma source(%arg15 : memref<32x16xf32, #tpu.memory_space<vmem>>) target(%dma_start3A_380 : memref<32x16xf32, #tpu.memory_space<vmem_shared>>) target_semaphore(%run_scoped3A : memref<!tpu.dma_semaphore, #tpu.memory_space<semaphore_mem>>)
      %dma_wait3A_381 = arith.constant 0 : i32
      %dma_wait3A_382 = tpu.memref_slice %arg16[%add3A_117, %dma_wait3A_381] : memref<10240x16xf32, #tpu.memory_space<vmem_shared>> -> memref<32x16xf32, #tpu.memory_space<vmem_shared>>
      %dma_wait3A_383 = arith.constant 0 : i32
      %dma_wait3A_384 = tpu.memref_slice %arg16[%add3A_117, %dma_wait3A_383] : memref<10240x16xf32, #tpu.memory_space<vmem_shared>> -> memref<32x16xf32, #tpu.memory_space<vmem_shared>>
      tpu.wait_dma2 semaphore(%run_scoped3A : memref<!tpu.dma_semaphore, #tpu.memory_space<semaphore_mem>>) src(%arg15 : memref<32x16xf32, #tpu.memory_space<vmem>>) dst(%dma_wait3A_384 : memref<32x16xf32, #tpu.memory_space<vmem_shared>>)
      tpu.yield
    }) : () -> ()
    %mul3A_118 = arith.constant 640 : i32
    %mul3A_119 = arith.muli %arg1, %mul3A_118 : i32
    %add3A_120 = arith.constant 224 : i32
    %add3A_121 = arith.addi %mul3A_119, %add3A_120 : i32
    "tpu.region"() ({
      %run_scoped3A = tpu.sem_alloc : memref<!tpu.dma_semaphore, #tpu.memory_space<semaphore_mem>>
      %dma_start3A_377 = arith.constant 0 : i32
      %dma_start3A_378 = tpu.memref_slice %arg16[%add3A_121, %dma_start3A_377] : memref<10240x16xf32, #tpu.memory_space<vmem_shared>> -> memref<32x16xf32, #tpu.memory_space<vmem_shared>>
      %dma_start3A_379 = arith.constant 0 : i32
      %dma_start3A_380 = tpu.memref_slice %arg16[%add3A_121, %dma_start3A_379] : memref<10240x16xf32, #tpu.memory_space<vmem_shared>> -> memref<32x16xf32, #tpu.memory_space<vmem_shared>>
      tpu.enqueue_dma source(%arg15 : memref<32x16xf32, #tpu.memory_space<vmem>>) target(%dma_start3A_380 : memref<32x16xf32, #tpu.memory_space<vmem_shared>>) target_semaphore(%run_scoped3A : memref<!tpu.dma_semaphore, #tpu.memory_space<semaphore_mem>>)
      %dma_wait3A_381 = arith.constant 0 : i32
      %dma_wait3A_382 = tpu.memref_slice %arg16[%add3A_121, %dma_wait3A_381] : memref<10240x16xf32, #tpu.memory_space<vmem_shared>> -> memref<32x16xf32, #tpu.memory_space<vmem_shared>>
      %dma_wait3A_383 = arith.constant 0 : i32
      %dma_wait3A_384 = tpu.memref_slice %arg16[%add3A_121, %dma_wait3A_383] : memref<10240x16xf32, #tpu.memory_space<vmem_shared>> -> memref<32x16xf32, #tpu.memory_space<vmem_shared>>
      tpu.wait_dma2 semaphore(%run_scoped3A : memref<!tpu.dma_semaphore, #tpu.memory_space<semaphore_mem>>) src(%arg15 : memref<32x16xf32, #tpu.memory_space<vmem>>) dst(%dma_wait3A_384 : memref<32x16xf32, #tpu.memory_space<vmem_shared>>)
      tpu.yield
    }) : () -> ()
    %mul3A_122 = arith.constant 640 : i32
    %mul3A_123 = arith.muli %arg1, %mul3A_122 : i32
    %add3A_124 = arith.constant 256 : i32
    %add3A_125 = arith.addi %mul3A_123, %add3A_124 : i32
    "tpu.region"() ({
      %run_scoped3A = tpu.sem_alloc : memref<!tpu.dma_semaphore, #tpu.memory_space<semaphore_mem>>
      %dma_start3A_377 = arith.constant 0 : i32
      %dma_start3A_378 = tpu.memref_slice %arg16[%add3A_125, %dma_start3A_377] : memref<10240x16xf32, #tpu.memory_space<vmem_shared>> -> memref<32x16xf32, #tpu.memory_space<vmem_shared>>
      %dma_start3A_379 = arith.constant 0 : i32
      %dma_start3A_380 = tpu.memref_slice %arg16[%add3A_125, %dma_start3A_379] : memref<10240x16xf32, #tpu.memory_space<vmem_shared>> -> memref<32x16xf32, #tpu.memory_space<vmem_shared>>
      tpu.enqueue_dma source(%arg15 : memref<32x16xf32, #tpu.memory_space<vmem>>) target(%dma_start3A_380 : memref<32x16xf32, #tpu.memory_space<vmem_shared>>) target_semaphore(%run_scoped3A : memref<!tpu.dma_semaphore, #tpu.memory_space<semaphore_mem>>)
      %dma_wait3A_381 = arith.constant 0 : i32
      %dma_wait3A_382 = tpu.memref_slice %arg16[%add3A_125, %dma_wait3A_381] : memref<10240x16xf32, #tpu.memory_space<vmem_shared>> -> memref<32x16xf32, #tpu.memory_space<vmem_shared>>
      %dma_wait3A_383 = arith.constant 0 : i32
      %dma_wait3A_384 = tpu.memref_slice %arg16[%add3A_125, %dma_wait3A_383] : memref<10240x16xf32, #tpu.memory_space<vmem_shared>> -> memref<32x16xf32, #tpu.memory_space<vmem_shared>>
      tpu.wait_dma2 semaphore(%run_scoped3A : memref<!tpu.dma_semaphore, #tpu.memory_space<semaphore_mem>>) src(%arg15 : memref<32x16xf32, #tpu.memory_space<vmem>>) dst(%dma_wait3A_384 : memref<32x16xf32, #tpu.memory_space<vmem_shared>>)
      tpu.yield
    }) : () -> ()
    %mul3A_126 = arith.constant 640 : i32
    %mul3A_127 = arith.muli %arg1, %mul3A_126 : i32
    %add3A_128 = arith.constant 288 : i32
    %add3A_129 = arith.addi %mul3A_127, %add3A_128 : i32
    "tpu.region"() ({
      %run_scoped3A = tpu.sem_alloc : memref<!tpu.dma_semaphore, #tpu.memory_space<semaphore_mem>>
      %dma_start3A_377 = arith.constant 0 : i32
      %dma_start3A_378 = tpu.memref_slice %arg16[%add3A_129, %dma_start3A_377] : memref<10240x16xf32, #tpu.memory_space<vmem_shared>> -> memref<32x16xf32, #tpu.memory_space<vmem_shared>>
      %dma_start3A_379 = arith.constant 0 : i32
      %dma_start3A_380 = tpu.memref_slice %arg16[%add3A_129, %dma_start3A_379] : memref<10240x16xf32, #tpu.memory_space<vmem_shared>> -> memref<32x16xf32, #tpu.memory_space<vmem_shared>>
      tpu.enqueue_dma source(%arg15 : memref<32x16xf32, #tpu.memory_space<vmem>>) target(%dma_start3A_380 : memref<32x16xf32, #tpu.memory_space<vmem_shared>>) target_semaphore(%run_scoped3A : memref<!tpu.dma_semaphore, #tpu.memory_space<semaphore_mem>>)
      %dma_wait3A_381 = arith.constant 0 : i32
      %dma_wait3A_382 = tpu.memref_slice %arg16[%add3A_129, %dma_wait3A_381] : memref<10240x16xf32, #tpu.memory_space<vmem_shared>> -> memref<32x16xf32, #tpu.memory_space<vmem_shared>>
      %dma_wait3A_383 = arith.constant 0 : i32
      %dma_wait3A_384 = tpu.memref_slice %arg16[%add3A_129, %dma_wait3A_383] : memref<10240x16xf32, #tpu.memory_space<vmem_shared>> -> memref<32x16xf32, #tpu.memory_space<vmem_shared>>
      tpu.wait_dma2 semaphore(%run_scoped3A : memref<!tpu.dma_semaphore, #tpu.memory_space<semaphore_mem>>) src(%arg15 : memref<32x16xf32, #tpu.memory_space<vmem>>) dst(%dma_wait3A_384 : memref<32x16xf32, #tpu.memory_space<vmem_shared>>)
      tpu.yield
    }) : () -> ()
    %mul3A_130 = arith.constant 640 : i32
    %mul3A_131 = arith.muli %arg1, %mul3A_130 : i32
    %add3A_132 = arith.constant 320 : i32
    %add3A_133 = arith.addi %mul3A_131, %add3A_132 : i32
    "tpu.region"() ({
      %run_scoped3A = tpu.sem_alloc : memref<!tpu.dma_semaphore, #tpu.memory_space<semaphore_mem>>
      %dma_start3A_377 = arith.constant 0 : i32
      %dma_start3A_378 = tpu.memref_slice %arg16[%add3A_133, %dma_start3A_377] : memref<10240x16xf32, #tpu.memory_space<vmem_shared>> -> memref<32x16xf32, #tpu.memory_space<vmem_shared>>
      %dma_start3A_379 = arith.constant 0 : i32
      %dma_start3A_380 = tpu.memref_slice %arg16[%add3A_133, %dma_start3A_379] : memref<10240x16xf32, #tpu.memory_space<vmem_shared>> -> memref<32x16xf32, #tpu.memory_space<vmem_shared>>
      tpu.enqueue_dma source(%arg15 : memref<32x16xf32, #tpu.memory_space<vmem>>) target(%dma_start3A_380 : memref<32x16xf32, #tpu.memory_space<vmem_shared>>) target_semaphore(%run_scoped3A : memref<!tpu.dma_semaphore, #tpu.memory_space<semaphore_mem>>)
      %dma_wait3A_381 = arith.constant 0 : i32
      %dma_wait3A_382 = tpu.memref_slice %arg16[%add3A_133, %dma_wait3A_381] : memref<10240x16xf32, #tpu.memory_space<vmem_shared>> -> memref<32x16xf32, #tpu.memory_space<vmem_shared>>
      %dma_wait3A_383 = arith.constant 0 : i32
      %dma_wait3A_384 = tpu.memref_slice %arg16[%add3A_133, %dma_wait3A_383] : memref<10240x16xf32, #tpu.memory_space<vmem_shared>> -> memref<32x16xf32, #tpu.memory_space<vmem_shared>>
      tpu.wait_dma2 semaphore(%run_scoped3A : memref<!tpu.dma_semaphore, #tpu.memory_space<semaphore_mem>>) src(%arg15 : memref<32x16xf32, #tpu.memory_space<vmem>>) dst(%dma_wait3A_384 : memref<32x16xf32, #tpu.memory_space<vmem_shared>>)
      tpu.yield
    }) : () -> ()
    %mul3A_134 = arith.constant 640 : i32
    %mul3A_135 = arith.muli %arg1, %mul3A_134 : i32
    %add3A_136 = arith.constant 352 : i32
    %add3A_137 = arith.addi %mul3A_135, %add3A_136 : i32
    "tpu.region"() ({
      %run_scoped3A = tpu.sem_alloc : memref<!tpu.dma_semaphore, #tpu.memory_space<semaphore_mem>>
      %dma_start3A_377 = arith.constant 0 : i32
      %dma_start3A_378 = tpu.memref_slice %arg16[%add3A_137, %dma_start3A_377] : memref<10240x16xf32, #tpu.memory_space<vmem_shared>> -> memref<32x16xf32, #tpu.memory_space<vmem_shared>>
      %dma_start3A_379 = arith.constant 0 : i32
      %dma_start3A_380 = tpu.memref_slice %arg16[%add3A_137, %dma_start3A_379] : memref<10240x16xf32, #tpu.memory_space<vmem_shared>> -> memref<32x16xf32, #tpu.memory_space<vmem_shared>>
      tpu.enqueue_dma source(%arg15 : memref<32x16xf32, #tpu.memory_space<vmem>>) target(%dma_start3A_380 : memref<32x16xf32, #tpu.memory_space<vmem_shared>>) target_semaphore(%run_scoped3A : memref<!tpu.dma_semaphore, #tpu.memory_space<semaphore_mem>>)
      %dma_wait3A_381 = arith.constant 0 : i32
      %dma_wait3A_382 = tpu.memref_slice %arg16[%add3A_137, %dma_wait3A_381] : memref<10240x16xf32, #tpu.memory_space<vmem_shared>> -> memref<32x16xf32, #tpu.memory_space<vmem_shared>>
      %dma_wait3A_383 = arith.constant 0 : i32
      %dma_wait3A_384 = tpu.memref_slice %arg16[%add3A_137, %dma_wait3A_383] : memref<10240x16xf32, #tpu.memory_space<vmem_shared>> -> memref<32x16xf32, #tpu.memory_space<vmem_shared>>
      tpu.wait_dma2 semaphore(%run_scoped3A : memref<!tpu.dma_semaphore, #tpu.memory_space<semaphore_mem>>) src(%arg15 : memref<32x16xf32, #tpu.memory_space<vmem>>) dst(%dma_wait3A_384 : memref<32x16xf32, #tpu.memory_space<vmem_shared>>)
      tpu.yield
    }) : () -> ()
    %mul3A_138 = arith.constant 640 : i32
    %mul3A_139 = arith.muli %arg1, %mul3A_138 : i32
    %add3A_140 = arith.constant 384 : i32
    %add3A_141 = arith.addi %mul3A_139, %add3A_140 : i32
    "tpu.region"() ({
      %run_scoped3A = tpu.sem_alloc : memref<!tpu.dma_semaphore, #tpu.memory_space<semaphore_mem>>
      %dma_start3A_377 = arith.constant 0 : i32
      %dma_start3A_378 = tpu.memref_slice %arg16[%add3A_141, %dma_start3A_377] : memref<10240x16xf32, #tpu.memory_space<vmem_shared>> -> memref<32x16xf32, #tpu.memory_space<vmem_shared>>
      %dma_start3A_379 = arith.constant 0 : i32
      %dma_start3A_380 = tpu.memref_slice %arg16[%add3A_141, %dma_start3A_379] : memref<10240x16xf32, #tpu.memory_space<vmem_shared>> -> memref<32x16xf32, #tpu.memory_space<vmem_shared>>
      tpu.enqueue_dma source(%arg15 : memref<32x16xf32, #tpu.memory_space<vmem>>) target(%dma_start3A_380 : memref<32x16xf32, #tpu.memory_space<vmem_shared>>) target_semaphore(%run_scoped3A : memref<!tpu.dma_semaphore, #tpu.memory_space<semaphore_mem>>)
      %dma_wait3A_381 = arith.constant 0 : i32
      %dma_wait3A_382 = tpu.memref_slice %arg16[%add3A_141, %dma_wait3A_381] : memref<10240x16xf32, #tpu.memory_space<vmem_shared>> -> memref<32x16xf32, #tpu.memory_space<vmem_shared>>
      %dma_wait3A_383 = arith.constant 0 : i32
      %dma_wait3A_384 = tpu.memref_slice %arg16[%add3A_141, %dma_wait3A_383] : memref<10240x16xf32, #tpu.memory_space<vmem_shared>> -> memref<32x16xf32, #tpu.memory_space<vmem_shared>>
      tpu.wait_dma2 semaphore(%run_scoped3A : memref<!tpu.dma_semaphore, #tpu.memory_space<semaphore_mem>>) src(%arg15 : memref<32x16xf32, #tpu.memory_space<vmem>>) dst(%dma_wait3A_384 : memref<32x16xf32, #tpu.memory_space<vmem_shared>>)
      tpu.yield
    }) : () -> ()
    %mul3A_142 = arith.constant 640 : i32
    %mul3A_143 = arith.muli %arg1, %mul3A_142 : i32
    %add3A_144 = arith.constant 416 : i32
    %add3A_145 = arith.addi %mul3A_143, %add3A_144 : i32
    "tpu.region"() ({
      %run_scoped3A = tpu.sem_alloc : memref<!tpu.dma_semaphore, #tpu.memory_space<semaphore_mem>>
      %dma_start3A_377 = arith.constant 0 : i32
      %dma_start3A_378 = tpu.memref_slice %arg16[%add3A_145, %dma_start3A_377] : memref<10240x16xf32, #tpu.memory_space<vmem_shared>> -> memref<32x16xf32, #tpu.memory_space<vmem_shared>>
      %dma_start3A_379 = arith.constant 0 : i32
      %dma_start3A_380 = tpu.memref_slice %arg16[%add3A_145, %dma_start3A_379] : memref<10240x16xf32, #tpu.memory_space<vmem_shared>> -> memref<32x16xf32, #tpu.memory_space<vmem_shared>>
      tpu.enqueue_dma source(%arg15 : memref<32x16xf32, #tpu.memory_space<vmem>>) target(%dma_start3A_380 : memref<32x16xf32, #tpu.memory_space<vmem_shared>>) target_semaphore(%run_scoped3A : memref<!tpu.dma_semaphore, #tpu.memory_space<semaphore_mem>>)
      %dma_wait3A_381 = arith.constant 0 : i32
      %dma_wait3A_382 = tpu.memref_slice %arg16[%add3A_145, %dma_wait3A_381] : memref<10240x16xf32, #tpu.memory_space<vmem_shared>> -> memref<32x16xf32, #tpu.memory_space<vmem_shared>>
      %dma_wait3A_383 = arith.constant 0 : i32
      %dma_wait3A_384 = tpu.memref_slice %arg16[%add3A_145, %dma_wait3A_383] : memref<10240x16xf32, #tpu.memory_space<vmem_shared>> -> memref<32x16xf32, #tpu.memory_space<vmem_shared>>
      tpu.wait_dma2 semaphore(%run_scoped3A : memref<!tpu.dma_semaphore, #tpu.memory_space<semaphore_mem>>) src(%arg15 : memref<32x16xf32, #tpu.memory_space<vmem>>) dst(%dma_wait3A_384 : memref<32x16xf32, #tpu.memory_space<vmem_shared>>)
      tpu.yield
    }) : () -> ()
    %mul3A_146 = arith.constant 640 : i32
    %mul3A_147 = arith.muli %arg1, %mul3A_146 : i32
    %add3A_148 = arith.constant 448 : i32
    %add3A_149 = arith.addi %mul3A_147, %add3A_148 : i32
    "tpu.region"() ({
      %run_scoped3A = tpu.sem_alloc : memref<!tpu.dma_semaphore, #tpu.memory_space<semaphore_mem>>
      %dma_start3A_377 = arith.constant 0 : i32
      %dma_start3A_378 = tpu.memref_slice %arg16[%add3A_149, %dma_start3A_377] : memref<10240x16xf32, #tpu.memory_space<vmem_shared>> -> memref<32x16xf32, #tpu.memory_space<vmem_shared>>
      %dma_start3A_379 = arith.constant 0 : i32
      %dma_start3A_380 = tpu.memref_slice %arg16[%add3A_149, %dma_start3A_379] : memref<10240x16xf32, #tpu.memory_space<vmem_shared>> -> memref<32x16xf32, #tpu.memory_space<vmem_shared>>
      tpu.enqueue_dma source(%arg15 : memref<32x16xf32, #tpu.memory_space<vmem>>) target(%dma_start3A_380 : memref<32x16xf32, #tpu.memory_space<vmem_shared>>) target_semaphore(%run_scoped3A : memref<!tpu.dma_semaphore, #tpu.memory_space<semaphore_mem>>)
      %dma_wait3A_381 = arith.constant 0 : i32
      %dma_wait3A_382 = tpu.memref_slice %arg16[%add3A_149, %dma_wait3A_381] : memref<10240x16xf32, #tpu.memory_space<vmem_shared>> -> memref<32x16xf32, #tpu.memory_space<vmem_shared>>
      %dma_wait3A_383 = arith.constant 0 : i32
      %dma_wait3A_384 = tpu.memref_slice %arg16[%add3A_149, %dma_wait3A_383] : memref<10240x16xf32, #tpu.memory_space<vmem_shared>> -> memref<32x16xf32, #tpu.memory_space<vmem_shared>>
      tpu.wait_dma2 semaphore(%run_scoped3A : memref<!tpu.dma_semaphore, #tpu.memory_space<semaphore_mem>>) src(%arg15 : memref<32x16xf32, #tpu.memory_space<vmem>>) dst(%dma_wait3A_384 : memref<32x16xf32, #tpu.memory_space<vmem_shared>>)
      tpu.yield
    }) : () -> ()
    %mul3A_150 = arith.constant 640 : i32
    %mul3A_151 = arith.muli %arg1, %mul3A_150 : i32
    %add3A_152 = arith.constant 480 : i32
    %add3A_153 = arith.addi %mul3A_151, %add3A_152 : i32
    "tpu.region"() ({
      %run_scoped3A = tpu.sem_alloc : memref<!tpu.dma_semaphore, #tpu.memory_space<semaphore_mem>>
      %dma_start3A_377 = arith.constant 0 : i32
      %dma_start3A_378 = tpu.memref_slice %arg16[%add3A_153, %dma_start3A_377] : memref<10240x16xf32, #tpu.memory_space<vmem_shared>> -> memref<32x16xf32, #tpu.memory_space<vmem_shared>>
      %dma_start3A_379 = arith.constant 0 : i32
      %dma_start3A_380 = tpu.memref_slice %arg16[%add3A_153, %dma_start3A_379] : memref<10240x16xf32, #tpu.memory_space<vmem_shared>> -> memref<32x16xf32, #tpu.memory_space<vmem_shared>>
      tpu.enqueue_dma source(%arg15 : memref<32x16xf32, #tpu.memory_space<vmem>>) target(%dma_start3A_380 : memref<32x16xf32, #tpu.memory_space<vmem_shared>>) target_semaphore(%run_scoped3A : memref<!tpu.dma_semaphore, #tpu.memory_space<semaphore_mem>>)
      %dma_wait3A_381 = arith.constant 0 : i32
      %dma_wait3A_382 = tpu.memref_slice %arg16[%add3A_153, %dma_wait3A_381] : memref<10240x16xf32, #tpu.memory_space<vmem_shared>> -> memref<32x16xf32, #tpu.memory_space<vmem_shared>>
      %dma_wait3A_383 = arith.constant 0 : i32
      %dma_wait3A_384 = tpu.memref_slice %arg16[%add3A_153, %dma_wait3A_383] : memref<10240x16xf32, #tpu.memory_space<vmem_shared>> -> memref<32x16xf32, #tpu.memory_space<vmem_shared>>
      tpu.wait_dma2 semaphore(%run_scoped3A : memref<!tpu.dma_semaphore, #tpu.memory_space<semaphore_mem>>) src(%arg15 : memref<32x16xf32, #tpu.memory_space<vmem>>) dst(%dma_wait3A_384 : memref<32x16xf32, #tpu.memory_space<vmem_shared>>)
      tpu.yield
    }) : () -> ()
    %mul3A_154 = arith.constant 640 : i32
    %mul3A_155 = arith.muli %arg1, %mul3A_154 : i32
    %add3A_156 = arith.constant 512 : i32
    %add3A_157 = arith.addi %mul3A_155, %add3A_156 : i32
    "tpu.region"() ({
      %run_scoped3A = tpu.sem_alloc : memref<!tpu.dma_semaphore, #tpu.memory_space<semaphore_mem>>
      %dma_start3A_377 = arith.constant 0 : i32
      %dma_start3A_378 = tpu.memref_slice %arg16[%add3A_157, %dma_start3A_377] : memref<10240x16xf32, #tpu.memory_space<vmem_shared>> -> memref<32x16xf32, #tpu.memory_space<vmem_shared>>
      %dma_start3A_379 = arith.constant 0 : i32
      %dma_start3A_380 = tpu.memref_slice %arg16[%add3A_157, %dma_start3A_379] : memref<10240x16xf32, #tpu.memory_space<vmem_shared>> -> memref<32x16xf32, #tpu.memory_space<vmem_shared>>
      tpu.enqueue_dma source(%arg15 : memref<32x16xf32, #tpu.memory_space<vmem>>) target(%dma_start3A_380 : memref<32x16xf32, #tpu.memory_space<vmem_shared>>) target_semaphore(%run_scoped3A : memref<!tpu.dma_semaphore, #tpu.memory_space<semaphore_mem>>)
      %dma_wait3A_381 = arith.constant 0 : i32
      %dma_wait3A_382 = tpu.memref_slice %arg16[%add3A_157, %dma_wait3A_381] : memref<10240x16xf32, #tpu.memory_space<vmem_shared>> -> memref<32x16xf32, #tpu.memory_space<vmem_shared>>
      %dma_wait3A_383 = arith.constant 0 : i32
      %dma_wait3A_384 = tpu.memref_slice %arg16[%add3A_157, %dma_wait3A_383] : memref<10240x16xf32, #tpu.memory_space<vmem_shared>> -> memref<32x16xf32, #tpu.memory_space<vmem_shared>>
      tpu.wait_dma2 semaphore(%run_scoped3A : memref<!tpu.dma_semaphore, #tpu.memory_space<semaphore_mem>>) src(%arg15 : memref<32x16xf32, #tpu.memory_space<vmem>>) dst(%dma_wait3A_384 : memref<32x16xf32, #tpu.memory_space<vmem_shared>>)
      tpu.yield
    }) : () -> ()
    %mul3A_158 = arith.constant 640 : i32
    %mul3A_159 = arith.muli %arg1, %mul3A_158 : i32
    %add3A_160 = arith.constant 544 : i32
    %add3A_161 = arith.addi %mul3A_159, %add3A_160 : i32
    "tpu.region"() ({
      %run_scoped3A = tpu.sem_alloc : memref<!tpu.dma_semaphore, #tpu.memory_space<semaphore_mem>>
      %dma_start3A_377 = arith.constant 0 : i32
      %dma_start3A_378 = tpu.memref_slice %arg16[%add3A_161, %dma_start3A_377] : memref<10240x16xf32, #tpu.memory_space<vmem_shared>> -> memref<32x16xf32, #tpu.memory_space<vmem_shared>>
      %dma_start3A_379 = arith.constant 0 : i32
      %dma_start3A_380 = tpu.memref_slice %arg16[%add3A_161, %dma_start3A_379] : memref<10240x16xf32, #tpu.memory_space<vmem_shared>> -> memref<32x16xf32, #tpu.memory_space<vmem_shared>>
      tpu.enqueue_dma source(%arg15 : memref<32x16xf32, #tpu.memory_space<vmem>>) target(%dma_start3A_380 : memref<32x16xf32, #tpu.memory_space<vmem_shared>>) target_semaphore(%run_scoped3A : memref<!tpu.dma_semaphore, #tpu.memory_space<semaphore_mem>>)
      %dma_wait3A_381 = arith.constant 0 : i32
      %dma_wait3A_382 = tpu.memref_slice %arg16[%add3A_161, %dma_wait3A_381] : memref<10240x16xf32, #tpu.memory_space<vmem_shared>> -> memref<32x16xf32, #tpu.memory_space<vmem_shared>>
      %dma_wait3A_383 = arith.constant 0 : i32
      %dma_wait3A_384 = tpu.memref_slice %arg16[%add3A_161, %dma_wait3A_383] : memref<10240x16xf32, #tpu.memory_space<vmem_shared>> -> memref<32x16xf32, #tpu.memory_space<vmem_shared>>
      tpu.wait_dma2 semaphore(%run_scoped3A : memref<!tpu.dma_semaphore, #tpu.memory_space<semaphore_mem>>) src(%arg15 : memref<32x16xf32, #tpu.memory_space<vmem>>) dst(%dma_wait3A_384 : memref<32x16xf32, #tpu.memory_space<vmem_shared>>)
      tpu.yield
    }) : () -> ()
    %mul3A_162 = arith.constant 640 : i32
    %mul3A_163 = arith.muli %arg1, %mul3A_162 : i32
    %add3A_164 = arith.constant 576 : i32
    %add3A_165 = arith.addi %mul3A_163, %add3A_164 : i32
    "tpu.region"() ({
      %run_scoped3A = tpu.sem_alloc : memref<!tpu.dma_semaphore, #tpu.memory_space<semaphore_mem>>
      %dma_start3A_377 = arith.constant 0 : i32
      %dma_start3A_378 = tpu.memref_slice %arg16[%add3A_165, %dma_start3A_377] : memref<10240x16xf32, #tpu.memory_space<vmem_shared>> -> memref<32x16xf32, #tpu.memory_space<vmem_shared>>
      %dma_start3A_379 = arith.constant 0 : i32
      %dma_start3A_380 = tpu.memref_slice %arg16[%add3A_165, %dma_start3A_379] : memref<10240x16xf32, #tpu.memory_space<vmem_shared>> -> memref<32x16xf32, #tpu.memory_space<vmem_shared>>
      tpu.enqueue_dma source(%arg15 : memref<32x16xf32, #tpu.memory_space<vmem>>) target(%dma_start3A_380 : memref<32x16xf32, #tpu.memory_space<vmem_shared>>) target_semaphore(%run_scoped3A : memref<!tpu.dma_semaphore, #tpu.memory_space<semaphore_mem>>)
      %dma_wait3A_381 = arith.constant 0 : i32
      %dma_wait3A_382 = tpu.memref_slice %arg16[%add3A_165, %dma_wait3A_381] : memref<10240x16xf32, #tpu.memory_space<vmem_shared>> -> memref<32x16xf32, #tpu.memory_space<vmem_shared>>
      %dma_wait3A_383 = arith.constant 0 : i32
      %dma_wait3A_384 = tpu.memref_slice %arg16[%add3A_165, %dma_wait3A_383] : memref<10240x16xf32, #tpu.memory_space<vmem_shared>> -> memref<32x16xf32, #tpu.memory_space<vmem_shared>>
      tpu.wait_dma2 semaphore(%run_scoped3A : memref<!tpu.dma_semaphore, #tpu.memory_space<semaphore_mem>>) src(%arg15 : memref<32x16xf32, #tpu.memory_space<vmem>>) dst(%dma_wait3A_384 : memref<32x16xf32, #tpu.memory_space<vmem_shared>>)
      tpu.yield
    }) : () -> ()
    %mul3A_166 = arith.constant 640 : i32
    %mul3A_167 = arith.muli %arg1, %mul3A_166 : i32
    %add3A_168 = arith.constant 608 : i32
    %add3A_169 = arith.addi %mul3A_167, %add3A_168 : i32
    "tpu.region"() ({
      %run_scoped3A = tpu.sem_alloc : memref<!tpu.dma_semaphore, #tpu.memory_space<semaphore_mem>>
      %dma_start3A_377 = arith.constant 0 : i32
      %dma_start3A_378 = tpu.memref_slice %arg16[%add3A_169, %dma_start3A_377] : memref<10240x16xf32, #tpu.memory_space<vmem_shared>> -> memref<32x16xf32, #tpu.memory_space<vmem_shared>>
      %dma_start3A_379 = arith.constant 0 : i32
      %dma_start3A_380 = tpu.memref_slice %arg16[%add3A_169, %dma_start3A_379] : memref<10240x16xf32, #tpu.memory_space<vmem_shared>> -> memref<32x16xf32, #tpu.memory_space<vmem_shared>>
      tpu.enqueue_dma source(%arg15 : memref<32x16xf32, #tpu.memory_space<vmem>>) target(%dma_start3A_380 : memref<32x16xf32, #tpu.memory_space<vmem_shared>>) target_semaphore(%run_scoped3A : memref<!tpu.dma_semaphore, #tpu.memory_space<semaphore_mem>>)
      %dma_wait3A_381 = arith.constant 0 : i32
      %dma_wait3A_382 = tpu.memref_slice %arg16[%add3A_169, %dma_wait3A_381] : memref<10240x16xf32, #tpu.memory_space<vmem_shared>> -> memref<32x16xf32, #tpu.memory_space<vmem_shared>>
      %dma_wait3A_383 = arith.constant 0 : i32
      %dma_wait3A_384 = tpu.memref_slice %arg16[%add3A_169, %dma_wait3A_383] : memref<10240x16xf32, #tpu.memory_space<vmem_shared>> -> memref<32x16xf32, #tpu.memory_space<vmem_shared>>
      tpu.wait_dma2 semaphore(%run_scoped3A : memref<!tpu.dma_semaphore, #tpu.memory_space<semaphore_mem>>) src(%arg15 : memref<32x16xf32, #tpu.memory_space<vmem>>) dst(%dma_wait3A_384 : memref<32x16xf32, #tpu.memory_space<vmem_shared>>)
      tpu.yield
    }) : () -> ()
    %barrier3A = arith.constant 0 : index
    tpu.barrier barrier_id(%barrier3A)
    %dma_wait3A_170 = arith.constant 2 : i32
    %dma_wait3A_171 = arith.constant 0 : i32
    %dma_wait3A_172 = tpu.memref_slice %arg3[%dma_wait3A_171] : memref<20480xf32, #tpu.memory_space<hbm>> -> memref<10016xf32, #tpu.memory_space<hbm>>
    %dma_wait3A_173 = tpu.memref_slice %arg17[%dma_wait3A_170] : memref<8x!tpu.dma_semaphore, #tpu.memory_space<semaphore_mem>> -> memref<1x!tpu.dma_semaphore, #tpu.memory_space<semaphore_mem>>
    %dma_wait3A_174 = tpu.memref_squeeze %dma_wait3A_173 : memref<1x!tpu.dma_semaphore, #tpu.memory_space<semaphore_mem>> -> memref<!tpu.dma_semaphore, #tpu.memory_space<semaphore_mem>>
    %dma_wait3A_175 = arith.constant 0 : i32
    %dma_wait3A_176 = tpu.memref_slice %arg3[%dma_wait3A_175] : memref<20480xf32, #tpu.memory_space<hbm>> -> memref<10016xf32, #tpu.memory_space<hbm>>
    tpu.wait_dma2 semaphore(%dma_wait3A_174 : memref<!tpu.dma_semaphore, #tpu.memory_space<semaphore_mem>>) src(%dma_wait3A_176 : memref<10016xf32, #tpu.memory_space<hbm>>) dst(%arg14 : memref<10016xf32, #tpu.memory_space<vmem>>)
    %dma_wait3A_177 = arith.constant 3 : i32
    %dma_wait3A_178 = arith.constant 0 : i32
    %dma_wait3A_179 = tpu.memref_slice %arg10[%dma_wait3A_178] : memref<5008xf32, #tpu.memory_space<vmem>> -> memref<5000xf32, #tpu.memory_space<vmem>>
    %dma_wait3A_180 = tpu.memref_slice %arg4[%mul3A_2] : memref<160000xf32, #tpu.memory_space<hbm>> -> memref<5000xf32, #tpu.memory_space<hbm>>
    %dma_wait3A_181 = tpu.memref_slice %arg17[%dma_wait3A_177] : memref<8x!tpu.dma_semaphore, #tpu.memory_space<semaphore_mem>> -> memref<1x!tpu.dma_semaphore, #tpu.memory_space<semaphore_mem>>
    %dma_wait3A_182 = tpu.memref_squeeze %dma_wait3A_181 : memref<1x!tpu.dma_semaphore, #tpu.memory_space<semaphore_mem>> -> memref<!tpu.dma_semaphore, #tpu.memory_space<semaphore_mem>>
    %dma_wait3A_183 = arith.constant 0 : i32
    %dma_wait3A_184 = tpu.memref_slice %arg10[%dma_wait3A_183] : memref<5008xf32, #tpu.memory_space<vmem>> -> memref<5000xf32, #tpu.memory_space<vmem>>
    %dma_wait3A_185 = tpu.memref_slice %arg4[%mul3A_2] : memref<160000xf32, #tpu.memory_space<hbm>> -> memref<5000xf32, #tpu.memory_space<hbm>>
    tpu.wait_dma2 semaphore(%dma_wait3A_182 : memref<!tpu.dma_semaphore, #tpu.memory_space<semaphore_mem>>) src(%dma_wait3A_185 : memref<5000xf32, #tpu.memory_space<hbm>>) dst(%dma_wait3A_184 : memref<5000xf32, #tpu.memory_space<vmem>>)
    %dma_wait3A_186 = arith.constant 6 : i32
    %dma_wait3A_187 = arith.constant 0 : i32
    %dma_wait3A_188 = arith.constant 0 : i32
    %dma_wait3A_189 = tpu.memref_slice %arg13[%dma_wait3A_187, %dma_wait3A_188] : memref<5008x16xf32, #tpu.memory_space<vmem>> -> memref<5000x16xf32, #tpu.memory_space<vmem>>
    %dma_wait3A_190 = arith.constant 0 : i32
    %dma_wait3A_191 = tpu.memref_slice %arg6[%mul3A_2, %dma_wait3A_190] : memref<160000x16xf32, #tpu.memory_space<hbm>> -> memref<5000x16xf32, #tpu.memory_space<hbm>>
    %dma_wait3A_192 = tpu.memref_slice %arg17[%dma_wait3A_186] : memref<8x!tpu.dma_semaphore, #tpu.memory_space<semaphore_mem>> -> memref<1x!tpu.dma_semaphore, #tpu.memory_space<semaphore_mem>>
    %dma_wait3A_193 = tpu.memref_squeeze %dma_wait3A_192 : memref<1x!tpu.dma_semaphore, #tpu.memory_space<semaphore_mem>> -> memref<!tpu.dma_semaphore, #tpu.memory_space<semaphore_mem>>
    %dma_wait3A_194 = arith.constant 0 : i32
    %dma_wait3A_195 = arith.constant 0 : i32
    %dma_wait3A_196 = tpu.memref_slice %arg13[%dma_wait3A_194, %dma_wait3A_195] : memref<5008x16xf32, #tpu.memory_space<vmem>> -> memref<5000x16xf32, #tpu.memory_space<vmem>>
    %dma_wait3A_197 = arith.constant 0 : i32
    %dma_wait3A_198 = tpu.memref_slice %arg6[%mul3A_2, %dma_wait3A_197] : memref<160000x16xf32, #tpu.memory_space<hbm>> -> memref<5000x16xf32, #tpu.memory_space<hbm>>
    tpu.wait_dma2 semaphore(%dma_wait3A_193 : memref<!tpu.dma_semaphore, #tpu.memory_space<semaphore_mem>>) src(%dma_wait3A_198 : memref<5000x16xf32, #tpu.memory_space<hbm>>) dst(%dma_wait3A_196 : memref<5000x16xf32, #tpu.memory_space<vmem>>)
    %scan3A_199 = arith.constant 0 : i32
    %scan3A_200 = arith.constant 0 : i32
    %scan3A_201 = arith.constant 313 : i32
    %scan3A_202 = arith.addi %scan3A_200, %scan3A_201 : i32
    %scan3A_203 = arith.constant 1 : i32
    %scan3A_204 = scf.for %scan3A_377 = %scan3A_200 to %scan3A_202 step %scan3A_203 iter_args(%scan3A_378 = %scan3A_199) -> (i32)  : i32 {
      %mul3A_379 = arith.constant 16 : i32
      %mul3A_380 = arith.muli %scan3A_377, %mul3A_379 : i32
      %add3A_381 = arith.addi %mul3A_2, %mul3A_380 : i32
      %add3A_382 = vector.broadcast %add3A_381 : i32 to vector<16xi32>
      %add3A_383 = arith.addi %add3A_382, %iota3A : vector<16xi32>
      %convert_element_type3A = arith.sitofp %add3A_383 : vector<16xi32> to vector<16xf32>
      %broadcast_in_dim3A_384 = arith.constant 0 : i32
      %broadcast_in_dim3A_385 = vector.broadcast %broadcast_in_dim3A_384 : i32 to vector<16xi32>
      %add3A_386 = arith.constant 8192 : i32
      %add3A_387 = vector.broadcast %add3A_386 : i32 to vector<16xi32>
      %add3A_388 = arith.addi %broadcast_in_dim3A_385, %add3A_387 : vector<16xi32>
      %min3A = arith.constant 10000 : i32
      %min3A_389 = vector.broadcast %min3A : i32 to vector<16xi32>
      %min3A_390 = arith.minsi %add3A_388, %min3A_389 : vector<16xi32>
      %sub3A = arith.constant 1 : i32
      %sub3A_391 = vector.broadcast %sub3A : i32 to vector<16xi32>
      %sub3A_392 = arith.subi %min3A_390, %sub3A_391 : vector<16xi32>
      %gather3A = tpu.vector_load_idx %arg8[%sub3A_392] : memref<10016xf32, #tpu.memory_space<vmem>>[vector<16xi32>], vector<16xf32>,
      %le3A = arith.constant 10000 : i32
      %le3A_393 = vector.broadcast %le3A : i32 to vector<16xi32>
      %le3A_394 = arith.cmpi sle, %add3A_388, %le3A_393 : vector<16xi32>
      %le3A_395 = arith.cmpf ole, %gather3A, %convert_element_type3A : vector<16xf32>
      %and3A = arith.andi %le3A_394, %le3A_395 : vector<16xi1>
      %select_n3A_396 = arith.select %and3A, %add3A_388, %broadcast_in_dim3A_385 : vector<16xi1>, vector<16xi32>
      %add3A_397 = arith.constant 4096 : i32
      %add3A_398 = vector.broadcast %add3A_397 : i32 to vector<16xi32>
      %add3A_399 = arith.addi %select_n3A_396, %add3A_398 : vector<16xi32>
      %min3A_400 = arith.constant 10000 : i32
      %min3A_401 = vector.broadcast %min3A_400 : i32 to vector<16xi32>
      %min3A_402 = arith.minsi %add3A_399, %min3A_401 : vector<16xi32>
      %sub3A_403 = arith.constant 1 : i32
      %sub3A_404 = vector.broadcast %sub3A_403 : i32 to vector<16xi32>
      %sub3A_405 = arith.subi %min3A_402, %sub3A_404 : vector<16xi32>
      %gather3A_406 = tpu.vector_load_idx %arg8[%sub3A_405] : memref<10016xf32, #tpu.memory_space<vmem>>[vector<16xi32>], vector<16xf32>,
      %le3A_407 = arith.constant 10000 : i32
      %le3A_408 = vector.broadcast %le3A_407 : i32 to vector<16xi32>
      %le3A_409 = arith.cmpi sle, %add3A_399, %le3A_408 : vector<16xi32>
      %le3A_410 = arith.cmpf ole, %gather3A_406, %convert_element_type3A : vector<16xf32>
      %and3A_411 = arith.andi %le3A_409, %le3A_410 : vector<16xi1>
      %select_n3A_412 = arith.select %and3A_411, %add3A_399, %select_n3A_396 : vector<16xi1>, vector<16xi32>
      %add3A_413 = arith.constant 2048 : i32
      %add3A_414 = vector.broadcast %add3A_413 : i32 to vector<16xi32>
      %add3A_415 = arith.addi %select_n3A_412, %add3A_414 : vector<16xi32>
      %min3A_416 = arith.constant 10000 : i32
      %min3A_417 = vector.broadcast %min3A_416 : i32 to vector<16xi32>
      %min3A_418 = arith.minsi %add3A_415, %min3A_417 : vector<16xi32>
      %sub3A_419 = arith.constant 1 : i32
      %sub3A_420 = vector.broadcast %sub3A_419 : i32 to vector<16xi32>
      %sub3A_421 = arith.subi %min3A_418, %sub3A_420 : vector<16xi32>
      %gather3A_422 = tpu.vector_load_idx %arg8[%sub3A_421] : memref<10016xf32, #tpu.memory_space<vmem>>[vector<16xi32>], vector<16xf32>,
      %le3A_423 = arith.constant 10000 : i32
      %le3A_424 = vector.broadcast %le3A_423 : i32 to vector<16xi32>
      %le3A_425 = arith.cmpi sle, %add3A_415, %le3A_424 : vector<16xi32>
      %le3A_426 = arith.cmpf ole, %gather3A_422, %convert_element_type3A : vector<16xf32>
      %and3A_427 = arith.andi %le3A_425, %le3A_426 : vector<16xi1>
      %select_n3A_428 = arith.select %and3A_427, %add3A_415, %select_n3A_412 : vector<16xi1>, vector<16xi32>
      %add3A_429 = arith.constant 1024 : i32
      %add3A_430 = vector.broadcast %add3A_429 : i32 to vector<16xi32>
      %add3A_431 = arith.addi %select_n3A_428, %add3A_430 : vector<16xi32>
      %min3A_432 = arith.constant 10000 : i32
      %min3A_433 = vector.broadcast %min3A_432 : i32 to vector<16xi32>
      %min3A_434 = arith.minsi %add3A_431, %min3A_433 : vector<16xi32>
      %sub3A_435 = arith.constant 1 : i32
      %sub3A_436 = vector.broadcast %sub3A_435 : i32 to vector<16xi32>
      %sub3A_437 = arith.subi %min3A_434, %sub3A_436 : vector<16xi32>
      %gather3A_438 = tpu.vector_load_idx %arg8[%sub3A_437] : memref<10016xf32, #tpu.memory_space<vmem>>[vector<16xi32>], vector<16xf32>,
      %le3A_439 = arith.constant 10000 : i32
      %le3A_440 = vector.broadcast %le3A_439 : i32 to vector<16xi32>
      %le3A_441 = arith.cmpi sle, %add3A_431, %le3A_440 : vector<16xi32>
      %le3A_442 = arith.cmpf ole, %gather3A_438, %convert_element_type3A : vector<16xf32>
      %and3A_443 = arith.andi %le3A_441, %le3A_442 : vector<16xi1>
      %select_n3A_444 = arith.select %and3A_443, %add3A_431, %select_n3A_428 : vector<16xi1>, vector<16xi32>
      %add3A_445 = arith.constant 512 : i32
      %add3A_446 = vector.broadcast %add3A_445 : i32 to vector<16xi32>
      %add3A_447 = arith.addi %select_n3A_444, %add3A_446 : vector<16xi32>
      %min3A_448 = arith.constant 10000 : i32
      %min3A_449 = vector.broadcast %min3A_448 : i32 to vector<16xi32>
      %min3A_450 = arith.minsi %add3A_447, %min3A_449 : vector<16xi32>
      %sub3A_451 = arith.constant 1 : i32
      %sub3A_452 = vector.broadcast %sub3A_451 : i32 to vector<16xi32>
      %sub3A_453 = arith.subi %min3A_450, %sub3A_452 : vector<16xi32>
      %gather3A_454 = tpu.vector_load_idx %arg8[%sub3A_453] : memref<10016xf32, #tpu.memory_space<vmem>>[vector<16xi32>], vector<16xf32>,
      %le3A_455 = arith.constant 10000 : i32
      %le3A_456 = vector.broadcast %le3A_455 : i32 to vector<16xi32>
      %le3A_457 = arith.cmpi sle, %add3A_447, %le3A_456 : vector<16xi32>
      %le3A_458 = arith.cmpf ole, %gather3A_454, %convert_element_type3A : vector<16xf32>
      %and3A_459 = arith.andi %le3A_457, %le3A_458 : vector<16xi1>
      %select_n3A_460 = arith.select %and3A_459, %add3A_447, %select_n3A_444 : vector<16xi1>, vector<16xi32>
      %add3A_461 = arith.constant 256 : i32
      %add3A_462 = vector.broadcast %add3A_461 : i32 to vector<16xi32>
      %add3A_463 = arith.addi %select_n3A_460, %add3A_462 : vector<16xi32>
      %min3A_464 = arith.constant 10000 : i32
      %min3A_465 = vector.broadcast %min3A_464 : i32 to vector<16xi32>
      %min3A_466 = arith.minsi %add3A_463, %min3A_465 : vector<16xi32>
      %sub3A_467 = arith.constant 1 : i32
      %sub3A_468 = vector.broadcast %sub3A_467 : i32 to vector<16xi32>
      %sub3A_469 = arith.subi %min3A_466, %sub3A_468 : vector<16xi32>
      %gather3A_470 = tpu.vector_load_idx %arg8[%sub3A_469] : memref<10016xf32, #tpu.memory_space<vmem>>[vector<16xi32>], vector<16xf32>,
      %le3A_471 = arith.constant 10000 : i32
      %le3A_472 = vector.broadcast %le3A_471 : i32 to vector<16xi32>
      %le3A_473 = arith.cmpi sle, %add3A_463, %le3A_472 : vector<16xi32>
      %le3A_474 = arith.cmpf ole, %gather3A_470, %convert_element_type3A : vector<16xf32>
      %and3A_475 = arith.andi %le3A_473, %le3A_474 : vector<16xi1>
      %select_n3A_476 = arith.select %and3A_475, %add3A_463, %select_n3A_460 : vector<16xi1>, vector<16xi32>
      %add3A_477 = arith.constant 128 : i32
      %add3A_478 = vector.broadcast %add3A_477 : i32 to vector<16xi32>
      %add3A_479 = arith.addi %select_n3A_476, %add3A_478 : vector<16xi32>
      %min3A_480 = arith.constant 10000 : i32
      %min3A_481 = vector.broadcast %min3A_480 : i32 to vector<16xi32>
      %min3A_482 = arith.minsi %add3A_479, %min3A_481 : vector<16xi32>
      %sub3A_483 = arith.constant 1 : i32
      %sub3A_484 = vector.broadcast %sub3A_483 : i32 to vector<16xi32>
      %sub3A_485 = arith.subi %min3A_482, %sub3A_484 : vector<16xi32>
      %gather3A_486 = tpu.vector_load_idx %arg8[%sub3A_485] : memref<10016xf32, #tpu.memory_space<vmem>>[vector<16xi32>], vector<16xf32>,
      %le3A_487 = arith.constant 10000 : i32
      %le3A_488 = vector.broadcast %le3A_487 : i32 to vector<16xi32>
      %le3A_489 = arith.cmpi sle, %add3A_479, %le3A_488 : vector<16xi32>
      %le3A_490 = arith.cmpf ole, %gather3A_486, %convert_element_type3A : vector<16xf32>
      %and3A_491 = arith.andi %le3A_489, %le3A_490 : vector<16xi1>
      %select_n3A_492 = arith.select %and3A_491, %add3A_479, %select_n3A_476 : vector<16xi1>, vector<16xi32>
      %add3A_493 = arith.constant 64 : i32
      %add3A_494 = vector.broadcast %add3A_493 : i32 to vector<16xi32>
      %add3A_495 = arith.addi %select_n3A_492, %add3A_494 : vector<16xi32>
      %min3A_496 = arith.constant 10000 : i32
      %min3A_497 = vector.broadcast %min3A_496 : i32 to vector<16xi32>
      %min3A_498 = arith.minsi %add3A_495, %min3A_497 : vector<16xi32>
      %sub3A_499 = arith.constant 1 : i32
      %sub3A_500 = vector.broadcast %sub3A_499 : i32 to vector<16xi32>
      %sub3A_501 = arith.subi %min3A_498, %sub3A_500 : vector<16xi32>
      %gather3A_502 = tpu.vector_load_idx %arg8[%sub3A_501] : memref<10016xf32, #tpu.memory_space<vmem>>[vector<16xi32>], vector<16xf32>,
      %le3A_503 = arith.constant 10000 : i32
      %le3A_504 = vector.broadcast %le3A_503 : i32 to vector<16xi32>
      %le3A_505 = arith.cmpi sle, %add3A_495, %le3A_504 : vector<16xi32>
      %le3A_506 = arith.cmpf ole, %gather3A_502, %convert_element_type3A : vector<16xf32>
      %and3A_507 = arith.andi %le3A_505, %le3A_506 : vector<16xi1>
      %select_n3A_508 = arith.select %and3A_507, %add3A_495, %select_n3A_492 : vector<16xi1>, vector<16xi32>
      %add3A_509 = arith.constant 32 : i32
      %add3A_510 = vector.broadcast %add3A_509 : i32 to vector<16xi32>
      %add3A_511 = arith.addi %select_n3A_508, %add3A_510 : vector<16xi32>
      %min3A_512 = arith.constant 10000 : i32
      %min3A_513 = vector.broadcast %min3A_512 : i32 to vector<16xi32>
      %min3A_514 = arith.minsi %add3A_511, %min3A_513 : vector<16xi32>
      %sub3A_515 = arith.constant 1 : i32
      %sub3A_516 = vector.broadcast %sub3A_515 : i32 to vector<16xi32>
      %sub3A_517 = arith.subi %min3A_514, %sub3A_516 : vector<16xi32>
      %gather3A_518 = tpu.vector_load_idx %arg8[%sub3A_517] : memref<10016xf32, #tpu.memory_space<vmem>>[vector<16xi32>], vector<16xf32>,
      %le3A_519 = arith.constant 10000 : i32
      %le3A_520 = vector.broadcast %le3A_519 : i32 to vector<16xi32>
      %le3A_521 = arith.cmpi sle, %add3A_511, %le3A_520 : vector<16xi32>
      %le3A_522 = arith.cmpf ole, %gather3A_518, %convert_element_type3A : vector<16xf32>
      %and3A_523 = arith.andi %le3A_521, %le3A_522 : vector<16xi1>
      %select_n3A_524 = arith.select %and3A_523, %add3A_511, %select_n3A_508 : vector<16xi1>, vector<16xi32>
      %add3A_525 = arith.constant 16 : i32
      %add3A_526 = vector.broadcast %add3A_525 : i32 to vector<16xi32>
      %add3A_527 = arith.addi %select_n3A_524, %add3A_526 : vector<16xi32>
      %min3A_528 = arith.constant 10000 : i32
      %min3A_529 = vector.broadcast %min3A_528 : i32 to vector<16xi32>
      %min3A_530 = arith.minsi %add3A_527, %min3A_529 : vector<16xi32>
      %sub3A_531 = arith.constant 1 : i32
      %sub3A_532 = vector.broadcast %sub3A_531 : i32 to vector<16xi32>
      %sub3A_533 = arith.subi %min3A_530, %sub3A_532 : vector<16xi32>
      %gather3A_534 = tpu.vector_load_idx %arg8[%sub3A_533] : memref<10016xf32, #tpu.memory_space<vmem>>[vector<16xi32>], vector<16xf32>,
      %le3A_535 = arith.constant 10000 : i32
      %le3A_536 = vector.broadcast %le3A_535 : i32 to vector<16xi32>
      %le3A_537 = arith.cmpi sle, %add3A_527, %le3A_536 : vector<16xi32>
      %le3A_538 = arith.cmpf ole, %gather3A_534, %convert_element_type3A : vector<16xf32>
      %and3A_539 = arith.andi %le3A_537, %le3A_538 : vector<16xi1>
      %select_n3A_540 = arith.select %and3A_539, %add3A_527, %select_n3A_524 : vector<16xi1>, vector<16xi32>
      %add3A_541 = arith.constant 8 : i32
      %add3A_542 = vector.broadcast %add3A_541 : i32 to vector<16xi32>
      %add3A_543 = arith.addi %select_n3A_540, %add3A_542 : vector<16xi32>
      %min3A_544 = arith.constant 10000 : i32
      %min3A_545 = vector.broadcast %min3A_544 : i32 to vector<16xi32>
      %min3A_546 = arith.minsi %add3A_543, %min3A_545 : vector<16xi32>
      %sub3A_547 = arith.constant 1 : i32
      %sub3A_548 = vector.broadcast %sub3A_547 : i32 to vector<16xi32>
      %sub3A_549 = arith.subi %min3A_546, %sub3A_548 : vector<16xi32>
      %gather3A_550 = tpu.vector_load_idx %arg8[%sub3A_549] : memref<10016xf32, #tpu.memory_space<vmem>>[vector<16xi32>], vector<16xf32>,
      %le3A_551 = arith.constant 10000 : i32
      %le3A_552 = vector.broadcast %le3A_551 : i32 to vector<16xi32>
      %le3A_553 = arith.cmpi sle, %add3A_543, %le3A_552 : vector<16xi32>
      %le3A_554 = arith.cmpf ole, %gather3A_550, %convert_element_type3A : vector<16xf32>
      %and3A_555 = arith.andi %le3A_553, %le3A_554 : vector<16xi1>
      %select_n3A_556 = arith.select %and3A_555, %add3A_543, %select_n3A_540 : vector<16xi1>, vector<16xi32>
      %add3A_557 = arith.constant 4 : i32
      %add3A_558 = vector.broadcast %add3A_557 : i32 to vector<16xi32>
      %add3A_559 = arith.addi %select_n3A_556, %add3A_558 : vector<16xi32>
      %min3A_560 = arith.constant 10000 : i32
      %min3A_561 = vector.broadcast %min3A_560 : i32 to vector<16xi32>
      %min3A_562 = arith.minsi %add3A_559, %min3A_561 : vector<16xi32>
      %sub3A_563 = arith.constant 1 : i32
      %sub3A_564 = vector.broadcast %sub3A_563 : i32 to vector<16xi32>
      %sub3A_565 = arith.subi %min3A_562, %sub3A_564 : vector<16xi32>
      %gather3A_566 = tpu.vector_load_idx %arg8[%sub3A_565] : memref<10016xf32, #tpu.memory_space<vmem>>[vector<16xi32>], vector<16xf32>,
      %le3A_567 = arith.constant 10000 : i32
      %le3A_568 = vector.broadcast %le3A_567 : i32 to vector<16xi32>
      %le3A_569 = arith.cmpi sle, %add3A_559, %le3A_568 : vector<16xi32>
      %le3A_570 = arith.cmpf ole, %gather3A_566, %convert_element_type3A : vector<16xf32>
      %and3A_571 = arith.andi %le3A_569, %le3A_570 : vector<16xi1>
      %select_n3A_572 = arith.select %and3A_571, %add3A_559, %select_n3A_556 : vector<16xi1>, vector<16xi32>
      %add3A_573 = arith.constant 2 : i32
      %add3A_574 = vector.broadcast %add3A_573 : i32 to vector<16xi32>
      %add3A_575 = arith.addi %select_n3A_572, %add3A_574 : vector<16xi32>
      %min3A_576 = arith.constant 10000 : i32
      %min3A_577 = vector.broadcast %min3A_576 : i32 to vector<16xi32>
      %min3A_578 = arith.minsi %add3A_575, %min3A_577 : vector<16xi32>
      %sub3A_579 = arith.constant 1 : i32
      %sub3A_580 = vector.broadcast %sub3A_579 : i32 to vector<16xi32>
      %sub3A_581 = arith.subi %min3A_578, %sub3A_580 : vector<16xi32>
      %gather3A_582 = tpu.vector_load_idx %arg8[%sub3A_581] : memref<10016xf32, #tpu.memory_space<vmem>>[vector<16xi32>], vector<16xf32>,
      %le3A_583 = arith.constant 10000 : i32
      %le3A_584 = vector.broadcast %le3A_583 : i32 to vector<16xi32>
      %le3A_585 = arith.cmpi sle, %add3A_575, %le3A_584 : vector<16xi32>
      %le3A_586 = arith.cmpf ole, %gather3A_582, %convert_element_type3A : vector<16xf32>
      %and3A_587 = arith.andi %le3A_585, %le3A_586 : vector<16xi1>
      %select_n3A_588 = arith.select %and3A_587, %add3A_575, %select_n3A_572 : vector<16xi1>, vector<16xi32>
      %add3A_589 = arith.constant 1 : i32
      %add3A_590 = vector.broadcast %add3A_589 : i32 to vector<16xi32>
      %add3A_591 = arith.addi %select_n3A_588, %add3A_590 : vector<16xi32>
      %min3A_592 = arith.constant 10000 : i32
      %min3A_593 = vector.broadcast %min3A_592 : i32 to vector<16xi32>
      %min3A_594 = arith.minsi %add3A_591, %min3A_593 : vector<16xi32>
      %sub3A_595 = arith.constant 1 : i32
      %sub3A_596 = vector.broadcast %sub3A_595 : i32 to vector<16xi32>
      %sub3A_597 = arith.subi %min3A_594, %sub3A_596 : vector<16xi32>
      %gather3A_598 = tpu.vector_load_idx %arg8[%sub3A_597] : memref<10016xf32, #tpu.memory_space<vmem>>[vector<16xi32>], vector<16xf32>,
      %le3A_599 = arith.constant 10000 : i32
      %le3A_600 = vector.broadcast %le3A_599 : i32 to vector<16xi32>
      %le3A_601 = arith.cmpi sle, %add3A_591, %le3A_600 : vector<16xi32>
      %le3A_602 = arith.cmpf ole, %gather3A_598, %convert_element_type3A : vector<16xf32>
      %and3A_603 = arith.andi %le3A_601, %le3A_602 : vector<16xi1>
      %select_n3A_604 = arith.select %and3A_603, %add3A_591, %select_n3A_588 : vector<16xi1>, vector<16xi32>
      %gather3A_605 = tpu.vector_load_idx %arg14[%select_n3A_604] : memref<10016xf32, #tpu.memory_space<vmem>>[vector<16xi32>], vector<16xf32>,
      %gather3A_606 = tpu.vector_load_idx %arg9[%select_n3A_604] : memref<10016xf32, #tpu.memory_space<vmem>>[vector<16xi32>], vector<16xf32>,
      %add3A_607 = arith.addf %gather3A_605, %gather3A_606 : vector<16xf32>
      %get3A_608 = arith.index_cast %mul3A_380 : i32 to index
      %get3A_609 = tpu.vector_load %arg10[%get3A_608] {strides = array<i32>} : memref<5008xf32, #tpu.memory_space<vmem>>, vector<16xf32>,
      %div3A = arith.divf %get3A_609, %add3A_607 : vector<16xf32>
      %swap3A_610 = arith.index_cast %mul3A_380 : i32 to index
      %swap3A_611 = tpu.vector_load %arg10[%swap3A_610] {strides = array<i32>} : memref<5008xf32, #tpu.memory_space<vmem>>, vector<16xf32>,
      tpu.vector_store %arg10[%swap3A_610], %div3A {strides = array<i32>} : memref<5008xf32, #tpu.memory_space<vmem>>, vector<16xf32>,
      %scan3A_612 = arith.constant 0 : i32
      scf.yield %scan3A_612 : i32
    }
    %scan3A_205 = arith.constant 313 : i32
    %dma_wait3A_206 = arith.constant 4 : i32
    %dma_wait3A_207 = tpu.memref_slice %arg5[%mul3A_2] : memref<160000xi32, #tpu.memory_space<hbm>> -> memref<2512xi32, #tpu.memory_space<hbm>>
    %dma_wait3A_208 = tpu.memref_slice %arg17[%dma_wait3A_206] : memref<8x!tpu.dma_semaphore, #tpu.memory_space<semaphore_mem>> -> memref<1x!tpu.dma_semaphore, #tpu.memory_space<semaphore_mem>>
    %dma_wait3A_209 = tpu.memref_squeeze %dma_wait3A_208 : memref<1x!tpu.dma_semaphore, #tpu.memory_space<semaphore_mem>> -> memref<!tpu.dma_semaphore, #tpu.memory_space<semaphore_mem>>
    %dma_wait3A_210 = tpu.memref_slice %arg5[%mul3A_2] : memref<160000xi32, #tpu.memory_space<hbm>> -> memref<2512xi32, #tpu.memory_space<hbm>>
    tpu.wait_dma2 semaphore(%dma_wait3A_209 : memref<!tpu.dma_semaphore, #tpu.memory_space<semaphore_mem>>) src(%dma_wait3A_210 : memref<2512xi32, #tpu.memory_space<hbm>>) dst(%arg11 : memref<2512xi32, #tpu.memory_space<vmem>>)
    %dma_wait3A_211 = arith.constant 5 : i32
    %dma_wait3A_212 = arith.constant 0 : i32
    %dma_wait3A_213 = tpu.memref_slice %arg12[%dma_wait3A_212] : memref<2496xi32, #tpu.memory_space<vmem>> -> memref<2488xi32, #tpu.memory_space<vmem>>
    %dma_wait3A_214 = tpu.memref_slice %arg5[%add3A_40] : memref<160000xi32, #tpu.memory_space<hbm>> -> memref<2488xi32, #tpu.memory_space<hbm>>
    %dma_wait3A_215 = tpu.memref_slice %arg17[%dma_wait3A_211] : memref<8x!tpu.dma_semaphore, #tpu.memory_space<semaphore_mem>> -> memref<1x!tpu.dma_semaphore, #tpu.memory_space<semaphore_mem>>
    %dma_wait3A_216 = tpu.memref_squeeze %dma_wait3A_215 : memref<1x!tpu.dma_semaphore, #tpu.memory_space<semaphore_mem>> -> memref<!tpu.dma_semaphore, #tpu.memory_space<semaphore_mem>>
    %dma_wait3A_217 = arith.constant 0 : i32
    %dma_wait3A_218 = tpu.memref_slice %arg12[%dma_wait3A_217] : memref<2496xi32, #tpu.memory_space<vmem>> -> memref<2488xi32, #tpu.memory_space<vmem>>
    %dma_wait3A_219 = tpu.memref_slice %arg5[%add3A_40] : memref<160000xi32, #tpu.memory_space<hbm>> -> memref<2488xi32, #tpu.memory_space<hbm>>
    tpu.wait_dma2 semaphore(%dma_wait3A_216 : memref<!tpu.dma_semaphore, #tpu.memory_space<semaphore_mem>>) src(%dma_wait3A_219 : memref<2488xi32, #tpu.memory_space<hbm>>) dst(%dma_wait3A_218 : memref<2488xi32, #tpu.memory_space<vmem>>)
    %get3A = arith.constant 2480 : index
    %get3A_220 = tpu.vector_load %arg12[%get3A] {strides = array<i32>} : memref<2496xi32, #tpu.memory_space<vmem>>, vector<16xi32>,
    %jit3A = arith.constant 10000 : i32
    %broadcast_in_dim3A_221 = vector.broadcast %jit3A : i32 to vector<16xi32>
    %select_n3A = arith.select %lt3A_4, %get3A_220, %broadcast_in_dim3A_221 : vector<16xi1>, vector<16xi32>
    %swap3A = arith.constant 2480 : index
    %swap3A_222 = tpu.vector_load %arg12[%swap3A] {strides = array<i32>} : memref<2496xi32, #tpu.memory_space<vmem>>, vector<16xi32>,
    tpu.vector_store %arg12[%swap3A], %select_n3A {strides = array<i32>} : memref<2496xi32, #tpu.memory_space<vmem>>, vector<16xi32>,
    %scan3A_223 = arith.constant 0 : i32
    %scan3A_224 = arith.constant 0 : i32
    %scan3A_225 = arith.constant 157 : i32
    %scan3A_226 = arith.addi %scan3A_224, %scan3A_225 : i32
    %scan3A_227 = arith.constant 1 : i32
    %scan3A_228 = scf.for %scan3A_377 = %scan3A_224 to %scan3A_226 step %scan3A_227 iter_args(%scan3A_378 = %scan3A_223) -> (i32)  : i32 {
      %mul3A_379 = arith.constant 16 : i32
      %mul3A_380 = arith.muli %scan3A_377, %mul3A_379 : i32
      %get3A_381 = arith.index_cast %mul3A_380 : i32 to index
      %get3A_382 = tpu.vector_load %arg10[%get3A_381] {strides = array<i32>} : memref<5008xf32, #tpu.memory_space<vmem>>, vector<16xf32>,
      %mul3A_383 = arith.constant 16 : i32
      %mul3A_384 = arith.muli %scan3A_377, %mul3A_383 : i32
      %add3A_385 = arith.constant 0 : i32
      %add3A_386 = arith.addi %mul3A_384, %add3A_385 : i32
      %get3A_387 = arith.index_cast %add3A_386 : i32 to index
      %get3A_388 = arith.constant 0 : index
      %get3A_389 = tpu.vector_load %arg13[%get3A_387, %get3A_388] {strides = array<i32>} : memref<5008x16xf32, #tpu.memory_space<vmem>>, vector<16xf32>,
      %slice3A_390 = vector.extract_strided_slice %get3A_382 {offsets = [0], sizes = [1], strides = [1]} : vector<16xf32> to vector<1xf32>
      %squeeze3A_391 = vector.extract %slice3A_390[0] : f32 from vector<1xf32>
      %broadcast_in_dim3A_392 = vector.broadcast %squeeze3A_391 : f32 to vector<16xf32>
      %mul3A_393 = arith.mulf %get3A_389, %broadcast_in_dim3A_392 : vector<16xf32>
      %swap3A_394 = arith.index_cast %add3A_386 : i32 to index
      %swap3A_395 = arith.constant 0 : index
      %swap3A_396 = tpu.vector_load %arg13[%swap3A_394, %swap3A_395] {strides = array<i32>} : memref<5008x16xf32, #tpu.memory_space<vmem>>, vector<16xf32>,
      tpu.vector_store %arg13[%swap3A_394, %swap3A_395], %mul3A_393 {strides = array<i32>} : memref<5008x16xf32, #tpu.memory_space<vmem>>, vector<16xf32>,
      %mul3A_397 = arith.constant 16 : i32
      %mul3A_398 = arith.muli %scan3A_377, %mul3A_397 : i32
      %add3A_399 = arith.constant 1 : i32
      %add3A_400 = arith.addi %mul3A_398, %add3A_399 : i32
      %get3A_401 = arith.index_cast %add3A_400 : i32 to index
      %get3A_402 = arith.constant 0 : index
      %get3A_403 = tpu.vector_load %arg13[%get3A_401, %get3A_402] {strides = array<i32>} : memref<5008x16xf32, #tpu.memory_space<vmem>>, vector<16xf32>,
      %slice3A_404 = vector.extract_strided_slice %get3A_382 {offsets = [1], sizes = [1], strides = [1]} : vector<16xf32> to vector<1xf32>
      %squeeze3A_405 = vector.extract %slice3A_404[0] : f32 from vector<1xf32>
      %broadcast_in_dim3A_406 = vector.broadcast %squeeze3A_405 : f32 to vector<16xf32>
      %mul3A_407 = arith.mulf %get3A_403, %broadcast_in_dim3A_406 : vector<16xf32>
      %swap3A_408 = arith.index_cast %add3A_400 : i32 to index
      %swap3A_409 = arith.constant 0 : index
      %swap3A_410 = tpu.vector_load %arg13[%swap3A_408, %swap3A_409] {strides = array<i32>} : memref<5008x16xf32, #tpu.memory_space<vmem>>, vector<16xf32>,
      tpu.vector_store %arg13[%swap3A_408, %swap3A_409], %mul3A_407 {strides = array<i32>} : memref<5008x16xf32, #tpu.memory_space<vmem>>, vector<16xf32>,
      %mul3A_411 = arith.constant 16 : i32
      %mul3A_412 = arith.muli %scan3A_377, %mul3A_411 : i32
      %add3A_413 = arith.constant 2 : i32
      %add3A_414 = arith.addi %mul3A_412, %add3A_413 : i32
      %get3A_415 = arith.index_cast %add3A_414 : i32 to index
      %get3A_416 = arith.constant 0 : index
      %get3A_417 = tpu.vector_load %arg13[%get3A_415, %get3A_416] {strides = array<i32>} : memref<5008x16xf32, #tpu.memory_space<vmem>>, vector<16xf32>,
      %slice3A_418 = vector.extract_strided_slice %get3A_382 {offsets = [2], sizes = [1], strides = [1]} : vector<16xf32> to vector<1xf32>
      %squeeze3A_419 = vector.extract %slice3A_418[0] : f32 from vector<1xf32>
      %broadcast_in_dim3A_420 = vector.broadcast %squeeze3A_419 : f32 to vector<16xf32>
      %mul3A_421 = arith.mulf %get3A_417, %broadcast_in_dim3A_420 : vector<16xf32>
      %swap3A_422 = arith.index_cast %add3A_414 : i32 to index
      %swap3A_423 = arith.constant 0 : index
      %swap3A_424 = tpu.vector_load %arg13[%swap3A_422, %swap3A_423] {strides = array<i32>} : memref<5008x16xf32, #tpu.memory_space<vmem>>, vector<16xf32>,
      tpu.vector_store %arg13[%swap3A_422, %swap3A_423], %mul3A_421 {strides = array<i32>} : memref<5008x16xf32, #tpu.memory_space<vmem>>, vector<16xf32>,
      %mul3A_425 = arith.constant 16 : i32
      %mul3A_426 = arith.muli %scan3A_377, %mul3A_425 : i32
      %add3A_427 = arith.constant 3 : i32
      %add3A_428 = arith.addi %mul3A_426, %add3A_427 : i32
      %get3A_429 = arith.index_cast %add3A_428 : i32 to index
      %get3A_430 = arith.constant 0 : index
      %get3A_431 = tpu.vector_load %arg13[%get3A_429, %get3A_430] {strides = array<i32>} : memref<5008x16xf32, #tpu.memory_space<vmem>>, vector<16xf32>,
      %slice3A_432 = vector.extract_strided_slice %get3A_382 {offsets = [3], sizes = [1], strides = [1]} : vector<16xf32> to vector<1xf32>
      %squeeze3A_433 = vector.extract %slice3A_432[0] : f32 from vector<1xf32>
      %broadcast_in_dim3A_434 = vector.broadcast %squeeze3A_433 : f32 to vector<16xf32>
      %mul3A_435 = arith.mulf %get3A_431, %broadcast_in_dim3A_434 : vector<16xf32>
      %swap3A_436 = arith.index_cast %add3A_428 : i32 to index
      %swap3A_437 = arith.constant 0 : index
      %swap3A_438 = tpu.vector_load %arg13[%swap3A_436, %swap3A_437] {strides = array<i32>} : memref<5008x16xf32, #tpu.memory_space<vmem>>, vector<16xf32>,
      tpu.vector_store %arg13[%swap3A_436, %swap3A_437], %mul3A_435 {strides = array<i32>} : memref<5008x16xf32, #tpu.memory_space<vmem>>, vector<16xf32>,
      %mul3A_439 = arith.constant 16 : i32
      %mul3A_440 = arith.muli %scan3A_377, %mul3A_439 : i32
      %add3A_441 = arith.constant 4 : i32
      %add3A_442 = arith.addi %mul3A_440, %add3A_441 : i32
      %get3A_443 = arith.index_cast %add3A_442 : i32 to index
      %get3A_444 = arith.constant 0 : index
      %get3A_445 = tpu.vector_load %arg13[%get3A_443, %get3A_444] {strides = array<i32>} : memref<5008x16xf32, #tpu.memory_space<vmem>>, vector<16xf32>,
      %slice3A_446 = vector.extract_strided_slice %get3A_382 {offsets = [4], sizes = [1], strides = [1]} : vector<16xf32> to vector<1xf32>
      %squeeze3A_447 = vector.extract %slice3A_446[0] : f32 from vector<1xf32>
      %broadcast_in_dim3A_448 = vector.broadcast %squeeze3A_447 : f32 to vector<16xf32>
      %mul3A_449 = arith.mulf %get3A_445, %broadcast_in_dim3A_448 : vector<16xf32>
      %swap3A_450 = arith.index_cast %add3A_442 : i32 to index
      %swap3A_451 = arith.constant 0 : index
      %swap3A_452 = tpu.vector_load %arg13[%swap3A_450, %swap3A_451] {strides = array<i32>} : memref<5008x16xf32, #tpu.memory_space<vmem>>, vector<16xf32>,
      tpu.vector_store %arg13[%swap3A_450, %swap3A_451], %mul3A_449 {strides = array<i32>} : memref<5008x16xf32, #tpu.memory_space<vmem>>, vector<16xf32>,
      %mul3A_453 = arith.constant 16 : i32
      %mul3A_454 = arith.muli %scan3A_377, %mul3A_453 : i32
      %add3A_455 = arith.constant 5 : i32
      %add3A_456 = arith.addi %mul3A_454, %add3A_455 : i32
      %get3A_457 = arith.index_cast %add3A_456 : i32 to index
      %get3A_458 = arith.constant 0 : index
      %get3A_459 = tpu.vector_load %arg13[%get3A_457, %get3A_458] {strides = array<i32>} : memref<5008x16xf32, #tpu.memory_space<vmem>>, vector<16xf32>,
      %slice3A_460 = vector.extract_strided_slice %get3A_382 {offsets = [5], sizes = [1], strides = [1]} : vector<16xf32> to vector<1xf32>
      %squeeze3A_461 = vector.extract %slice3A_460[0] : f32 from vector<1xf32>
      %broadcast_in_dim3A_462 = vector.broadcast %squeeze3A_461 : f32 to vector<16xf32>
      %mul3A_463 = arith.mulf %get3A_459, %broadcast_in_dim3A_462 : vector<16xf32>
      %swap3A_464 = arith.index_cast %add3A_456 : i32 to index
      %swap3A_465 = arith.constant 0 : index
      %swap3A_466 = tpu.vector_load %arg13[%swap3A_464, %swap3A_465] {strides = array<i32>} : memref<5008x16xf32, #tpu.memory_space<vmem>>, vector<16xf32>,
      tpu.vector_store %arg13[%swap3A_464, %swap3A_465], %mul3A_463 {strides = array<i32>} : memref<5008x16xf32, #tpu.memory_space<vmem>>, vector<16xf32>,
      %mul3A_467 = arith.constant 16 : i32
      %mul3A_468 = arith.muli %scan3A_377, %mul3A_467 : i32
      %add3A_469 = arith.constant 6 : i32
      %add3A_470 = arith.addi %mul3A_468, %add3A_469 : i32
      %get3A_471 = arith.index_cast %add3A_470 : i32 to index
      %get3A_472 = arith.constant 0 : index
      %get3A_473 = tpu.vector_load %arg13[%get3A_471, %get3A_472] {strides = array<i32>} : memref<5008x16xf32, #tpu.memory_space<vmem>>, vector<16xf32>,
      %slice3A_474 = vector.extract_strided_slice %get3A_382 {offsets = [6], sizes = [1], strides = [1]} : vector<16xf32> to vector<1xf32>
      %squeeze3A_475 = vector.extract %slice3A_474[0] : f32 from vector<1xf32>
      %broadcast_in_dim3A_476 = vector.broadcast %squeeze3A_475 : f32 to vector<16xf32>
      %mul3A_477 = arith.mulf %get3A_473, %broadcast_in_dim3A_476 : vector<16xf32>
      %swap3A_478 = arith.index_cast %add3A_470 : i32 to index
      %swap3A_479 = arith.constant 0 : index
      %swap3A_480 = tpu.vector_load %arg13[%swap3A_478, %swap3A_479] {strides = array<i32>} : memref<5008x16xf32, #tpu.memory_space<vmem>>, vector<16xf32>,
      tpu.vector_store %arg13[%swap3A_478, %swap3A_479], %mul3A_477 {strides = array<i32>} : memref<5008x16xf32, #tpu.memory_space<vmem>>, vector<16xf32>,
      %mul3A_481 = arith.constant 16 : i32
      %mul3A_482 = arith.muli %scan3A_377, %mul3A_481 : i32
      %add3A_483 = arith.constant 7 : i32
      %add3A_484 = arith.addi %mul3A_482, %add3A_483 : i32
      %get3A_485 = arith.index_cast %add3A_484 : i32 to index
      %get3A_486 = arith.constant 0 : index
      %get3A_487 = tpu.vector_load %arg13[%get3A_485, %get3A_486] {strides = array<i32>} : memref<5008x16xf32, #tpu.memory_space<vmem>>, vector<16xf32>,
      %slice3A_488 = vector.extract_strided_slice %get3A_382 {offsets = [7], sizes = [1], strides = [1]} : vector<16xf32> to vector<1xf32>
      %squeeze3A_489 = vector.extract %slice3A_488[0] : f32 from vector<1xf32>
      %broadcast_in_dim3A_490 = vector.broadcast %squeeze3A_489 : f32 to vector<16xf32>
      %mul3A_491 = arith.mulf %get3A_487, %broadcast_in_dim3A_490 : vector<16xf32>
      %swap3A_492 = arith.index_cast %add3A_484 : i32 to index
      %swap3A_493 = arith.constant 0 : index
      %swap3A_494 = tpu.vector_load %arg13[%swap3A_492, %swap3A_493] {strides = array<i32>} : memref<5008x16xf32, #tpu.memory_space<vmem>>, vector<16xf32>,
      tpu.vector_store %arg13[%swap3A_492, %swap3A_493], %mul3A_491 {strides = array<i32>} : memref<5008x16xf32, #tpu.memory_space<vmem>>, vector<16xf32>,
      %mul3A_495 = arith.constant 16 : i32
      %mul3A_496 = arith.muli %scan3A_377, %mul3A_495 : i32
      %add3A_497 = arith.constant 8 : i32
      %add3A_498 = arith.addi %mul3A_496, %add3A_497 : i32
      %get3A_499 = arith.index_cast %add3A_498 : i32 to index
      %get3A_500 = arith.constant 0 : index
      %get3A_501 = tpu.vector_load %arg13[%get3A_499, %get3A_500] {strides = array<i32>} : memref<5008x16xf32, #tpu.memory_space<vmem>>, vector<16xf32>,
      %slice3A_502 = vector.extract_strided_slice %get3A_382 {offsets = [8], sizes = [1], strides = [1]} : vector<16xf32> to vector<1xf32>
      %squeeze3A_503 = vector.extract %slice3A_502[0] : f32 from vector<1xf32>
      %broadcast_in_dim3A_504 = vector.broadcast %squeeze3A_503 : f32 to vector<16xf32>
      %mul3A_505 = arith.mulf %get3A_501, %broadcast_in_dim3A_504 : vector<16xf32>
      %swap3A_506 = arith.index_cast %add3A_498 : i32 to index
      %swap3A_507 = arith.constant 0 : index
      %swap3A_508 = tpu.vector_load %arg13[%swap3A_506, %swap3A_507] {strides = array<i32>} : memref<5008x16xf32, #tpu.memory_space<vmem>>, vector<16xf32>,
      tpu.vector_store %arg13[%swap3A_506, %swap3A_507], %mul3A_505 {strides = array<i32>} : memref<5008x16xf32, #tpu.memory_space<vmem>>, vector<16xf32>,
      %mul3A_509 = arith.constant 16 : i32
      %mul3A_510 = arith.muli %scan3A_377, %mul3A_509 : i32
      %add3A_511 = arith.constant 9 : i32
      %add3A_512 = arith.addi %mul3A_510, %add3A_511 : i32
      %get3A_513 = arith.index_cast %add3A_512 : i32 to index
      %get3A_514 = arith.constant 0 : index
      %get3A_515 = tpu.vector_load %arg13[%get3A_513, %get3A_514] {strides = array<i32>} : memref<5008x16xf32, #tpu.memory_space<vmem>>, vector<16xf32>,
      %slice3A_516 = vector.extract_strided_slice %get3A_382 {offsets = [9], sizes = [1], strides = [1]} : vector<16xf32> to vector<1xf32>
      %squeeze3A_517 = vector.extract %slice3A_516[0] : f32 from vector<1xf32>
      %broadcast_in_dim3A_518 = vector.broadcast %squeeze3A_517 : f32 to vector<16xf32>
      %mul3A_519 = arith.mulf %get3A_515, %broadcast_in_dim3A_518 : vector<16xf32>
      %swap3A_520 = arith.index_cast %add3A_512 : i32 to index
      %swap3A_521 = arith.constant 0 : index
      %swap3A_522 = tpu.vector_load %arg13[%swap3A_520, %swap3A_521] {strides = array<i32>} : memref<5008x16xf32, #tpu.memory_space<vmem>>, vector<16xf32>,
      tpu.vector_store %arg13[%swap3A_520, %swap3A_521], %mul3A_519 {strides = array<i32>} : memref<5008x16xf32, #tpu.memory_space<vmem>>, vector<16xf32>,
      %mul3A_523 = arith.constant 16 : i32
      %mul3A_524 = arith.muli %scan3A_377, %mul3A_523 : i32
      %add3A_525 = arith.constant 10 : i32
      %add3A_526 = arith.addi %mul3A_524, %add3A_525 : i32
      %get3A_527 = arith.index_cast %add3A_526 : i32 to index
      %get3A_528 = arith.constant 0 : index
      %get3A_529 = tpu.vector_load %arg13[%get3A_527, %get3A_528] {strides = array<i32>} : memref<5008x16xf32, #tpu.memory_space<vmem>>, vector<16xf32>,
      %slice3A_530 = vector.extract_strided_slice %get3A_382 {offsets = [10], sizes = [1], strides = [1]} : vector<16xf32> to vector<1xf32>
      %squeeze3A_531 = vector.extract %slice3A_530[0] : f32 from vector<1xf32>
      %broadcast_in_dim3A_532 = vector.broadcast %squeeze3A_531 : f32 to vector<16xf32>
      %mul3A_533 = arith.mulf %get3A_529, %broadcast_in_dim3A_532 : vector<16xf32>
      %swap3A_534 = arith.index_cast %add3A_526 : i32 to index
      %swap3A_535 = arith.constant 0 : index
      %swap3A_536 = tpu.vector_load %arg13[%swap3A_534, %swap3A_535] {strides = array<i32>} : memref<5008x16xf32, #tpu.memory_space<vmem>>, vector<16xf32>,
      tpu.vector_store %arg13[%swap3A_534, %swap3A_535], %mul3A_533 {strides = array<i32>} : memref<5008x16xf32, #tpu.memory_space<vmem>>, vector<16xf32>,
      %mul3A_537 = arith.constant 16 : i32
      %mul3A_538 = arith.muli %scan3A_377, %mul3A_537 : i32
      %add3A_539 = arith.constant 11 : i32
      %add3A_540 = arith.addi %mul3A_538, %add3A_539 : i32
      %get3A_541 = arith.index_cast %add3A_540 : i32 to index
      %get3A_542 = arith.constant 0 : index
      %get3A_543 = tpu.vector_load %arg13[%get3A_541, %get3A_542] {strides = array<i32>} : memref<5008x16xf32, #tpu.memory_space<vmem>>, vector<16xf32>,
      %slice3A_544 = vector.extract_strided_slice %get3A_382 {offsets = [11], sizes = [1], strides = [1]} : vector<16xf32> to vector<1xf32>
      %squeeze3A_545 = vector.extract %slice3A_544[0] : f32 from vector<1xf32>
      %broadcast_in_dim3A_546 = vector.broadcast %squeeze3A_545 : f32 to vector<16xf32>
      %mul3A_547 = arith.mulf %get3A_543, %broadcast_in_dim3A_546 : vector<16xf32>
      %swap3A_548 = arith.index_cast %add3A_540 : i32 to index
      %swap3A_549 = arith.constant 0 : index
      %swap3A_550 = tpu.vector_load %arg13[%swap3A_548, %swap3A_549] {strides = array<i32>} : memref<5008x16xf32, #tpu.memory_space<vmem>>, vector<16xf32>,
      tpu.vector_store %arg13[%swap3A_548, %swap3A_549], %mul3A_547 {strides = array<i32>} : memref<5008x16xf32, #tpu.memory_space<vmem>>, vector<16xf32>,
      %mul3A_551 = arith.constant 16 : i32
      %mul3A_552 = arith.muli %scan3A_377, %mul3A_551 : i32
      %add3A_553 = arith.constant 12 : i32
      %add3A_554 = arith.addi %mul3A_552, %add3A_553 : i32
      %get3A_555 = arith.index_cast %add3A_554 : i32 to index
      %get3A_556 = arith.constant 0 : index
      %get3A_557 = tpu.vector_load %arg13[%get3A_555, %get3A_556] {strides = array<i32>} : memref<5008x16xf32, #tpu.memory_space<vmem>>, vector<16xf32>,
      %slice3A_558 = vector.extract_strided_slice %get3A_382 {offsets = [12], sizes = [1], strides = [1]} : vector<16xf32> to vector<1xf32>
      %squeeze3A_559 = vector.extract %slice3A_558[0] : f32 from vector<1xf32>
      %broadcast_in_dim3A_560 = vector.broadcast %squeeze3A_559 : f32 to vector<16xf32>
      %mul3A_561 = arith.mulf %get3A_557, %broadcast_in_dim3A_560 : vector<16xf32>
      %swap3A_562 = arith.index_cast %add3A_554 : i32 to index
      %swap3A_563 = arith.constant 0 : index
      %swap3A_564 = tpu.vector_load %arg13[%swap3A_562, %swap3A_563] {strides = array<i32>} : memref<5008x16xf32, #tpu.memory_space<vmem>>, vector<16xf32>,
      tpu.vector_store %arg13[%swap3A_562, %swap3A_563], %mul3A_561 {strides = array<i32>} : memref<5008x16xf32, #tpu.memory_space<vmem>>, vector<16xf32>,
      %mul3A_565 = arith.constant 16 : i32
      %mul3A_566 = arith.muli %scan3A_377, %mul3A_565 : i32
      %add3A_567 = arith.constant 13 : i32
      %add3A_568 = arith.addi %mul3A_566, %add3A_567 : i32
      %get3A_569 = arith.index_cast %add3A_568 : i32 to index
      %get3A_570 = arith.constant 0 : index
      %get3A_571 = tpu.vector_load %arg13[%get3A_569, %get3A_570] {strides = array<i32>} : memref<5008x16xf32, #tpu.memory_space<vmem>>, vector<16xf32>,
      %slice3A_572 = vector.extract_strided_slice %get3A_382 {offsets = [13], sizes = [1], strides = [1]} : vector<16xf32> to vector<1xf32>
      %squeeze3A_573 = vector.extract %slice3A_572[0] : f32 from vector<1xf32>
      %broadcast_in_dim3A_574 = vector.broadcast %squeeze3A_573 : f32 to vector<16xf32>
      %mul3A_575 = arith.mulf %get3A_571, %broadcast_in_dim3A_574 : vector<16xf32>
      %swap3A_576 = arith.index_cast %add3A_568 : i32 to index
      %swap3A_577 = arith.constant 0 : index
      %swap3A_578 = tpu.vector_load %arg13[%swap3A_576, %swap3A_577] {strides = array<i32>} : memref<5008x16xf32, #tpu.memory_space<vmem>>, vector<16xf32>,
      tpu.vector_store %arg13[%swap3A_576, %swap3A_577], %mul3A_575 {strides = array<i32>} : memref<5008x16xf32, #tpu.memory_space<vmem>>, vector<16xf32>,
      %mul3A_579 = arith.constant 16 : i32
      %mul3A_580 = arith.muli %scan3A_377, %mul3A_579 : i32
      %add3A_581 = arith.constant 14 : i32
      %add3A_582 = arith.addi %mul3A_580, %add3A_581 : i32
      %get3A_583 = arith.index_cast %add3A_582 : i32 to index
      %get3A_584 = arith.constant 0 : index
      %get3A_585 = tpu.vector_load %arg13[%get3A_583, %get3A_584] {strides = array<i32>} : memref<5008x16xf32, #tpu.memory_space<vmem>>, vector<16xf32>,
      %slice3A_586 = vector.extract_strided_slice %get3A_382 {offsets = [14], sizes = [1], strides = [1]} : vector<16xf32> to vector<1xf32>
      %squeeze3A_587 = vector.extract %slice3A_586[0] : f32 from vector<1xf32>
      %broadcast_in_dim3A_588 = vector.broadcast %squeeze3A_587 : f32 to vector<16xf32>
      %mul3A_589 = arith.mulf %get3A_585, %broadcast_in_dim3A_588 : vector<16xf32>
      %swap3A_590 = arith.index_cast %add3A_582 : i32 to index
      %swap3A_591 = arith.constant 0 : index
      %swap3A_592 = tpu.vector_load %arg13[%swap3A_590, %swap3A_591] {strides = array<i32>} : memref<5008x16xf32, #tpu.memory_space<vmem>>, vector<16xf32>,
      tpu.vector_store %arg13[%swap3A_590, %swap3A_591], %mul3A_589 {strides = array<i32>} : memref<5008x16xf32, #tpu.memory_space<vmem>>, vector<16xf32>,
      %mul3A_593 = arith.constant 16 : i32
      %mul3A_594 = arith.muli %scan3A_377, %mul3A_593 : i32
      %add3A_595 = arith.constant 15 : i32
      %add3A_596 = arith.addi %mul3A_594, %add3A_595 : i32
      %get3A_597 = arith.index_cast %add3A_596 : i32 to index
      %get3A_598 = arith.constant 0 : index
      %get3A_599 = tpu.vector_load %arg13[%get3A_597, %get3A_598] {strides = array<i32>} : memref<5008x16xf32, #tpu.memory_space<vmem>>, vector<16xf32>,
      %slice3A_600 = vector.extract_strided_slice %get3A_382 {offsets = [15], sizes = [1], strides = [1]} : vector<16xf32> to vector<1xf32>
      %squeeze3A_601 = vector.extract %slice3A_600[0] : f32 from vector<1xf32>
      %broadcast_in_dim3A_602 = vector.broadcast %squeeze3A_601 : f32 to vector<16xf32>
      %mul3A_603 = arith.mulf %get3A_599, %broadcast_in_dim3A_602 : vector<16xf32>
      %swap3A_604 = arith.index_cast %add3A_596 : i32 to index
      %swap3A_605 = arith.constant 0 : index
      %swap3A_606 = tpu.vector_load %arg13[%swap3A_604, %swap3A_605] {strides = array<i32>} : memref<5008x16xf32, #tpu.memory_space<vmem>>, vector<16xf32>,
      tpu.vector_store %arg13[%swap3A_604, %swap3A_605], %mul3A_603 {strides = array<i32>} : memref<5008x16xf32, #tpu.memory_space<vmem>>, vector<16xf32>,
      %scan3A_607 = arith.constant 0 : i32
      scf.yield %scan3A_607 : i32
    }
    %scan3A_229 = arith.constant 157 : i32
    %dma_start3A_230 = arith.constant 7 : i32
    %dma_start3A_231 = arith.constant 0 : i32
    %dma_start3A_232 = arith.constant 0 : i32
    %dma_start3A_233 = tpu.memref_slice %arg13[%dma_start3A_231, %dma_start3A_232] : memref<5008x16xf32, #tpu.memory_space<vmem>> -> memref<2512x16xf32, #tpu.memory_space<vmem>>
    %dma_start3A_234 = arith.constant 0 : i32
    %dma_start3A_235 = arith.constant 0 : i32
    %dma_start3A_236 = tpu.memref_slice %arg16[%dma_start3A_234, %dma_start3A_235] : memref<10240x16xf32, #tpu.memory_space<vmem_shared>> -> memref<10240x16xf32, #tpu.memory_space<vmem_shared>>
    %dma_start3A_237 = tpu.memref_slice %arg17[%dma_start3A_230] : memref<8x!tpu.dma_semaphore, #tpu.memory_space<semaphore_mem>> -> memref<1x!tpu.dma_semaphore, #tpu.memory_space<semaphore_mem>>
    %dma_start3A_238 = tpu.memref_squeeze %dma_start3A_237 : memref<1x!tpu.dma_semaphore, #tpu.memory_space<semaphore_mem>> -> memref<!tpu.dma_semaphore, #tpu.memory_space<semaphore_mem>>
    tpu.enqueue_indirect_dma source(%dma_start3A_233 : memref<2512x16xf32, #tpu.memory_space<vmem>>) target(%dma_start3A_236 : memref<10240x16xf32, #tpu.memory_space<vmem_shared>>) offsets(%arg11 : memref<2512xi32, #tpu.memory_space<vmem>>) semaphore(%dma_start3A_238 : memref<!tpu.dma_semaphore, #tpu.memory_space<semaphore_mem>>) {add = true}
    %scan3A_239 = arith.constant 0 : i32
    %scan3A_240 = arith.constant 0 : i32
    %scan3A_241 = arith.constant 155 : i32
    %scan3A_242 = arith.addi %scan3A_240, %scan3A_241 : i32
    %scan3A_243 = arith.constant 1 : i32
    %scan3A_244 = scf.for %scan3A_377 = %scan3A_240 to %scan3A_242 step %scan3A_243 iter_args(%scan3A_378 = %scan3A_239) -> (i32)  : i32 {
      %mul3A_379 = arith.constant 16 : i32
      %mul3A_380 = arith.muli %scan3A_377, %mul3A_379 : i32
      %add3A_381 = arith.constant 2512 : i32
      %add3A_382 = arith.addi %add3A_381, %mul3A_380 : i32
      %get3A_383 = arith.index_cast %add3A_382 : i32 to index
      %get3A_384 = tpu.vector_load %arg10[%get3A_383] {strides = array<i32>} : memref<5008xf32, #tpu.memory_space<vmem>>, vector<16xf32>,
      %add3A_385 = arith.constant 0 : i32
      %add3A_386 = arith.addi %add3A_382, %add3A_385 : i32
      %get3A_387 = arith.index_cast %add3A_386 : i32 to index
      %get3A_388 = arith.constant 0 : index
      %get3A_389 = tpu.vector_load %arg13[%get3A_387, %get3A_388] {strides = array<i32>} : memref<5008x16xf32, #tpu.memory_space<vmem>>, vector<16xf32>,
      %slice3A_390 = vector.extract_strided_slice %get3A_384 {offsets = [0], sizes = [1], strides = [1]} : vector<16xf32> to vector<1xf32>
      %squeeze3A_391 = vector.extract %slice3A_390[0] : f32 from vector<1xf32>
      %broadcast_in_dim3A_392 = vector.broadcast %squeeze3A_391 : f32 to vector<16xf32>
      %mul3A_393 = arith.mulf %get3A_389, %broadcast_in_dim3A_392 : vector<16xf32>
      %swap3A_394 = arith.index_cast %add3A_386 : i32 to index
      %swap3A_395 = arith.constant 0 : index
      %swap3A_396 = tpu.vector_load %arg13[%swap3A_394, %swap3A_395] {strides = array<i32>} : memref<5008x16xf32, #tpu.memory_space<vmem>>, vector<16xf32>,
      tpu.vector_store %arg13[%swap3A_394, %swap3A_395], %mul3A_393 {strides = array<i32>} : memref<5008x16xf32, #tpu.memory_space<vmem>>, vector<16xf32>,
      %add3A_397 = arith.constant 1 : i32
      %add3A_398 = arith.addi %add3A_382, %add3A_397 : i32
      %get3A_399 = arith.index_cast %add3A_398 : i32 to index
      %get3A_400 = arith.constant 0 : index
      %get3A_401 = tpu.vector_load %arg13[%get3A_399, %get3A_400] {strides = array<i32>} : memref<5008x16xf32, #tpu.memory_space<vmem>>, vector<16xf32>,
      %slice3A_402 = vector.extract_strided_slice %get3A_384 {offsets = [1], sizes = [1], strides = [1]} : vector<16xf32> to vector<1xf32>
      %squeeze3A_403 = vector.extract %slice3A_402[0] : f32 from vector<1xf32>
      %broadcast_in_dim3A_404 = vector.broadcast %squeeze3A_403 : f32 to vector<16xf32>
      %mul3A_405 = arith.mulf %get3A_401, %broadcast_in_dim3A_404 : vector<16xf32>
      %swap3A_406 = arith.index_cast %add3A_398 : i32 to index
      %swap3A_407 = arith.constant 0 : index
      %swap3A_408 = tpu.vector_load %arg13[%swap3A_406, %swap3A_407] {strides = array<i32>} : memref<5008x16xf32, #tpu.memory_space<vmem>>, vector<16xf32>,
      tpu.vector_store %arg13[%swap3A_406, %swap3A_407], %mul3A_405 {strides = array<i32>} : memref<5008x16xf32, #tpu.memory_space<vmem>>, vector<16xf32>,
      %add3A_409 = arith.constant 2 : i32
      %add3A_410 = arith.addi %add3A_382, %add3A_409 : i32
      %get3A_411 = arith.index_cast %add3A_410 : i32 to index
      %get3A_412 = arith.constant 0 : index
      %get3A_413 = tpu.vector_load %arg13[%get3A_411, %get3A_412] {strides = array<i32>} : memref<5008x16xf32, #tpu.memory_space<vmem>>, vector<16xf32>,
      %slice3A_414 = vector.extract_strided_slice %get3A_384 {offsets = [2], sizes = [1], strides = [1]} : vector<16xf32> to vector<1xf32>
      %squeeze3A_415 = vector.extract %slice3A_414[0] : f32 from vector<1xf32>
      %broadcast_in_dim3A_416 = vector.broadcast %squeeze3A_415 : f32 to vector<16xf32>
      %mul3A_417 = arith.mulf %get3A_413, %broadcast_in_dim3A_416 : vector<16xf32>
      %swap3A_418 = arith.index_cast %add3A_410 : i32 to index
      %swap3A_419 = arith.constant 0 : index
      %swap3A_420 = tpu.vector_load %arg13[%swap3A_418, %swap3A_419] {strides = array<i32>} : memref<5008x16xf32, #tpu.memory_space<vmem>>, vector<16xf32>,
      tpu.vector_store %arg13[%swap3A_418, %swap3A_419], %mul3A_417 {strides = array<i32>} : memref<5008x16xf32, #tpu.memory_space<vmem>>, vector<16xf32>,
      %add3A_421 = arith.constant 3 : i32
      %add3A_422 = arith.addi %add3A_382, %add3A_421 : i32
      %get3A_423 = arith.index_cast %add3A_422 : i32 to index
      %get3A_424 = arith.constant 0 : index
      %get3A_425 = tpu.vector_load %arg13[%get3A_423, %get3A_424] {strides = array<i32>} : memref<5008x16xf32, #tpu.memory_space<vmem>>, vector<16xf32>,
      %slice3A_426 = vector.extract_strided_slice %get3A_384 {offsets = [3], sizes = [1], strides = [1]} : vector<16xf32> to vector<1xf32>
      %squeeze3A_427 = vector.extract %slice3A_426[0] : f32 from vector<1xf32>
      %broadcast_in_dim3A_428 = vector.broadcast %squeeze3A_427 : f32 to vector<16xf32>
      %mul3A_429 = arith.mulf %get3A_425, %broadcast_in_dim3A_428 : vector<16xf32>
      %swap3A_430 = arith.index_cast %add3A_422 : i32 to index
      %swap3A_431 = arith.constant 0 : index
      %swap3A_432 = tpu.vector_load %arg13[%swap3A_430, %swap3A_431] {strides = array<i32>} : memref<5008x16xf32, #tpu.memory_space<vmem>>, vector<16xf32>,
      tpu.vector_store %arg13[%swap3A_430, %swap3A_431], %mul3A_429 {strides = array<i32>} : memref<5008x16xf32, #tpu.memory_space<vmem>>, vector<16xf32>,
      %add3A_433 = arith.constant 4 : i32
      %add3A_434 = arith.addi %add3A_382, %add3A_433 : i32
      %get3A_435 = arith.index_cast %add3A_434 : i32 to index
      %get3A_436 = arith.constant 0 : index
      %get3A_437 = tpu.vector_load %arg13[%get3A_435, %get3A_436] {strides = array<i32>} : memref<5008x16xf32, #tpu.memory_space<vmem>>, vector<16xf32>,
      %slice3A_438 = vector.extract_strided_slice %get3A_384 {offsets = [4], sizes = [1], strides = [1]} : vector<16xf32> to vector<1xf32>
      %squeeze3A_439 = vector.extract %slice3A_438[0] : f32 from vector<1xf32>
      %broadcast_in_dim3A_440 = vector.broadcast %squeeze3A_439 : f32 to vector<16xf32>
      %mul3A_441 = arith.mulf %get3A_437, %broadcast_in_dim3A_440 : vector<16xf32>
      %swap3A_442 = arith.index_cast %add3A_434 : i32 to index
      %swap3A_443 = arith.constant 0 : index
      %swap3A_444 = tpu.vector_load %arg13[%swap3A_442, %swap3A_443] {strides = array<i32>} : memref<5008x16xf32, #tpu.memory_space<vmem>>, vector<16xf32>,
      tpu.vector_store %arg13[%swap3A_442, %swap3A_443], %mul3A_441 {strides = array<i32>} : memref<5008x16xf32, #tpu.memory_space<vmem>>, vector<16xf32>,
      %add3A_445 = arith.constant 5 : i32
      %add3A_446 = arith.addi %add3A_382, %add3A_445 : i32
      %get3A_447 = arith.index_cast %add3A_446 : i32 to index
      %get3A_448 = arith.constant 0 : index
      %get3A_449 = tpu.vector_load %arg13[%get3A_447, %get3A_448] {strides = array<i32>} : memref<5008x16xf32, #tpu.memory_space<vmem>>, vector<16xf32>,
      %slice3A_450 = vector.extract_strided_slice %get3A_384 {offsets = [5], sizes = [1], strides = [1]} : vector<16xf32> to vector<1xf32>
      %squeeze3A_451 = vector.extract %slice3A_450[0] : f32 from vector<1xf32>
      %broadcast_in_dim3A_452 = vector.broadcast %squeeze3A_451 : f32 to vector<16xf32>
      %mul3A_453 = arith.mulf %get3A_449, %broadcast_in_dim3A_452 : vector<16xf32>
      %swap3A_454 = arith.index_cast %add3A_446 : i32 to index
      %swap3A_455 = arith.constant 0 : index
      %swap3A_456 = tpu.vector_load %arg13[%swap3A_454, %swap3A_455] {strides = array<i32>} : memref<5008x16xf32, #tpu.memory_space<vmem>>, vector<16xf32>,
      tpu.vector_store %arg13[%swap3A_454, %swap3A_455], %mul3A_453 {strides = array<i32>} : memref<5008x16xf32, #tpu.memory_space<vmem>>, vector<16xf32>,
      %add3A_457 = arith.constant 6 : i32
      %add3A_458 = arith.addi %add3A_382, %add3A_457 : i32
      %get3A_459 = arith.index_cast %add3A_458 : i32 to index
      %get3A_460 = arith.constant 0 : index
      %get3A_461 = tpu.vector_load %arg13[%get3A_459, %get3A_460] {strides = array<i32>} : memref<5008x16xf32, #tpu.memory_space<vmem>>, vector<16xf32>,
      %slice3A_462 = vector.extract_strided_slice %get3A_384 {offsets = [6], sizes = [1], strides = [1]} : vector<16xf32> to vector<1xf32>
      %squeeze3A_463 = vector.extract %slice3A_462[0] : f32 from vector<1xf32>
      %broadcast_in_dim3A_464 = vector.broadcast %squeeze3A_463 : f32 to vector<16xf32>
      %mul3A_465 = arith.mulf %get3A_461, %broadcast_in_dim3A_464 : vector<16xf32>
      %swap3A_466 = arith.index_cast %add3A_458 : i32 to index
      %swap3A_467 = arith.constant 0 : index
      %swap3A_468 = tpu.vector_load %arg13[%swap3A_466, %swap3A_467] {strides = array<i32>} : memref<5008x16xf32, #tpu.memory_space<vmem>>, vector<16xf32>,
      tpu.vector_store %arg13[%swap3A_466, %swap3A_467], %mul3A_465 {strides = array<i32>} : memref<5008x16xf32, #tpu.memory_space<vmem>>, vector<16xf32>,
      %add3A_469 = arith.constant 7 : i32
      %add3A_470 = arith.addi %add3A_382, %add3A_469 : i32
      %get3A_471 = arith.index_cast %add3A_470 : i32 to index
      %get3A_472 = arith.constant 0 : index
      %get3A_473 = tpu.vector_load %arg13[%get3A_471, %get3A_472] {strides = array<i32>} : memref<5008x16xf32, #tpu.memory_space<vmem>>, vector<16xf32>,
      %slice3A_474 = vector.extract_strided_slice %get3A_384 {offsets = [7], sizes = [1], strides = [1]} : vector<16xf32> to vector<1xf32>
      %squeeze3A_475 = vector.extract %slice3A_474[0] : f32 from vector<1xf32>
      %broadcast_in_dim3A_476 = vector.broadcast %squeeze3A_475 : f32 to vector<16xf32>
      %mul3A_477 = arith.mulf %get3A_473, %broadcast_in_dim3A_476 : vector<16xf32>
      %swap3A_478 = arith.index_cast %add3A_470 : i32 to index
      %swap3A_479 = arith.constant 0 : index
      %swap3A_480 = tpu.vector_load %arg13[%swap3A_478, %swap3A_479] {strides = array<i32>} : memref<5008x16xf32, #tpu.memory_space<vmem>>, vector<16xf32>,
      tpu.vector_store %arg13[%swap3A_478, %swap3A_479], %mul3A_477 {strides = array<i32>} : memref<5008x16xf32, #tpu.memory_space<vmem>>, vector<16xf32>,
      %add3A_481 = arith.constant 8 : i32
      %add3A_482 = arith.addi %add3A_382, %add3A_481 : i32
      %get3A_483 = arith.index_cast %add3A_482 : i32 to index
      %get3A_484 = arith.constant 0 : index
      %get3A_485 = tpu.vector_load %arg13[%get3A_483, %get3A_484] {strides = array<i32>} : memref<5008x16xf32, #tpu.memory_space<vmem>>, vector<16xf32>,
      %slice3A_486 = vector.extract_strided_slice %get3A_384 {offsets = [8], sizes = [1], strides = [1]} : vector<16xf32> to vector<1xf32>
      %squeeze3A_487 = vector.extract %slice3A_486[0] : f32 from vector<1xf32>
      %broadcast_in_dim3A_488 = vector.broadcast %squeeze3A_487 : f32 to vector<16xf32>
      %mul3A_489 = arith.mulf %get3A_485, %broadcast_in_dim3A_488 : vector<16xf32>
      %swap3A_490 = arith.index_cast %add3A_482 : i32 to index
      %swap3A_491 = arith.constant 0 : index
      %swap3A_492 = tpu.vector_load %arg13[%swap3A_490, %swap3A_491] {strides = array<i32>} : memref<5008x16xf32, #tpu.memory_space<vmem>>, vector<16xf32>,
      tpu.vector_store %arg13[%swap3A_490, %swap3A_491], %mul3A_489 {strides = array<i32>} : memref<5008x16xf32, #tpu.memory_space<vmem>>, vector<16xf32>,
      %add3A_493 = arith.constant 9 : i32
      %add3A_494 = arith.addi %add3A_382, %add3A_493 : i32
      %get3A_495 = arith.index_cast %add3A_494 : i32 to index
      %get3A_496 = arith.constant 0 : index
      %get3A_497 = tpu.vector_load %arg13[%get3A_495, %get3A_496] {strides = array<i32>} : memref<5008x16xf32, #tpu.memory_space<vmem>>, vector<16xf32>,
      %slice3A_498 = vector.extract_strided_slice %get3A_384 {offsets = [9], sizes = [1], strides = [1]} : vector<16xf32> to vector<1xf32>
      %squeeze3A_499 = vector.extract %slice3A_498[0] : f32 from vector<1xf32>
      %broadcast_in_dim3A_500 = vector.broadcast %squeeze3A_499 : f32 to vector<16xf32>
      %mul3A_501 = arith.mulf %get3A_497, %broadcast_in_dim3A_500 : vector<16xf32>
      %swap3A_502 = arith.index_cast %add3A_494 : i32 to index
      %swap3A_503 = arith.constant 0 : index
      %swap3A_504 = tpu.vector_load %arg13[%swap3A_502, %swap3A_503] {strides = array<i32>} : memref<5008x16xf32, #tpu.memory_space<vmem>>, vector<16xf32>,
      tpu.vector_store %arg13[%swap3A_502, %swap3A_503], %mul3A_501 {strides = array<i32>} : memref<5008x16xf32, #tpu.memory_space<vmem>>, vector<16xf32>,
      %add3A_505 = arith.constant 10 : i32
      %add3A_506 = arith.addi %add3A_382, %add3A_505 : i32
      %get3A_507 = arith.index_cast %add3A_506 : i32 to index
      %get3A_508 = arith.constant 0 : index
      %get3A_509 = tpu.vector_load %arg13[%get3A_507, %get3A_508] {strides = array<i32>} : memref<5008x16xf32, #tpu.memory_space<vmem>>, vector<16xf32>,
      %slice3A_510 = vector.extract_strided_slice %get3A_384 {offsets = [10], sizes = [1], strides = [1]} : vector<16xf32> to vector<1xf32>
      %squeeze3A_511 = vector.extract %slice3A_510[0] : f32 from vector<1xf32>
      %broadcast_in_dim3A_512 = vector.broadcast %squeeze3A_511 : f32 to vector<16xf32>
      %mul3A_513 = arith.mulf %get3A_509, %broadcast_in_dim3A_512 : vector<16xf32>
      %swap3A_514 = arith.index_cast %add3A_506 : i32 to index
      %swap3A_515 = arith.constant 0 : index
      %swap3A_516 = tpu.vector_load %arg13[%swap3A_514, %swap3A_515] {strides = array<i32>} : memref<5008x16xf32, #tpu.memory_space<vmem>>, vector<16xf32>,
      tpu.vector_store %arg13[%swap3A_514, %swap3A_515], %mul3A_513 {strides = array<i32>} : memref<5008x16xf32, #tpu.memory_space<vmem>>, vector<16xf32>,
      %add3A_517 = arith.constant 11 : i32
      %add3A_518 = arith.addi %add3A_382, %add3A_517 : i32
      %get3A_519 = arith.index_cast %add3A_518 : i32 to index
      %get3A_520 = arith.constant 0 : index
      %get3A_521 = tpu.vector_load %arg13[%get3A_519, %get3A_520] {strides = array<i32>} : memref<5008x16xf32, #tpu.memory_space<vmem>>, vector<16xf32>,
      %slice3A_522 = vector.extract_strided_slice %get3A_384 {offsets = [11], sizes = [1], strides = [1]} : vector<16xf32> to vector<1xf32>
      %squeeze3A_523 = vector.extract %slice3A_522[0] : f32 from vector<1xf32>
      %broadcast_in_dim3A_524 = vector.broadcast %squeeze3A_523 : f32 to vector<16xf32>
      %mul3A_525 = arith.mulf %get3A_521, %broadcast_in_dim3A_524 : vector<16xf32>
      %swap3A_526 = arith.index_cast %add3A_518 : i32 to index
      %swap3A_527 = arith.constant 0 : index
      %swap3A_528 = tpu.vector_load %arg13[%swap3A_526, %swap3A_527] {strides = array<i32>} : memref<5008x16xf32, #tpu.memory_space<vmem>>, vector<16xf32>,
      tpu.vector_store %arg13[%swap3A_526, %swap3A_527], %mul3A_525 {strides = array<i32>} : memref<5008x16xf32, #tpu.memory_space<vmem>>, vector<16xf32>,
      %add3A_529 = arith.constant 12 : i32
      %add3A_530 = arith.addi %add3A_382, %add3A_529 : i32
      %get3A_531 = arith.index_cast %add3A_530 : i32 to index
      %get3A_532 = arith.constant 0 : index
      %get3A_533 = tpu.vector_load %arg13[%get3A_531, %get3A_532] {strides = array<i32>} : memref<5008x16xf32, #tpu.memory_space<vmem>>, vector<16xf32>,
      %slice3A_534 = vector.extract_strided_slice %get3A_384 {offsets = [12], sizes = [1], strides = [1]} : vector<16xf32> to vector<1xf32>
      %squeeze3A_535 = vector.extract %slice3A_534[0] : f32 from vector<1xf32>
      %broadcast_in_dim3A_536 = vector.broadcast %squeeze3A_535 : f32 to vector<16xf32>
      %mul3A_537 = arith.mulf %get3A_533, %broadcast_in_dim3A_536 : vector<16xf32>
      %swap3A_538 = arith.index_cast %add3A_530 : i32 to index
      %swap3A_539 = arith.constant 0 : index
      %swap3A_540 = tpu.vector_load %arg13[%swap3A_538, %swap3A_539] {strides = array<i32>} : memref<5008x16xf32, #tpu.memory_space<vmem>>, vector<16xf32>,
      tpu.vector_store %arg13[%swap3A_538, %swap3A_539], %mul3A_537 {strides = array<i32>} : memref<5008x16xf32, #tpu.memory_space<vmem>>, vector<16xf32>,
      %add3A_541 = arith.constant 13 : i32
      %add3A_542 = arith.addi %add3A_382, %add3A_541 : i32
      %get3A_543 = arith.index_cast %add3A_542 : i32 to index
      %get3A_544 = arith.constant 0 : index
      %get3A_545 = tpu.vector_load %arg13[%get3A_543, %get3A_544] {strides = array<i32>} : memref<5008x16xf32, #tpu.memory_space<vmem>>, vector<16xf32>,
      %slice3A_546 = vector.extract_strided_slice %get3A_384 {offsets = [13], sizes = [1], strides = [1]} : vector<16xf32> to vector<1xf32>
      %squeeze3A_547 = vector.extract %slice3A_546[0] : f32 from vector<1xf32>
      %broadcast_in_dim3A_548 = vector.broadcast %squeeze3A_547 : f32 to vector<16xf32>
      %mul3A_549 = arith.mulf %get3A_545, %broadcast_in_dim3A_548 : vector<16xf32>
      %swap3A_550 = arith.index_cast %add3A_542 : i32 to index
      %swap3A_551 = arith.constant 0 : index
      %swap3A_552 = tpu.vector_load %arg13[%swap3A_550, %swap3A_551] {strides = array<i32>} : memref<5008x16xf32, #tpu.memory_space<vmem>>, vector<16xf32>,
      tpu.vector_store %arg13[%swap3A_550, %swap3A_551], %mul3A_549 {strides = array<i32>} : memref<5008x16xf32, #tpu.memory_space<vmem>>, vector<16xf32>,
      %add3A_553 = arith.constant 14 : i32
      %add3A_554 = arith.addi %add3A_382, %add3A_553 : i32
      %get3A_555 = arith.index_cast %add3A_554 : i32 to index
      %get3A_556 = arith.constant 0 : index
      %get3A_557 = tpu.vector_load %arg13[%get3A_555, %get3A_556] {strides = array<i32>} : memref<5008x16xf32, #tpu.memory_space<vmem>>, vector<16xf32>,
      %slice3A_558 = vector.extract_strided_slice %get3A_384 {offsets = [14], sizes = [1], strides = [1]} : vector<16xf32> to vector<1xf32>
      %squeeze3A_559 = vector.extract %slice3A_558[0] : f32 from vector<1xf32>
      %broadcast_in_dim3A_560 = vector.broadcast %squeeze3A_559 : f32 to vector<16xf32>
      %mul3A_561 = arith.mulf %get3A_557, %broadcast_in_dim3A_560 : vector<16xf32>
      %swap3A_562 = arith.index_cast %add3A_554 : i32 to index
      %swap3A_563 = arith.constant 0 : index
      %swap3A_564 = tpu.vector_load %arg13[%swap3A_562, %swap3A_563] {strides = array<i32>} : memref<5008x16xf32, #tpu.memory_space<vmem>>, vector<16xf32>,
      tpu.vector_store %arg13[%swap3A_562, %swap3A_563], %mul3A_561 {strides = array<i32>} : memref<5008x16xf32, #tpu.memory_space<vmem>>, vector<16xf32>,
      %add3A_565 = arith.constant 15 : i32
      %add3A_566 = arith.addi %add3A_382, %add3A_565 : i32
      %get3A_567 = arith.index_cast %add3A_566 : i32 to index
      %get3A_568 = arith.constant 0 : index
      %get3A_569 = tpu.vector_load %arg13[%get3A_567, %get3A_568] {strides = array<i32>} : memref<5008x16xf32, #tpu.memory_space<vmem>>, vector<16xf32>,
      %slice3A_570 = vector.extract_strided_slice %get3A_384 {offsets = [15], sizes = [1], strides = [1]} : vector<16xf32> to vector<1xf32>
      %squeeze3A_571 = vector.extract %slice3A_570[0] : f32 from vector<1xf32>
      %broadcast_in_dim3A_572 = vector.broadcast %squeeze3A_571 : f32 to vector<16xf32>
      %mul3A_573 = arith.mulf %get3A_569, %broadcast_in_dim3A_572 : vector<16xf32>
      %swap3A_574 = arith.index_cast %add3A_566 : i32 to index
      %swap3A_575 = arith.constant 0 : index
      %swap3A_576 = tpu.vector_load %arg13[%swap3A_574, %swap3A_575] {strides = array<i32>} : memref<5008x16xf32, #tpu.memory_space<vmem>>, vector<16xf32>,
      tpu.vector_store %arg13[%swap3A_574, %swap3A_575], %mul3A_573 {strides = array<i32>} : memref<5008x16xf32, #tpu.memory_space<vmem>>, vector<16xf32>,
      %scan3A_577 = arith.constant 0 : i32
      scf.yield %scan3A_577 : i32
    }
    %scan3A_245 = arith.constant 155 : i32
    %get3A_246 = arith.constant 4992 : index
    %get3A_247 = tpu.vector_load %arg10[%get3A_246] {strides = array<i32>} : memref<5008xf32, #tpu.memory_space<vmem>>, vector<16xf32>,
    %get3A_248 = arith.constant 4992 : i32
    %get3A_249 = arith.index_cast %get3A_248 : i32 to index
    %get3A_250 = arith.constant 0 : index
    %get3A_251 = tpu.vector_load %arg13[%get3A_249, %get3A_250] {strides = array<i32>} : memref<5008x16xf32, #tpu.memory_space<vmem>>, vector<16xf32>,
    %slice3A = vector.extract_strided_slice %get3A_247 {offsets = [0], sizes = [1], strides = [1]} : vector<16xf32> to vector<1xf32>
    %squeeze3A = vector.extract %slice3A[0] : f32 from vector<1xf32>
    %broadcast_in_dim3A_252 = vector.broadcast %squeeze3A : f32 to vector<16xf32>
    %mul3A_253 = arith.mulf %get3A_251, %broadcast_in_dim3A_252 : vector<16xf32>
    %swap3A_254 = arith.constant 4992 : i32
    %swap3A_255 = arith.index_cast %swap3A_254 : i32 to index
    %swap3A_256 = arith.constant 0 : index
    %swap3A_257 = tpu.vector_load %arg13[%swap3A_255, %swap3A_256] {strides = array<i32>} : memref<5008x16xf32, #tpu.memory_space<vmem>>, vector<16xf32>,
    tpu.vector_store %arg13[%swap3A_255, %swap3A_256], %mul3A_253 {strides = array<i32>} : memref<5008x16xf32, #tpu.memory_space<vmem>>, vector<16xf32>,
    %get3A_258 = arith.constant 4993 : i32
    %get3A_259 = arith.index_cast %get3A_258 : i32 to index
    %get3A_260 = arith.constant 0 : index
    %get3A_261 = tpu.vector_load %arg13[%get3A_259, %get3A_260] {strides = array<i32>} : memref<5008x16xf32, #tpu.memory_space<vmem>>, vector<16xf32>,
    %slice3A_262 = vector.extract_strided_slice %get3A_247 {offsets = [1], sizes = [1], strides = [1]} : vector<16xf32> to vector<1xf32>
    %squeeze3A_263 = vector.extract %slice3A_262[0] : f32 from vector<1xf32>
    %broadcast_in_dim3A_264 = vector.broadcast %squeeze3A_263 : f32 to vector<16xf32>
    %mul3A_265 = arith.mulf %get3A_261, %broadcast_in_dim3A_264 : vector<16xf32>
    %swap3A_266 = arith.constant 4993 : i32
    %swap3A_267 = arith.index_cast %swap3A_266 : i32 to index
    %swap3A_268 = arith.constant 0 : index
    %swap3A_269 = tpu.vector_load %arg13[%swap3A_267, %swap3A_268] {strides = array<i32>} : memref<5008x16xf32, #tpu.memory_space<vmem>>, vector<16xf32>,
    tpu.vector_store %arg13[%swap3A_267, %swap3A_268], %mul3A_265 {strides = array<i32>} : memref<5008x16xf32, #tpu.memory_space<vmem>>, vector<16xf32>,
    %get3A_270 = arith.constant 4994 : i32
    %get3A_271 = arith.index_cast %get3A_270 : i32 to index
    %get3A_272 = arith.constant 0 : index
    %get3A_273 = tpu.vector_load %arg13[%get3A_271, %get3A_272] {strides = array<i32>} : memref<5008x16xf32, #tpu.memory_space<vmem>>, vector<16xf32>,
    %slice3A_274 = vector.extract_strided_slice %get3A_247 {offsets = [2], sizes = [1], strides = [1]} : vector<16xf32> to vector<1xf32>
    %squeeze3A_275 = vector.extract %slice3A_274[0] : f32 from vector<1xf32>
    %broadcast_in_dim3A_276 = vector.broadcast %squeeze3A_275 : f32 to vector<16xf32>
    %mul3A_277 = arith.mulf %get3A_273, %broadcast_in_dim3A_276 : vector<16xf32>
    %swap3A_278 = arith.constant 4994 : i32
    %swap3A_279 = arith.index_cast %swap3A_278 : i32 to index
    %swap3A_280 = arith.constant 0 : index
    %swap3A_281 = tpu.vector_load %arg13[%swap3A_279, %swap3A_280] {strides = array<i32>} : memref<5008x16xf32, #tpu.memory_space<vmem>>, vector<16xf32>,
    tpu.vector_store %arg13[%swap3A_279, %swap3A_280], %mul3A_277 {strides = array<i32>} : memref<5008x16xf32, #tpu.memory_space<vmem>>, vector<16xf32>,
    %get3A_282 = arith.constant 4995 : i32
    %get3A_283 = arith.index_cast %get3A_282 : i32 to index
    %get3A_284 = arith.constant 0 : index
    %get3A_285 = tpu.vector_load %arg13[%get3A_283, %get3A_284] {strides = array<i32>} : memref<5008x16xf32, #tpu.memory_space<vmem>>, vector<16xf32>,
    %slice3A_286 = vector.extract_strided_slice %get3A_247 {offsets = [3], sizes = [1], strides = [1]} : vector<16xf32> to vector<1xf32>
    %squeeze3A_287 = vector.extract %slice3A_286[0] : f32 from vector<1xf32>
    %broadcast_in_dim3A_288 = vector.broadcast %squeeze3A_287 : f32 to vector<16xf32>
    %mul3A_289 = arith.mulf %get3A_285, %broadcast_in_dim3A_288 : vector<16xf32>
    %swap3A_290 = arith.constant 4995 : i32
    %swap3A_291 = arith.index_cast %swap3A_290 : i32 to index
    %swap3A_292 = arith.constant 0 : index
    %swap3A_293 = tpu.vector_load %arg13[%swap3A_291, %swap3A_292] {strides = array<i32>} : memref<5008x16xf32, #tpu.memory_space<vmem>>, vector<16xf32>,
    tpu.vector_store %arg13[%swap3A_291, %swap3A_292], %mul3A_289 {strides = array<i32>} : memref<5008x16xf32, #tpu.memory_space<vmem>>, vector<16xf32>,
    %get3A_294 = arith.constant 4996 : i32
    %get3A_295 = arith.index_cast %get3A_294 : i32 to index
    %get3A_296 = arith.constant 0 : index
    %get3A_297 = tpu.vector_load %arg13[%get3A_295, %get3A_296] {strides = array<i32>} : memref<5008x16xf32, #tpu.memory_space<vmem>>, vector<16xf32>,
    %slice3A_298 = vector.extract_strided_slice %get3A_247 {offsets = [4], sizes = [1], strides = [1]} : vector<16xf32> to vector<1xf32>
    %squeeze3A_299 = vector.extract %slice3A_298[0] : f32 from vector<1xf32>
    %broadcast_in_dim3A_300 = vector.broadcast %squeeze3A_299 : f32 to vector<16xf32>
    %mul3A_301 = arith.mulf %get3A_297, %broadcast_in_dim3A_300 : vector<16xf32>
    %swap3A_302 = arith.constant 4996 : i32
    %swap3A_303 = arith.index_cast %swap3A_302 : i32 to index
    %swap3A_304 = arith.constant 0 : index
    %swap3A_305 = tpu.vector_load %arg13[%swap3A_303, %swap3A_304] {strides = array<i32>} : memref<5008x16xf32, #tpu.memory_space<vmem>>, vector<16xf32>,
    tpu.vector_store %arg13[%swap3A_303, %swap3A_304], %mul3A_301 {strides = array<i32>} : memref<5008x16xf32, #tpu.memory_space<vmem>>, vector<16xf32>,
    %get3A_306 = arith.constant 4997 : i32
    %get3A_307 = arith.index_cast %get3A_306 : i32 to index
    %get3A_308 = arith.constant 0 : index
    %get3A_309 = tpu.vector_load %arg13[%get3A_307, %get3A_308] {strides = array<i32>} : memref<5008x16xf32, #tpu.memory_space<vmem>>, vector<16xf32>,
    %slice3A_310 = vector.extract_strided_slice %get3A_247 {offsets = [5], sizes = [1], strides = [1]} : vector<16xf32> to vector<1xf32>
    %squeeze3A_311 = vector.extract %slice3A_310[0] : f32 from vector<1xf32>
    %broadcast_in_dim3A_312 = vector.broadcast %squeeze3A_311 : f32 to vector<16xf32>
    %mul3A_313 = arith.mulf %get3A_309, %broadcast_in_dim3A_312 : vector<16xf32>
    %swap3A_314 = arith.constant 4997 : i32
    %swap3A_315 = arith.index_cast %swap3A_314 : i32 to index
    %swap3A_316 = arith.constant 0 : index
    %swap3A_317 = tpu.vector_load %arg13[%swap3A_315, %swap3A_316] {strides = array<i32>} : memref<5008x16xf32, #tpu.memory_space<vmem>>, vector<16xf32>,
    tpu.vector_store %arg13[%swap3A_315, %swap3A_316], %mul3A_313 {strides = array<i32>} : memref<5008x16xf32, #tpu.memory_space<vmem>>, vector<16xf32>,
    %get3A_318 = arith.constant 4998 : i32
    %get3A_319 = arith.index_cast %get3A_318 : i32 to index
    %get3A_320 = arith.constant 0 : index
    %get3A_321 = tpu.vector_load %arg13[%get3A_319, %get3A_320] {strides = array<i32>} : memref<5008x16xf32, #tpu.memory_space<vmem>>, vector<16xf32>,
    %slice3A_322 = vector.extract_strided_slice %get3A_247 {offsets = [6], sizes = [1], strides = [1]} : vector<16xf32> to vector<1xf32>
    %squeeze3A_323 = vector.extract %slice3A_322[0] : f32 from vector<1xf32>
    %broadcast_in_dim3A_324 = vector.broadcast %squeeze3A_323 : f32 to vector<16xf32>
    %mul3A_325 = arith.mulf %get3A_321, %broadcast_in_dim3A_324 : vector<16xf32>
    %swap3A_326 = arith.constant 4998 : i32
    %swap3A_327 = arith.index_cast %swap3A_326 : i32 to index
    %swap3A_328 = arith.constant 0 : index
    %swap3A_329 = tpu.vector_load %arg13[%swap3A_327, %swap3A_328] {strides = array<i32>} : memref<5008x16xf32, #tpu.memory_space<vmem>>, vector<16xf32>,
    tpu.vector_store %arg13[%swap3A_327, %swap3A_328], %mul3A_325 {strides = array<i32>} : memref<5008x16xf32, #tpu.memory_space<vmem>>, vector<16xf32>,
    %get3A_330 = arith.constant 4999 : i32
    %get3A_331 = arith.index_cast %get3A_330 : i32 to index
    %get3A_332 = arith.constant 0 : index
    %get3A_333 = tpu.vector_load %arg13[%get3A_331, %get3A_332] {strides = array<i32>} : memref<5008x16xf32, #tpu.memory_space<vmem>>, vector<16xf32>,
    %slice3A_334 = vector.extract_strided_slice %get3A_247 {offsets = [7], sizes = [1], strides = [1]} : vector<16xf32> to vector<1xf32>
    %squeeze3A_335 = vector.extract %slice3A_334[0] : f32 from vector<1xf32>
    %broadcast_in_dim3A_336 = vector.broadcast %squeeze3A_335 : f32 to vector<16xf32>
    %mul3A_337 = arith.mulf %get3A_333, %broadcast_in_dim3A_336 : vector<16xf32>
    %swap3A_338 = arith.constant 4999 : i32
    %swap3A_339 = arith.index_cast %swap3A_338 : i32 to index
    %swap3A_340 = arith.constant 0 : index
    %swap3A_341 = tpu.vector_load %arg13[%swap3A_339, %swap3A_340] {strides = array<i32>} : memref<5008x16xf32, #tpu.memory_space<vmem>>, vector<16xf32>,
    tpu.vector_store %arg13[%swap3A_339, %swap3A_340], %mul3A_337 {strides = array<i32>} : memref<5008x16xf32, #tpu.memory_space<vmem>>, vector<16xf32>,
    %dma_start3A_342 = arith.constant 2 : i32
    %dma_start3A_343 = arith.constant 2512 : i32
    %dma_start3A_344 = arith.constant 0 : i32
    %dma_start3A_345 = tpu.memref_slice %arg13[%dma_start3A_343, %dma_start3A_344] : memref<5008x16xf32, #tpu.memory_space<vmem>> -> memref<2496x16xf32, #tpu.memory_space<vmem>>
    %dma_start3A_346 = arith.constant 0 : i32
    %dma_start3A_347 = arith.constant 0 : i32
    %dma_start3A_348 = tpu.memref_slice %arg16[%dma_start3A_346, %dma_start3A_347] : memref<10240x16xf32, #tpu.memory_space<vmem_shared>> -> memref<10240x16xf32, #tpu.memory_space<vmem_shared>>
    %dma_start3A_349 = tpu.memref_slice %arg17[%dma_start3A_342] : memref<8x!tpu.dma_semaphore, #tpu.memory_space<semaphore_mem>> -> memref<1x!tpu.dma_semaphore, #tpu.memory_space<semaphore_mem>>
    %dma_start3A_350 = tpu.memref_squeeze %dma_start3A_349 : memref<1x!tpu.dma_semaphore, #tpu.memory_space<semaphore_mem>> -> memref<!tpu.dma_semaphore, #tpu.memory_space<semaphore_mem>>
    tpu.enqueue_indirect_dma source(%dma_start3A_345 : memref<2496x16xf32, #tpu.memory_space<vmem>>) target(%dma_start3A_348 : memref<10240x16xf32, #tpu.memory_space<vmem_shared>>) offsets(%arg12 : memref<2496xi32, #tpu.memory_space<vmem>>) semaphore(%dma_start3A_350 : memref<!tpu.dma_semaphore, #tpu.memory_space<semaphore_mem>>) {add = true}
    %dma_wait3A_351 = arith.constant 7 : i32
    %dma_wait3A_352 = arith.constant 0 : i32
    %dma_wait3A_353 = arith.constant 0 : i32
    %dma_wait3A_354 = tpu.memref_slice %arg13[%dma_wait3A_352, %dma_wait3A_353] : memref<5008x16xf32, #tpu.memory_space<vmem>> -> memref<2512x16xf32, #tpu.memory_space<vmem>>
    %dma_wait3A_355 = arith.constant 0 : i32
    %dma_wait3A_356 = arith.constant 0 : i32
    %dma_wait3A_357 = tpu.memref_slice %arg16[%dma_wait3A_355, %dma_wait3A_356] : memref<10240x16xf32, #tpu.memory_space<vmem_shared>> -> memref<10240x16xf32, #tpu.memory_space<vmem_shared>>
    %dma_wait3A_358 = tpu.memref_slice %arg17[%dma_wait3A_351] : memref<8x!tpu.dma_semaphore, #tpu.memory_space<semaphore_mem>> -> memref<1x!tpu.dma_semaphore, #tpu.memory_space<semaphore_mem>>
    %dma_wait3A_359 = tpu.memref_squeeze %dma_wait3A_358 : memref<1x!tpu.dma_semaphore, #tpu.memory_space<semaphore_mem>> -> memref<!tpu.dma_semaphore, #tpu.memory_space<semaphore_mem>>
    tpu.wait_indirect_dma semaphore(%dma_wait3A_359 : memref<!tpu.dma_semaphore, #tpu.memory_space<semaphore_mem>>) src(%dma_wait3A_354 : memref<2512x16xf32, #tpu.memory_space<vmem>>) dst(%dma_wait3A_357 : memref<10240x16xf32, #tpu.memory_space<vmem_shared>>)
    %dma_wait3A_360 = arith.constant 2 : i32
    %dma_wait3A_361 = arith.constant 2512 : i32
    %dma_wait3A_362 = arith.constant 0 : i32
    %dma_wait3A_363 = tpu.memref_slice %arg13[%dma_wait3A_361, %dma_wait3A_362] : memref<5008x16xf32, #tpu.memory_space<vmem>> -> memref<2496x16xf32, #tpu.memory_space<vmem>>
    %dma_wait3A_364 = arith.constant 0 : i32
    %dma_wait3A_365 = arith.constant 0 : i32
    %dma_wait3A_366 = tpu.memref_slice %arg16[%dma_wait3A_364, %dma_wait3A_365] : memref<10240x16xf32, #tpu.memory_space<vmem_shared>> -> memref<10240x16xf32, #tpu.memory_space<vmem_shared>>
    %dma_wait3A_367 = tpu.memref_slice %arg17[%dma_wait3A_360] : memref<8x!tpu.dma_semaphore, #tpu.memory_space<semaphore_mem>> -> memref<1x!tpu.dma_semaphore, #tpu.memory_space<semaphore_mem>>
    %dma_wait3A_368 = tpu.memref_squeeze %dma_wait3A_367 : memref<1x!tpu.dma_semaphore, #tpu.memory_space<semaphore_mem>> -> memref<!tpu.dma_semaphore, #tpu.memory_space<semaphore_mem>>
    tpu.wait_indirect_dma semaphore(%dma_wait3A_368 : memref<!tpu.dma_semaphore, #tpu.memory_space<semaphore_mem>>) src(%dma_wait3A_363 : memref<2496x16xf32, #tpu.memory_space<vmem>>) dst(%dma_wait3A_366 : memref<10240x16xf32, #tpu.memory_space<vmem_shared>>)
    %barrier3A_369 = arith.constant 0 : index
    tpu.barrier barrier_id(%barrier3A_369)
    %mul3A_370 = arith.constant 640 : i32
    %mul3A_371 = arith.muli %arg1, %mul3A_370 : i32
    %mul3A_372 = arith.constant 10240 : i32
    %mul3A_373 = arith.muli %arg0, %mul3A_372 : i32
    %mul3A_374 = arith.constant 640 : i32
    %mul3A_375 = arith.muli %arg1, %mul3A_374 : i32
    %add3A_376 = arith.addi %mul3A_373, %mul3A_375 : i32
    "tpu.region"() ({
      %run_scoped3A = tpu.sem_alloc : memref<!tpu.dma_semaphore, #tpu.memory_space<semaphore_mem>>
      %dma_start3A_377 = arith.constant 0 : i32
      %dma_start3A_378 = tpu.memref_slice %arg7[%add3A_376, %dma_start3A_377] : memref<20480x16xf32, #tpu.memory_space<hbm>> -> memref<640x16xf32, #tpu.memory_space<hbm>>
      %dma_start3A_379 = arith.constant 0 : i32
      %dma_start3A_380 = tpu.memref_slice %arg16[%mul3A_371, %dma_start3A_379] : memref<10240x16xf32, #tpu.memory_space<vmem_shared>> -> memref<640x16xf32, #tpu.memory_space<vmem_shared>>
      tpu.enqueue_dma source(%dma_start3A_380 : memref<640x16xf32, #tpu.memory_space<vmem_shared>>) target(%dma_start3A_378 : memref<640x16xf32, #tpu.memory_space<hbm>>) target_semaphore(%run_scoped3A : memref<!tpu.dma_semaphore, #tpu.memory_space<semaphore_mem>>)
      %dma_wait3A_381 = arith.constant 0 : i32
      %dma_wait3A_382 = tpu.memref_slice %arg7[%add3A_376, %dma_wait3A_381] : memref<20480x16xf32, #tpu.memory_space<hbm>> -> memref<640x16xf32, #tpu.memory_space<hbm>>
      %dma_wait3A_383 = arith.constant 0 : i32
      %dma_wait3A_384 = tpu.memref_slice %arg16[%mul3A_371, %dma_wait3A_383] : memref<10240x16xf32, #tpu.memory_space<vmem_shared>> -> memref<640x16xf32, #tpu.memory_space<vmem_shared>>
      tpu.wait_dma2 semaphore(%run_scoped3A : memref<!tpu.dma_semaphore, #tpu.memory_space<semaphore_mem>>) src(%dma_wait3A_384 : memref<640x16xf32, #tpu.memory_space<vmem_shared>>) dst(%dma_wait3A_382 : memref<640x16xf32, #tpu.memory_space<hbm>>)
      tpu.yield
    }) : () -> ()
    return
  }
}

module attributes {stable_mosaic.version = 14 : i64} {
  func.func @_proj_body(%arg0: i32, %arg1: memref<10000x128xf32, #tpu.memory_space<vmem>>, %arg2: memref<10000x128xf32, #tpu.memory_space<vmem>>, %arg3: memref<2000x128xf32, #tpu.memory_space<vmem>>, %arg4: memref<128x64xf32, #tpu.memory_space<vmem>>, %arg5: memref<128x64xf32, #tpu.memory_space<vmem>>, %arg6: memref<16x64xf32, #tpu.memory_space<vmem>>, %arg7: memref<256x1xf32, #tpu.memory_space<vmem>>, %arg8: memref<10000xf32, #tpu.memory_space<vmem>>, %arg9: memref<10000xf32, #tpu.memory_space<vmem>>, %arg10: memref<10000xf32, #tpu.memory_space<vmem>>, %arg11: memref<2000x8xf32, #tpu.memory_space<vmem>>) attributes {dimension_semantics = [#tpu.dimension_semantics<arbitrary>], iteration_bounds = array<i64: 10>, scalar_prefetch = 0 : i64, scratch_operands = 0 : i64, tpu.core_type = #tpu.core_type<tc>, window_params = [{pipeline_mode = #tpu.pipeline_mode<synchronous>, transform_indices = @transform_0, window_bounds = array<i64: 10000, 128>}, {pipeline_mode = #tpu.pipeline_mode<synchronous>, transform_indices = @transform_1, window_bounds = array<i64: 10000, 128>}, {transform_indices = @transform_2, window_bounds = array<i64: 2000, 128>}, {pipeline_mode = #tpu.pipeline_mode<synchronous>, transform_indices = @transform_3, window_bounds = array<i64: 128, 64>}, {pipeline_mode = #tpu.pipeline_mode<synchronous>, transform_indices = @transform_4, window_bounds = array<i64: 128, 64>}, {pipeline_mode = #tpu.pipeline_mode<synchronous>, transform_indices = @transform_5, window_bounds = array<i64: 16, 64>}, {pipeline_mode = #tpu.pipeline_mode<synchronous>, transform_indices = @transform_6, window_bounds = array<i64: 256, 1>}, {pipeline_mode = #tpu.pipeline_mode<synchronous>, transform_indices = @transform_7, window_bounds = array<i64: 10000>}, {pipeline_mode = #tpu.pipeline_mode<synchronous>, transform_indices = @transform_8, window_bounds = array<i64: 10000>}, {pipeline_mode = #tpu.pipeline_mode<synchronous>, transform_indices = @transform_9, window_bounds = array<i64: 10000>}, {transform_indices = @transform_10, window_bounds = array<i64: 2000, 8>}]} {
    %get3A = arith.constant 0 : index
    %get3A_0 = arith.constant 0 : index
    %get3A_1 = vector.load %arg7[%get3A, %get3A_0] : memref<256x1xf32, #tpu.memory_space<vmem>>, vector<256x1xf32>
    %get3A_2 = arith.constant 0 : index
    %get3A_3 = arith.constant 0 : index
    %get3A_4 = vector.load %arg6[%get3A_2, %get3A_3] : memref<16x64xf32, #tpu.memory_space<vmem>>, vector<16x64xf32>
    %slice3A = vector.extract_strided_slice %get3A_1 {offsets = [192, 0], sizes = [64, 1], strides = [1, 1]} : vector<256x1xf32> to vector<64x1xf32>
    %dot_general3A = arith.constant dense<0.000000e+00> : vector<16x1xf32>
    %dot_general3A_5 = tpu.matmul %get3A_4, %slice3A, %dot_general3A {dimension_numbers = #tpu.dot_dimension_numbers<[1], [0], [0], [1], [0, 0, 1, 1], [], []>, precision = #tpu.contract_precision<fp32>, transpose_lhs_hint = false} : vector<16x64xf32>, vector<64x1xf32>, vector<16x1xf32> -> vector<16x1xf32>
    %squeeze3A = vector.shape_cast %dot_general3A_5 : vector<16x1xf32> to vector<16xf32>
    %concatenate3A = tpu.concatenate %squeeze3A, %squeeze3A, %squeeze3A, %squeeze3A, %squeeze3A, %squeeze3A, %squeeze3A, %squeeze3A in 0 : vector<16xf32>, vector<16xf32>, vector<16xf32>, vector<16xf32>, vector<16xf32>, vector<16xf32>, vector<16xf32>, vector<16xf32> -> vector<128xf32>
    %iota3A = tpu.iota {dimensions = array<i32: 0>} : vector<128x8xi32>
    %iota3A_6 = tpu.iota {dimensions = array<i32: 1>} : vector<128x8xi32>
    %jit3A = arith.constant 16 : i32
    %div3A = vector.broadcast %jit3A : i32 to vector<128x8xi32>
    %div3A_7 = arith.divsi %iota3A, %div3A : vector<128x8xi32>
    %sign3A = arith.constant 0 : i32
    %sign3A_8 = vector.broadcast %sign3A : i32 to vector<128x8xi32>
    %sign3A_9 = arith.cmpi sgt, %iota3A, %sign3A_8 : vector<128x8xi32>
    %sign3A_10 = arith.extui %sign3A_9 : vector<128x8xi1> to vector<128x8xi32>
    %sign3A_11 = arith.constant 0 : i32
    %sign3A_12 = vector.broadcast %sign3A_11 : i32 to vector<128x8xi32>
    %sign3A_13 = arith.cmpi slt, %iota3A, %sign3A_12 : vector<128x8xi32>
    %sign3A_14 = arith.extui %sign3A_13 : vector<128x8xi1> to vector<128x8xi32>
    %sign3A_15 = arith.subi %sign3A_10, %sign3A_14 : vector<128x8xi32>
    %sign3A_16 = arith.constant 0 : i32
    %sign3A_17 = arith.cmpi sgt, %jit3A, %sign3A_16 : i32
    %sign3A_18 = arith.extui %sign3A_17 : i1 to i32
    %sign3A_19 = arith.constant 0 : i32
    %sign3A_20 = arith.cmpi slt, %jit3A, %sign3A_19 : i32
    %sign3A_21 = arith.extui %sign3A_20 : i1 to i32
    %sign3A_22 = arith.subi %sign3A_18, %sign3A_21 : i32
    %ne3A = vector.broadcast %sign3A_22 : i32 to vector<128x8xi32>
    %ne3A_23 = arith.cmpi ne, %sign3A_15, %ne3A : vector<128x8xi32>
    %rem3A = vector.broadcast %jit3A : i32 to vector<128x8xi32>
    %rem3A_24 = arith.remsi %iota3A, %rem3A : vector<128x8xi32>
    %ne3A_25 = arith.constant 0 : i32
    %ne3A_26 = vector.broadcast %ne3A_25 : i32 to vector<128x8xi32>
    %ne3A_27 = arith.cmpi ne, %rem3A_24, %ne3A_26 : vector<128x8xi32>
    %and3A = arith.andi %ne3A_23, %ne3A_27 : vector<128x8xi1>
    %sub3A = arith.constant 1 : i32
    %sub3A_28 = vector.broadcast %sub3A : i32 to vector<128x8xi32>
    %sub3A_29 = arith.subi %div3A_7, %sub3A_28 : vector<128x8xi32>
    %select_n3A = arith.select %and3A, %sub3A_29, %div3A_7 : vector<128x8xi1>, vector<128x8xi32>
    %eq3A = arith.cmpi eq, %select_n3A, %iota3A_6 : vector<128x8xi32>
    %broadcast_in_dim3A = vector.shape_cast %concatenate3A : vector<128xf32> to vector<128x1xf32>
    %jit3A_30 = arith.constant 0.000000e+00 : f32
    %broadcast_in_dim3A_31 = vector.shape_cast %broadcast_in_dim3A : vector<128x1xf32> to vector<128x1xf32>
    %broadcast_in_dim3A_32 = vector.broadcast %broadcast_in_dim3A_31 : vector<128x1xf32> to vector<128x8xf32>
    %broadcast_in_dim3A_33 = vector.broadcast %jit3A_30 : f32 to vector<128x8xf32>
    %select_n3A_34 = arith.select %eq3A, %broadcast_in_dim3A_32, %broadcast_in_dim3A_33 : vector<128x8xi1>, vector<128x8xf32>
    %get3A_35 = arith.constant 0 : index
    %get3A_36 = arith.constant 0 : index
    %get3A_37 = vector.load %arg3[%get3A_35, %get3A_36] : memref<2000x128xf32, #tpu.memory_space<vmem>>, vector<2000x128xf32>
    %dot_general3A_38 = arith.constant dense<0.000000e+00> : vector<2000x8xf32>
    %dot_general3A_39 = tpu.matmul %get3A_37, %select_n3A_34, %dot_general3A_38 {dimension_numbers = #tpu.dot_dimension_numbers<[1], [0], [0], [1], [0, 0, 1, 1], [], []>, precision = #tpu.contract_precision<fp32>, transpose_lhs_hint = false} : vector<2000x128xf32>, vector<128x8xf32>, vector<2000x8xf32> -> vector<2000x8xf32>
    %swap3A = arith.constant 0 : index
    %swap3A_40 = arith.constant 0 : index
    %swap3A_41 = vector.load %arg11[%swap3A, %swap3A_40] : memref<2000x8xf32, #tpu.memory_space<vmem>>, vector<2000x8xf32>
    tpu.vector_store %arg11[%swap3A, %swap3A_40], %dot_general3A_39 {strides = array<i32>} : memref<2000x8xf32, #tpu.memory_space<vmem>>, vector<2000x8xf32>,
    %eq3A_42 = arith.constant 0 : i32
    %eq3A_43 = arith.cmpi eq, %arg0, %eq3A_42 : i32
    %convert_element_type3A = arith.extui %eq3A_43 : i1 to i32
    %cond3A = arith.constant 0 : i32
    %cond3A_44 = arith.cmpi ne, %convert_element_type3A, %cond3A : i32
    scf.if %cond3A_44 {
      %get3A_45 = arith.constant 0 : index
      %get3A_46 = arith.constant 0 : index
      %get3A_47 = vector.load %arg4[%get3A_45, %get3A_46] : memref<128x64xf32, #tpu.memory_space<vmem>>, vector<128x64xf32>
      %slice3A_48 = vector.extract_strided_slice %get3A_1 {offsets = [0, 0], sizes = [64, 1], strides = [1, 1]} : vector<256x1xf32> to vector<64x1xf32>
      %dot_general3A_49 = arith.constant dense<0.000000e+00> : vector<128x1xf32>
      %dot_general3A_50 = tpu.matmul %get3A_47, %slice3A_48, %dot_general3A_49 {dimension_numbers = #tpu.dot_dimension_numbers<[1], [0], [0], [1], [0, 0, 1, 1], [], []>, precision = #tpu.contract_precision<fp32>, transpose_lhs_hint = false} : vector<128x64xf32>, vector<64x1xf32>, vector<128x1xf32> -> vector<128x1xf32>
      %squeeze3A_51 = vector.shape_cast %dot_general3A_50 : vector<128x1xf32> to vector<128xf32>
      %get3A_52 = arith.constant 0 : index
      %get3A_53 = arith.constant 0 : index
      %get3A_54 = vector.load %arg5[%get3A_52, %get3A_53] : memref<128x64xf32, #tpu.memory_space<vmem>>, vector<128x64xf32>
      %slice3A_55 = vector.extract_strided_slice %get3A_1 {offsets = [64, 0], sizes = [64, 1], strides = [1, 1]} : vector<256x1xf32> to vector<64x1xf32>
      %dot_general3A_56 = arith.constant dense<0.000000e+00> : vector<128x1xf32>
      %dot_general3A_57 = tpu.matmul %get3A_54, %slice3A_55, %dot_general3A_56 {dimension_numbers = #tpu.dot_dimension_numbers<[1], [0], [0], [1], [0, 0, 1, 1], [], []>, precision = #tpu.contract_precision<fp32>, transpose_lhs_hint = false} : vector<128x64xf32>, vector<64x1xf32>, vector<128x1xf32> -> vector<128x1xf32>
      %squeeze3A_58 = vector.shape_cast %dot_general3A_57 : vector<128x1xf32> to vector<128xf32>
      %get3A_59 = arith.constant 0 : index
      %get3A_60 = arith.constant 0 : index
      %get3A_61 = vector.load %arg5[%get3A_59, %get3A_60] : memref<128x64xf32, #tpu.memory_space<vmem>>, vector<128x64xf32>
      %slice3A_62 = vector.extract_strided_slice %get3A_1 {offsets = [128, 0], sizes = [64, 1], strides = [1, 1]} : vector<256x1xf32> to vector<64x1xf32>
      %dot_general3A_63 = arith.constant dense<0.000000e+00> : vector<128x1xf32>
      %dot_general3A_64 = tpu.matmul %get3A_61, %slice3A_62, %dot_general3A_63 {dimension_numbers = #tpu.dot_dimension_numbers<[1], [0], [0], [1], [0, 0, 1, 1], [], []>, precision = #tpu.contract_precision<fp32>, transpose_lhs_hint = false} : vector<128x64xf32>, vector<64x1xf32>, vector<128x1xf32> -> vector<128x1xf32>
      %squeeze3A_65 = vector.shape_cast %dot_general3A_64 : vector<128x1xf32> to vector<128xf32>
      %get3A_66 = arith.constant 0 : index
      %get3A_67 = arith.constant 0 : index
      %get3A_68 = vector.load %arg1[%get3A_66, %get3A_67] : memref<10000x128xf32, #tpu.memory_space<vmem>>, vector<10000x128xf32>
      %get3A_69 = arith.constant 0 : index
      %get3A_70 = arith.constant 0 : index
      %get3A_71 = vector.load %arg2[%get3A_69, %get3A_70] : memref<10000x128xf32, #tpu.memory_space<vmem>>, vector<10000x128xf32>
      %broadcast_in_dim3A_72 = vector.shape_cast %squeeze3A_51 : vector<128xf32> to vector<1x128xf32>
      %mul3A = vector.broadcast %broadcast_in_dim3A_72 : vector<1x128xf32> to vector<10000x128xf32>
      %mul3A_73 = arith.mulf %get3A_68, %mul3A : vector<10000x128xf32>
      %reduce_sum3A = arith.constant dense<0.000000e+00> : vector<10000xf32>
      %reduce_sum3A_74 = vector.multi_reduction <add>, %mul3A_73, %reduce_sum3A [1] : vector<10000x128xf32> to vector<10000xf32>
      %swap3A_75 = arith.constant 0 : index
      %swap3A_76 = vector.load %arg8[%swap3A_75] : memref<10000xf32, #tpu.memory_space<vmem>>, vector<10000xf32>
      tpu.vector_store %arg8[%swap3A_75], %reduce_sum3A_74 {strides = array<i32>} : memref<10000xf32, #tpu.memory_space<vmem>>, vector<10000xf32>,
      %broadcast_in_dim3A_77 = vector.shape_cast %squeeze3A_58 : vector<128xf32> to vector<1x128xf32>
      %mul3A_78 = vector.broadcast %broadcast_in_dim3A_77 : vector<1x128xf32> to vector<10000x128xf32>
      %mul3A_79 = arith.mulf %get3A_71, %mul3A_78 : vector<10000x128xf32>
      %reduce_sum3A_80 = arith.constant dense<0.000000e+00> : vector<10000xf32>
      %reduce_sum3A_81 = vector.multi_reduction <add>, %mul3A_79, %reduce_sum3A_80 [1] : vector<10000x128xf32> to vector<10000xf32>
      %swap3A_82 = arith.constant 0 : index
      %swap3A_83 = vector.load %arg9[%swap3A_82] : memref<10000xf32, #tpu.memory_space<vmem>>, vector<10000xf32>
      tpu.vector_store %arg9[%swap3A_82], %reduce_sum3A_81 {strides = array<i32>} : memref<10000xf32, #tpu.memory_space<vmem>>, vector<10000xf32>,
      %broadcast_in_dim3A_84 = vector.shape_cast %squeeze3A_65 : vector<128xf32> to vector<1x128xf32>
      %mul3A_85 = vector.broadcast %broadcast_in_dim3A_84 : vector<1x128xf32> to vector<10000x128xf32>
      %mul3A_86 = arith.mulf %get3A_71, %mul3A_85 : vector<10000x128xf32>
      %reduce_sum3A_87 = arith.constant dense<0.000000e+00> : vector<10000xf32>
      %reduce_sum3A_88 = vector.multi_reduction <add>, %mul3A_86, %reduce_sum3A_87 [1] : vector<10000x128xf32> to vector<10000xf32>
      %swap3A_89 = arith.constant 0 : index
      %swap3A_90 = vector.load %arg10[%swap3A_89] : memref<10000xf32, #tpu.memory_space<vmem>>, vector<10000xf32>
      tpu.vector_store %arg10[%swap3A_89], %reduce_sum3A_88 {strides = array<i32>} : memref<10000xf32, #tpu.memory_space<vmem>>, vector<10000xf32>,
    } else {
    }
    return
  }
  func.func @transform_0(%arg0: i32) -> (i32, i32) {
    %c0_i32 = arith.constant 0 : i32
    %c0_i32_0 = arith.constant 0 : i32
    %c0_i32_1 = arith.constant 0 : i32
    return %c0_i32, %c0_i32_0 : i32, i32
  }
  func.func @transform_1(%arg0: i32) -> (i32, i32) {
    %c0_i32 = arith.constant 0 : i32
    %c0_i32_0 = arith.constant 0 : i32
    %c0_i32_1 = arith.constant 0 : i32
    return %c0_i32, %c0_i32_0 : i32, i32
  }
  func.func @transform_2(%arg0: i32) -> (i32, i32) {
    %c0_i32 = arith.constant 0 : i32
    %c0_i32_0 = arith.constant 0 : i32
    return %arg0, %c0_i32 : i32, i32
  }
  func.func @transform_3(%arg0: i32) -> (i32, i32) {
    %c0_i32 = arith.constant 0 : i32
    %c0_i32_0 = arith.constant 0 : i32
    %c0_i32_1 = arith.constant 0 : i32
    return %c0_i32, %c0_i32_0 : i32, i32
  }
  func.func @transform_4(%arg0: i32) -> (i32, i32) {
    %c0_i32 = arith.constant 0 : i32
    %c0_i32_0 = arith.constant 0 : i32
    %c0_i32_1 = arith.constant 0 : i32
    return %c0_i32, %c0_i32_0 : i32, i32
  }
  func.func @transform_5(%arg0: i32) -> (i32, i32) {
    %c0_i32 = arith.constant 0 : i32
    %c0_i32_0 = arith.constant 0 : i32
    %c0_i32_1 = arith.constant 0 : i32
    return %c0_i32, %c0_i32_0 : i32, i32
  }
  func.func @transform_6(%arg0: i32) -> (i32, i32) {
    %c0_i32 = arith.constant 0 : i32
    %c0_i32_0 = arith.constant 0 : i32
    %c0_i32_1 = arith.constant 0 : i32
    return %c0_i32, %c0_i32_0 : i32, i32
  }
  func.func @transform_7(%arg0: i32) -> i32 {
    %c0_i32 = arith.constant 0 : i32
    %c0_i32_0 = arith.constant 0 : i32
    return %c0_i32 : i32
  }
  func.func @transform_8(%arg0: i32) -> i32 {
    %c0_i32 = arith.constant 0 : i32
    %c0_i32_0 = arith.constant 0 : i32
    return %c0_i32 : i32
  }
  func.func @transform_9(%arg0: i32) -> i32 {
    %c0_i32 = arith.constant 0 : i32
    %c0_i32_0 = arith.constant 0 : i32
    return %c0_i32 : i32
  }
  func.func @transform_10(%arg0: i32) -> (i32, i32) {
    %c0_i32 = arith.constant 0 : i32
    %c0_i32_0 = arith.constant 0 : i32
    return %arg0, %c0_i32 : i32, i32
  }
}

module attributes {stable_mosaic.version = 14 : i64} {
  func.func @_out_body(%arg0: memref<2x10240x16xf32, #tpu.memory_space<vmem>>, %arg1: memref<16x64xf32, #tpu.memory_space<vmem>>, %arg2: memref<10000x64xf32, #tpu.memory_space<vmem>>) attributes {dimension_semantics = [], scalar_prefetch = 0 : i64, scratch_operands = 0 : i64, tpu.core_type = #tpu.core_type<tc>} {
    %get3A = arith.constant 0 : index
    %get3A_0 = arith.constant 0 : index
    %get3A_1 = arith.constant 0 : index
    %get3A_2 = vector.load %arg0[%get3A, %get3A_0, %get3A_1] : memref<2x10240x16xf32, #tpu.memory_space<vmem>>, vector<1x10240x16xf32>
    %get3A_3 = vector.shape_cast %get3A_2 : vector<1x10240x16xf32> to vector<10240x16xf32>
    %get3A_4 = arith.constant 1 : index
    %get3A_5 = arith.constant 0 : index
    %get3A_6 = arith.constant 0 : index
    %get3A_7 = vector.load %arg0[%get3A_4, %get3A_5, %get3A_6] : memref<2x10240x16xf32, #tpu.memory_space<vmem>>, vector<1x10240x16xf32>
    %get3A_8 = vector.shape_cast %get3A_7 : vector<1x10240x16xf32> to vector<10240x16xf32>
    %add3A = arith.addf %get3A_3, %get3A_8 : vector<10240x16xf32>
    %get3A_9 = arith.constant 0 : index
    %get3A_10 = arith.constant 0 : index
    %get3A_11 = vector.load %arg1[%get3A_9, %get3A_10] : memref<16x64xf32, #tpu.memory_space<vmem>>, vector<16x64xf32>
    %dot_general3A = arith.constant dense<0.000000e+00> : vector<10240x64xf32>
    %dot_general3A_12 = tpu.matmul %add3A, %get3A_11, %dot_general3A {dimension_numbers = #tpu.dot_dimension_numbers<[1], [0], [0], [1], [0, 0, 1, 1], [], []>, precision = #tpu.contract_precision<fp32>, transpose_lhs_hint = false} : vector<10240x16xf32>, vector<16x64xf32>, vector<10240x64xf32> -> vector<10240x64xf32>
    %slice3A = vector.extract_strided_slice %dot_general3A_12 {offsets = [0, 0], sizes = [10000, 64], strides = [1, 1]} : vector<10240x64xf32> to vector<10000x64xf32>
    %swap3A = arith.constant 0 : index
    %swap3A_13 = arith.constant 0 : index
    %swap3A_14 = vector.load %arg2[%swap3A, %swap3A_13] : memref<10000x64xf32, #tpu.memory_space<vmem>>, vector<10000x64xf32>
    tpu.vector_store %arg2[%swap3A, %swap3A_13], %slice3A {strides = array<i32>} : memref<10000x64xf32, #tpu.memory_space<vmem>>, vector<10000x64xf32>,
    return
  }
}

</mosaic_0001>

<sc_bundles>
// kernel: kernel.6.cloned.1.call-start
scs
__scs_entry_jumppad:
0x0: {  	(pc) =	sbr.rel $0x88, $3  }
0x1: {  	(tag) =	ssettag $0x0;
	lr =	simm.s32 $0x1  }
0x2: {  	[smem:$0x3F99] =	sst lr;
	_ =	strace $0xD0000000  }
0x3: {  	_ = 	snop  }
0x4: {  	_ = 	snop  }
0x5: {  	_ = 	snop  }
0x6: {  	_ = 	snop  }
0x7: {  	_ = 	snop  }
__scs_overlays_trampoline_lowered:
0x8: {  	[smem:$0x3FA8] =	sst s0  }
0x9: {  	[smem:$0x3FA9] =	sst s1  }
0xa: {  	[smem:$0x3FAA] =	sst s2  }
0xb: {  	[smem:$0x3FAB] =	sst s3  }
0xc: {  	[smem:$0x3FAC] =	sst s4  }
0xd: {  	[smem:$0x3FAD] =	sst s5  }
0xe: {  	[smem:$0x3FAE] =	sst s6  }
0xf: {  	[smem:$0x3FAF] =	sst s7  }
0x10: {  	[smem:$0x3FB0] =	sst s8  }
0x11: {  	[smem:$0x3FB1] =	sst s9;
	s0 =	simm.s32 @!p0 $0x0  }
0x12: {  	s1 =	sld [smem:$0x3F97];
	s0 =	simm.s32 @p0 $0x1  }
0x13: {  	[smem:$0x3FB2] =	sst s0;
	s0 =	simm.s32 @!p1 $0x0  }
0x14: {  	s2 =	sld [smem:$0x3F96];
	s0 =	simm.s32 @p1 $0x1  }
0x15: {  	[smem:$0x3FB3] =	sst s0;
	s0 =	simm.s32 @!p2 $0x0  }
0x16: {  	s3 =	sld [smem:$0x3FDB];
	s0 =	simm.s32 @p2 $0x1  }
0x17: {  	s4 =	simm.s32 $0x1BF5;
	[smem:$0x3FB5] =	sst s0  }
0x18: {  	s0 =	sld [smem:$0x3F98];
	_ =	swait.ge [sflag:s4], $0x0  }
0x19: {  	s7 =	sld [smem:$0x3F99]  }
0x1a: {  	s8 =	sadd.s32 $0xFFFFE003, lr  }
0x1b: {  	s9 =	sadd.s32 $0xFFFFFEF7, lr;
	s5 =	simm.s32 $0xFFFFFFFF;
	p2 =	slt.u32 s8, $0xFFFFF086  }
0x1c: {  	p1 =	slt.u32 s9, $0xF7A;
	s5 =	simm.s32 @!p2 $0x0  }
0x1d: {  	s5 =	simm.s32 @p1 $0x1;
	p0 =	seq.s32 s7, s2  }
0x1e: {  	s7 =	smul.u32 @!p0 $0xF7A, s2;
	p2 =	seq.s32 @!p0 s5, $0x0  }
0x1f: {  	s9 =	smul.u32 $0xF7A, s1;
	s8 =	simm.s32 @!p0 $0x1BF5;
	p2 =	por !p2, p0  }
0x20: {  	[sflag:s8] =	ssyncset.s32 @!p0 $0xFFFFF086;
	s6 =	sadd.s32 @!p0 s3, s7;
	s7 =	simm.s32 @!p0 $0x108  }
0x21: {  	s3 =	sadd.s32 s3, s9;
	s6 =	sadd.s32 @!p0 $0x88, s6;
	s7 =	simm.s32 @p2 $0x1082  }
0x22: {  	[simem:s7], [sflag:s8] =	dma.local @!p0 [hbm:s6], $0xF7A  }
0x23: {  	s9 =	sor.u32 $0xD0000000, s2;
	s6 =	simm.s32 $0x108;
	_ =	swait.ge @!p0 [sflag:s8], $0x0  }
0x24: {  	s3 =	sadd.s32 $0x88, s3;
	s6 =	simm.s32 @!p1 $0x1082;
	[sflag:s4] =	ssyncset.s32 $0xFFFFF086  }
0x25: {  	[simem:s6], [sflag:s4] =	dma.local [hbm:s3], $0xF7A  }
0x26: {  	[smem:$0x3F99] =	sst s1;
	(tag) =	ssettag s2;
	_ =	strace s9  }
0x27: {  	s1 =	sld [smem:$0x3FA9]  }
0x28: {  	s2 =	sld [smem:$0x3FAA]  }
0x29: {  	s4 =	sld [smem:$0x3FAC]  }
0x2a: {  	p0 =	seq.s32 s5, $0x0;
	s5 =	sld [smem:$0x3FAD]  }
0x2b: {  	s6 =	sld [smem:$0x3FAE]  }
0x2c: {  	s7 =	sld [smem:$0x3FAF]  }
0x2d: {  	s3 =	simm.s32 $0x108;
	s8 =	sld [smem:$0x3FB0]  }
0x2e: {  	s3 =	simm.s32 @!p0 $0x1082;
	s9 =	sld [smem:$0x3FB1]  }
0x2f: {  	lr =	sadd.s32 s0, s3;
	s0 =	sld [smem:$0x3FA8]  }
0x30: {  	s3 =	sld [smem:$0x3FAB]  }
0x31: {  	[smem:$0x3FB4] =	sst s10  }
0x32: {  	s10 =	sld [smem:$0x3FB2];
	_ =	sdelay $0x3  }
0x33: {  	p0 =	seq.s32 s10, $0x1;
	s10 =	sld [smem:$0x3FB4];
	_ =	sdelay $0x3  }
0x34: {  	[smem:$0x3FB4] =	sst s10  }
0x35: {  	s10 =	sld [smem:$0x3FB3];
	_ =	sdelay $0x3  }
0x36: {  	p1 =	seq.s32 s10, $0x1;
	s10 =	sld [smem:$0x3FB4];
	_ =	sdelay $0x3  }
0x37: {  	[smem:$0x3FB4] =	sst s10  }
0x38: {  	s10 =	sld [smem:$0x3FB5]  }
0x39: {  	_ = 	snop;
	(pc) =	sbr.ind lr, $3  }
0x3a: {  	_ = 	snop  }
0x3b: {  	_ = 	snop  }
0x3c: {  	p2 =	seq.s32 s10, $0x1;
	s10 =	sld [smem:$0x3FB4]  }
0x3d: {  	_ =	shalt  }
0x3e: {  	_ =	shalt  }
0x3f: {  	_ =	shalt  }
0x40: {  	_ =	shalt  }
0x41: {  	_ =	shalt  }
0x42: {  	_ =	shalt  }
0x43: {  	_ =	shalt  }
0x44: {  	_ =	shalt  }
0x45: {  	_ =	shalt  }
0x46: {  	_ =	shalt  }
0x47: {  	_ =	shalt  }
0x48: {  	_ =	shalt  }
0x49: {  	_ =	shalt  }
0x4a: {  	_ =	shalt  }
0x4b: {  	_ =	shalt  }
0x4c: {  	_ =	shalt  }
0x4d: {  	_ =	shalt  }
0x4e: {  	_ =	shalt  }
0x4f: {  	_ =	shalt  }
0x50: {  	_ =	shalt  }
0x51: {  	_ =	shalt  }
0x52: {  	_ =	shalt  }
0x53: {  	_ =	shalt  }
0x54: {  	_ =	shalt  }
0x55: {  	_ =	shalt  }
0x56: {  	_ =	shalt  }
0x57: {  	_ =	shalt  }
0x58: {  	_ =	shalt  }
0x59: {  	_ =	shalt  }
0x5a: {  	_ =	shalt  }
0x5b: {  	_ =	shalt  }
0x5c: {  	_ =	shalt  }
0x5d: {  	_ =	shalt  }
0x5e: {  	_ =	shalt  }
0x5f: {  	_ =	shalt  }
0x60: {  	_ =	shalt  }
0x61: {  	_ =	shalt  }
0x62: {  	_ =	shalt  }
0x63: {  	_ =	shalt  }
0x64: {  	_ =	shalt  }
0x65: {  	_ =	shalt  }
0x66: {  	_ =	shalt  }
0x67: {  	_ =	shalt  }
0x68: {  	_ =	shalt  }
0x69: {  	_ =	shalt  }
0x6a: {  	_ =	shalt  }
0x6b: {  	_ =	shalt  }
0x6c: {  	_ =	shalt  }
0x6d: {  	_ =	shalt  }
0x6e: {  	_ =	shalt  }
0x6f: {  	_ =	shalt  }
0x70: {  	_ =	shalt  }
0x71: {  	_ =	shalt  }
0x72: {  	_ =	shalt  }
0x73: {  	_ =	shalt  }
0x74: {  	_ =	shalt  }
0x75: {  	_ =	shalt  }
0x76: {  	_ =	shalt  }
0x77: {  	_ =	shalt  }
0x78: {  	_ =	shalt  }
0x79: {  	_ =	shalt  }
0x7a: {  	_ =	shalt  }
0x7b: {  	_ =	shalt  }
0x7c: {  	_ =	shalt  }
0x7d: {  	_ =	shalt  }
0x7e: {  	_ =	shalt  }
0x7f: {  	_ =	shalt  }
0x80: {  	_ =	shalt  }
0x81: {  	_ =	shalt  }
0x82: {  	_ =	shalt  }
0x83: {  	_ =	shalt  }
0x84: {  	_ =	shalt  }
0x85: {  	_ =	shalt  }
0x86: {  	_ =	shalt  }
0x87: {  	_ =	shalt  }
.Lfunc_end0:
.L_simem_size_0:
called_computation_lowered:
.L_overlay_start_0:
0x88: {  	s2 =	sld [smem:$0x3FD9]  }
0x89: {  	s3 =	sld [smem:$0x3FFE];
	_ =	sdelay $0x1  }
0x8a: {  	s1 =	srdreg.scid  }
0x8b: {  	s0 =	sand.u32 $0x1, s1  }
0x8c: {  	s17 =	sshll.u32 s0, $0xA;
	s2 =	sadd.s32 s3, s2  }
0x8d: {  	s2 =	sadd.s32 s2, s17  }
0x8e: {  	[smem:$0x3FC0] =	sst s2  }
0x8f: {  	_ = 	snop  }
0x90: {  	s2 =	sld [smem:$0x3FD0];
	(tm) =	ssettm $0x1  }
0x91: {  	s18 =	sld [smem:$0x3FFB];
	_ =	sdelay $0x3  }
0x92: {  	_ =	strace s18  }
0x93: {  	s3 =	sld [smem:$0x3FFC];
	_ =	sdelay $0x3  }
0x94: {  	_ =	strace s3  }
0x95: {  	s3 =	sld [smem:$0x3FFD];
	_ =	sdelay $0x3  }
0x96: {  	_ =	strace s3  }
0x97: {  	_ =	strace $0x8FFFFFFF  }
0x98: {  	s19 =	sld [smem:$0x3FDB];
	_ =	sdelay $0x1  }
0x99: {  	s4 =	simm.s32 $_scs_section_size  }
0x9a: {  	s5 =	simm.s32 $_size__tile_overlayer_lowered;
	s6 =	simm.s32 $_tile_overlayer_lowered  }
0x9b: {  	s22 =	simm.s32 $0x1BFF;
	s21 =	sshll.u32 s6, $0x1;
	s3 =	sadd.s32 s4, s19  }
0x9c: {  	s7 =	simm.s32 $0x0;
	s20 =	sshll.u32 s5, $0x1;
	s5 =	sadd.s32 s21, s3  }
0x9d: {  	[timem:s7], [sflag:s22] =	dma.local [hbm:s5], s20  }
0x9e: {  	_ =	swait.ge [sflag:s22], s20  }
0x9f: {  	s4 =	ssub.s32 $0x0, s20;
	[sflag:s22] =	ssyncset.done $0x0  }
0xa0: {  	[sflag:s22] =	ssyncadd.s32 s4;
	_ =	sdelay $0x1  }
0xa1: {  	s23 =	simm.s32 $0x1B8B  }
0xa2: {  	_ =	swait.ge [sflag:s23], $0x1  }
0xa3: {  	[sflag:s23] =	ssyncset.done $0x0  }
0xa4: {  	s25 =	simm.s32 $0x1B8E;
	s24 =	sld [smem:$0x3FFE];
	[sflag:s23] =	ssyncadd.s32 $0xFFFFFFFF  }
0xa5: {  	s26 =	simm.s32 $execute0_lowered;
	[smem:$0x3FD2] =	sst s25  }
0xa6: {  	s5 =	sshll.u32 s26, $0x1;
	_ =	strace $0x80000046;
	[dreg:$0x1] =	wrdreg $0xFFFFFFFF  }
0xa7: {  	s28 =	simm.s32 $_size_execute0_lowered;
	s3 =	sadd.s32 s3, s5;
	[dreg:$0x0] =	wrdreg $0x0  }
0xa8: {  	s5 =	sshll.u32 s28, $0x1;
	[dreg:$0x2] =	wrdreg s3  }
0xa9: {  	[dreg:$0x3] =	wrdreg s5  }
0xaa: {  	[dreg:$0x4] =	wrdreg $0xC0  }
0xab: {  	_ =	task [dreg:s7], $0x5FFFF  }
0xac: {  	[dreg:$0x1] =	wrdreg $0xFFFFFFFF  }
0xad: {  	[dreg:$0x0] =	wrdreg $0x60  }
0xae: {  	[dreg:$0x2] =	wrdreg s24  }
0xaf: {  	[dreg:$0x3] =	wrdreg s2  }
0xb0: {  	[dreg:$0x4] =	wrdreg $0xEFE00  }
0xb1: {  	[dreg:$0x5] =	wrdreg $0xF2600  }
0xb2: {  	[dreg:$0x6] =	wrdreg $0x9  }
0xb3: {  	_ =	task.clear_ibuf [dreg:s7], $0x7FFFF;
	_ =	strace $0x90000046  }
0xb4: {  	s29 =	simm.s32 $0x9;
	_ =	strace $0x80000048  }
0xb5: {  	_ =	swait.ge [sflag:s29], $0x1  }
0xb6: {  	[sflag:s29] =	ssyncadd.s32 $0xFFFFFFFF  }
0xb7: {  	_ =	strace $0x90000048  }
0xb8: {  	_ =	sfence  }
0xb9: {  	s30 =	sld [smem:$0x0];
	_ =	sdelay $0x2  }
0xba: {  	s31 =	sshll.u32 s1, $0xD;
	s1 =	sshrl.u32 s1, $0x2  }
0xbb: {  	s3 =	sand.u32 $0x4000, s31;
	s1 =	sadd.s32 s1, s30  }
0xbc: {  	s0 =	sor.u32 s3, s0;
	s1 =	sshll.u32 s1, $0x11  }
0xbd: {  	s0 =	sor.u32 s1, s0  }
0xbe: {  	s0 =	sadd.s32 $0x8F2B, s0  }
0xbf: {  	[sflag:s0] =	ssyncadd.remote.s32 $0x1  }
0xc0: {  	_ =	sfence.sel $0xFFFF  }
0xc1: {  	[dreg:$0x0] =	wrdreg $0xFFFFFFFF;
	(pc) =	sbr.abs _section_cstart, $3  }
0xc2: {  	[dreg:$0x1] =	wrdreg $0xFFFFFFFF  }
0xc3: {  	_ =	task.clear_ibuf [dreg:s7], $0x2FFFF;
	_ =	strace $0x9FFFFFFF  }
0xc4: {  	(tm) =	ssettm $0x7FFFFFFF  }
0xc5: {  	_ =	shalt  }
tec
execute0_lowered:
.L_overlay_start_1:
0x0: {  	(tag) =	ssettag $0x1  }
0x1: {  	s0 =	rddreg [dreg:$0x0]  }
0x2: {  	s1 =	rddreg [dreg:$0x1]  }
0x3: {  	s12 =	rddreg [dreg:$0x2]  }
0x4: {  	s13 =	rddreg [dreg:$0x3];
	s2 =	srdreg.scid  }
0x5: {  	s7 =	stileid.u32;
	s4 =	simm.s32 $0x0;
	s18 =	simm.s32 $0x1390  }
0x6: {  	s21 =	simm.s32 $0x4E40;
	s22 =	simm.s32 $0x7640;
	s23 =	simm.s32 $0x9E40  }
0x7: {  	s24 =	simm.s32 $0xED60;
	s28 =	simm.s32 $0x2;
	s29 =	simm.s32 $0x3  }
0x8: {  	s30 =	simm.s32 $0x4;
	s31 =	simm.s32 $0x5;
	s19 =	simm.s32 $0x8  }
0x9: {  	s20 =	simm.s32 $0x0;
	s2 =	sand.u32 $0x1, s2;
	s3 =	smul.u32 $0x280, s7  }
0xa: {  	[smem:$0x7FF] =	sst s4;
	s8 =	sadd.s32 $0x2000, s0;
	s25 =	sadd.s32 $0x2600, s0  }
0xb: {  	s5 =	sshll.u32 s2, $0x4;
	_ =	strace $0x80000047;
	[dreg:$0x5] =	wrdreg s8  }
0xc: {  	s6 =	smul.u32 $0x2800, s2;
	[dreg:$0x6] =	wrdreg s25;
	s2 =	ssub.s32 $0x2, s2  }
0xd: {  	s25 =	simm.s32 $0x9;
	s5 =	sor.u32 s7, s5;
	s7 =	sadd.s32 $0x2C00, s0  }
0xe: {  	s26 =	sshrl.u32 s2, $0x1;
	s12 =	sadd.s32 s3, s12;
	s13 =	sadd.s32 s3, s13  }
0xf: {  	s5 =	smul.u32 $0x271, s5;
	s6 =	sadd.s32 s3, s6;
	s2 =	ssub.s32 s2, s26  }
0x10: {  	s26 =	simm.s32 $0x1;
	s3 =	simm.s32 $0xC640;
	s6 =	sshrl.u32 s6, $0x3  }
0x11: {  	s17 =	smax.u32 s2, $0x1;
	s2 =	simm.s32 $0x7;
	s14 =	sadd.s32 s5, s0  }
0x12: {  	s0 =	sadd.s32 s6, s0;
	s10 =	sadd.s32 s1, s5;
	s8 =	sadd.s32 $0xD200, s14  }
0x13: {  	v0 =	vimm.f32 $0.0e+00;
	vm0 =	vcmask $0x1F00;
	s9 =	sadd.s32 $0x8200, s14;
	s11 =	sadd.s32 $0x3200, s14;
	s14 =	sadd.s32 $0x12200, s14  }
0x14: {  	v1 =	vimm.f32 $1.000000000e+00;
	v2 =	vsel vm0, $0x3F800000, v0;
	vm0 =	vmmov $0xff;
	s15 =	sadd.s32 $0x17200, s0;
	s16 =	sadd.s32 $0x17C00, s0;
	s0 =	simm.s32 $0x6  }
.LBB2_1:
0x15: {  	[tilespmem:s4], [sflag:$0x1] =	stream.linear.gather [hbm4b:s8+s4], $0x1388, $0x38;
	[tilespmem:$0xF4E0] =	vst v63  }
0x16: {  	_ = 	snop  }
0x17: {  	[tilespmem:s18], [sflag:$0x2] =	stream.linear.gather [hbm4b:s9+s4], $0x1388, $0x38;
	[tilespmem:$0xF4E0] =	vst v63  }
0x18: {  	s1 =	simm.s32 $0x2720  }
0x19: {  	[tilespmem:s1], [sflag:$0x3] =	stream.linear.gather [hbm4b:s10+s4], $0x1388, $0x38;
	[tilespmem:$0xF4E0] =	vst v63  }
0x1a: {  	s6 =	simm.s32 $0x3AB0  }
0x1b: {  	[tilespmem:s6], [sflag:$0x4] =	stream.linear.gather [hbm4b:s11+s4], $0x1388, $0x38;
	[tilespmem:$0xF4E0] =	vst v63  }
0x1c: {  	s5 =	rddreg [dreg:$0x5]  }
0x1d: {  	[tilespmem:s21], [sflag:$0x5] =	stream.linear.gather [hbm4b:s5+s4], $0x2710, $0x38;
	[tilespmem:$0xF4E0] =	vst v63  }
0x1e: {  	s6 =	rddreg [dreg:$0x6]  }
0x1f: {  	[tilespmem:s22], [sflag:$0x6] =	stream.linear.gather [hbm4b:s6+s4], $0x2710, $0x38;
	[tilespmem:$0xF4E0] =	vst v63  }
0x20: {  	_ = 	snop  }
0x21: {  	[tilespmem:s23], [sflag:$0x7] =	stream.linear.gather [hbm4b:s7+s4], $0x2710, $0x38;
	[tilespmem:$0xF4E0] =	vst v63  }
0x22: {  	[tilespmem:$0xED60] =	vst v0  }
0x23: {  	[tilespmem:$0xED70] =	vst v0  }
0x24: {  	[tilespmem:$0xED80] =	vst v0  }
0x25: {  	[tilespmem:$0xED90] =	vst v0  }
0x26: {  	[tilespmem:$0xEDA0] =	vst v0  }
0x27: {  	[tilespmem:$0xEDB0] =	vst v0  }
0x28: {  	[tilespmem:$0xEDC0] =	vst v0  }
0x29: {  	[tilespmem:$0xEDD0] =	vst v0  }
0x2a: {  	[tilespmem:$0xEDE0] =	vst v0  }
0x2b: {  	[tilespmem:$0xEDF0] =	vst v0  }
0x2c: {  	[tilespmem:$0xEE00] =	vst v0  }
0x2d: {  	[tilespmem:$0xEE10] =	vst v0  }
0x2e: {  	[tilespmem:$0xEE20] =	vst v0  }
0x2f: {  	[tilespmem:$0xEE30] =	vst v0  }
0x30: {  	[tilespmem:$0xEE40] =	vst v0  }
0x31: {  	[tilespmem:$0xEE50] =	vst v0  }
0x32: {  	[tilespmem:$0xEE60] =	vst v0  }
0x33: {  	[tilespmem:$0xEE70] =	vst v0  }
0x34: {  	[tilespmem:$0xEE80] =	vst v0  }
0x35: {  	[tilespmem:$0xEE90] =	vst v0  }
0x36: {  	[tilespmem:$0xEEA0] =	vst v0  }
0x37: {  	[tilespmem:$0xEEB0] =	vst v0  }
0x38: {  	[tilespmem:$0xEEC0] =	vst v0  }
0x39: {  	[tilespmem:$0xEED0] =	vst v0  }
0x3a: {  	[tilespmem:$0xEEE0] =	vst v0  }
0x3b: {  	[tilespmem:$0xEEF0] =	vst v0  }
0x3c: {  	[tilespmem:$0xEF00] =	vst v0  }
0x3d: {  	[tilespmem:$0xEF10] =	vst v0  }
0x3e: {  	[tilespmem:$0xEF20] =	vst v0  }
0x3f: {  	[tilespmem:$0xEF30] =	vst v0  }
0x40: {  	[tilespmem:$0xEF40] =	vst v0  }
0x41: {  	[tilespmem:$0xEF50] =	vst v0  }
0x42: {  	[tilespmem:$0xEF60] =	vst v0  }
0x43: {  	[tilespmem:$0xEF70] =	vst v0  }
0x44: {  	[tilespmem:$0xEF80] =	vst v0  }
0x45: {  	[tilespmem:$0xEF90] =	vst v0  }
0x46: {  	[tilespmem:$0xEFA0] =	vst v0  }
0x47: {  	[tilespmem:$0xEFB0] =	vst v0  }
0x48: {  	[tilespmem:$0xEFC0] =	vst v0  }
0x49: {  	s1 =	simm.s32 $0x40;
	s5 =	simm.s32 $0x0;
	[tilespmem:$0xEFD0] =	vst v0  }
.LBB2_2:
0x4a: {  	p0 =	sne.s32 s1, $0x4DC0;
	[tilespmem:s5+$0xD9D0] =	vst v1;
	s5 =	smov.u32 s1;
	s1 =	sadd.s32 $0x40, s1  }
.Ltmp0:
0x4b: {  	(pc) =	sbr.rel @p0 .LBB2_2-.Ltmp0, $2  }
0x4c: {  	_ =	sdelay $0x2  }
0x4d: {  	s5 =	sshra.s32 s5, $0x2  }
0x4e: {  	[tilespmem:s5+$0xD9D0] =	vst v1  }
0x4f: {  	[tilespmem:$0xED50] =	vst v2  }
0x50: {  	[spmem:s12] =	stream.linear.scatter [tilespmem:s24], [sflag:$0x9], $0x280, $0x38;
	[tilespmem:$0xF4E0] =	vst v63  }
0x51: {  	_ =	swait.ge [sflag:s25], $0x280  }
0x52: {  	[sflag:s25] =	ssyncset.done $0x0  }
0x53: {  	[sflag:s25] =	ssyncadd.s32 $0xFFFFFD80  }
0x54: {  	[spmem:s13] =	stream.linear.scatter [tilespmem:s24], [sflag:$0x9], $0x280, $0x38;
	[tilespmem:$0xF4E0] =	vst v63  }
0x55: {  	_ =	swait.ge [sflag:s25], $0x280  }
0x56: {  	[sflag:s25] =	ssyncset.done $0x0  }
0x57: {  	[sflag:s25] =	ssyncadd.s32 $0xFFFFFD80  }
0x58: {  	_ =	swait.ge [sflag:s26], $0x1388  }
0x59: {  	[sflag:s26] =	ssyncset.done $0x0  }
0x5a: {  	[sflag:s26] =	ssyncadd.s32 $0xFFFFEC78  }
0x5b: {  	_ =	swait.ge [sflag:s28], $0x1388  }
0x5c: {  	[sflag:s28] =	ssyncset.done $0x0  }
0x5d: {  	[sflag:s28] =	ssyncadd.s32 $0xFFFFEC78  }
0x5e: {  	_ =	swait.ge [sflag:s29], $0x1388  }
0x5f: {  	[sflag:s29] =	ssyncset.done $0x0  }
0x60: {  	[sflag:s29] =	ssyncadd.s32 $0xFFFFEC78  }
0x61: {  	_ =	swait.ge [sflag:s30], $0x1388  }
0x62: {  	[sflag:s30] =	ssyncset.done $0x0  }
0x63: {  	[sflag:s30] =	ssyncadd.s32 $0xFFFFEC78  }
0x64: {  	_ =	swait.ge [sflag:s31], $0x2710  }
0x65: {  	[sflag:s31] =	ssyncset.done $0x0  }
0x66: {  	[sflag:s31] =	ssyncadd.s32 $0xFFFFD8F0  }
0x67: {  	_ =	swait.ge [sflag:s0], $0x2710  }
0x68: {  	[sflag:s0] =	ssyncset.done $0x0  }
0x69: {  	[sflag:s0] =	ssyncadd.s32 $0xFFFFD8F0  }
0x6a: {  	_ =	swait.ge [sflag:s2], $0x2710  }
0x6b: {  	[sflag:s2] =	ssyncset.done $0x0  }
0x6c: {  	s1 =	simm.s32 $0x0;
	[sflag:s2] =	ssyncadd.s32 $0xFFFFD8F0  }
0x6d: {  	v3 =	vld [tilespmem:s1+$0x1390]  }
0x6e: {  	v4 =	vld [tilespmem:s1+$0x0];
	_ =	sdelay $0x1  }
0x6f: {  	v5 =	vld [tilespmem:s1+$0x2720];
	_ =	sdelay $0x4  }
0x70: {  	v3 =	vld.idx.msk [tilespmem:v3+s22+$0x0], $0xffff  }
0x71: {  	v4 =	vld.idx.msk [tilespmem:v4+s21+$0x0], $0xffff;
	_ =	sdelay $0x1  }
0x72: {  	v5 =	vld.idx.msk [tilespmem:v5+s23+$0x0], $0xffff;
	_ =	sdelay $0x1  }
0x73: {  	v6 =	vld [tilespmem:s1+$0x3AB0]  }
0x74: {  	v3 =	vadd.f32 v3, v4;
	_ =	sdelay $0x1  }
0x75: {  	v3 =	vadd.f32 v5, v3;
	_ =	sdelay $0x1  }
0x76: {  	v3 =	vadd.f32 v3, v6;
	_ =	sdelay $0x1  }
0x77: {  	v4 =	vmul.f32 $2.000000030e-01, v3  }
0x78: {  	vm1 =	vge.f32 v3, $0.0e+00  }
0x79: {  	v3 =	vsel vm1, v3, v4  }
0x7a: {  	v3 =	vmax.f32 v3, $-2.000000000e+00  }
0x7b: {  	v3 =	vmin.f32 v3, $2.000000000e+00  }
0x7c: {  	v3 =	vmul.f32 $1.442695020e+00, v3;
	_ =	sdelay $0x1  }
0x7d: {  	(erf) = vpow2.f32 v3;
	_ =	sdelay $0x1  }
0x7e: {  	s6 =	simm.s32 $0x10  }
0x7f: {  	s5 =	simm.s32 $0x80;
	v3 =	vld [tilespmem:s6+$0x1390]  }
.LBB2_4:
0x80: {  	p0 =	sne.s32 s5, $0x4DC0;
	v4 =	vld [tilespmem:s6+$0x0];
	_ =	sdelay $0x1  }
0x81: {  	v5 =	vld [tilespmem:s6+$0x2720];
	_ =	sdelay $0x2  }
0x82: {  	v6 =	vpop (erf)  }
0x83: {  	[tilespmem:s1+$0xC640] =	vst v6;
	s1 =	smov.u32 s6  }
0x84: {  	v3 =	vld.idx.msk [tilespmem:v3+s22+$0x0], $0xffff  }
0x85: {  	v4 =	vld.idx.msk [tilespmem:v4+s21+$0x0], $0xffff;
	_ =	sdelay $0x1  }
0x86: {  	v5 =	vld.idx.msk [tilespmem:v5+s23+$0x0], $0xffff;
	_ =	sdelay $0x2  }
0x87: {  	v6 =	vld [tilespmem:s1+$0x3AB0]  }
0x88: {  	v3 =	vadd.f32 v3, v4;
	_ =	sdelay $0x1  }
0x89: {  	v3 =	vadd.f32 v5, v3;
	_ =	sdelay $0x1  }
0x8a: {  	v3 =	vadd.f32 v3, v6;
	_ =	sdelay $0x1  }
0x8b: {  	v4 =	vmul.f32 $2.000000030e-01, v3  }
0x8c: {  	vm1 =	vge.f32 v3, $0.0e+00  }
0x8d: {  	v3 =	vsel vm1, v3, v4  }
0x8e: {  	v3 =	vmax.f32 v3, $-2.000000000e+00  }
0x8f: {  	v3 =	vmin.f32 v3, $2.000000000e+00  }
0x90: {  	v3 =	vmul.f32 $1.442695020e+00, v3  }
.Ltmp1:
0x91: {  	(pc) =	sbr.rel @p0 .LBB2_4-.Ltmp1, $3  }
0x92: {  	(erf) = vpow2.f32 v3;
	_ =	sdelay $0x1  }
0x93: {  	s6 =	sshra.s32 s5, $0x2  }
0x94: {  	s5 =	sadd.s32 $0x40, s5;
	v3 =	vld [tilespmem:s6+$0x1390]  }
0x95: {  	_ = 	snop  }
0x96: {  	v4 =	vld [tilespmem:s6+$0x0];
	_ =	sdelay $0x1  }
0x97: {  	v5 =	vld [tilespmem:s6+$0x2720];
	_ =	sdelay $0x2  }
0x98: {  	v6 =	vpop (erf)  }
0x99: {  	[tilespmem:s1+$0xC640] =	vst v6  }
0x9a: {  	v3 =	vld.idx.msk [tilespmem:v3+s22+$0x0], $0xffff  }
0x9b: {  	v4 =	vld.idx.msk [tilespmem:v4+s21+$0x0], $0xffff;
	_ =	sdelay $0x1  }
0x9c: {  	v5 =	vld.idx.msk [tilespmem:v5+s23+$0x0], $0xffff;
	_ =	sdelay $0x1  }
0x9d: {  	v6 =	vld [tilespmem:s6+$0x3AB0]  }
0x9e: {  	v3 =	vadd.f32 v3, v4;
	_ =	sdelay $0x1  }
0x9f: {  	v3 =	vadd.f32 v5, v3;
	_ =	sdelay $0x1  }
0xa0: {  	v3 =	vadd.f32 v3, v6;
	_ =	sdelay $0x1  }
0xa1: {  	v59 =	vmul.f32 $2.000000030e-01, v3  }
0xa2: {  	vm1 =	vge.f32 v3, $0.0e+00  }
0xa3: {  	v3 =	vsel vm1, v3, v59  }
0xa4: {  	v3 =	vmax.f32 v3, $-2.000000000e+00  }
0xa5: {  	v3 =	vmin.f32 v3, $2.000000000e+00  }
0xa6: {  	v3 =	vmul.f32 $1.442695020e+00, v3;
	_ =	sdelay $0x1  }
0xa7: {  	(erf) = vpow2.f32 v3;
	_ =	sdelay $0x8  }
0xa8: {  	v3 =	vpop (erf)  }
0xa9: {  	[tilespmem:s6+$0xC640] =	vst v3  }
0xaa: {  	v3 =	vld [tilespmem:$0x1380]  }
0xab: {  	v60 =	vld [tilespmem:$0x2710];
	_ =	sdelay $0x1  }
0xac: {  	v61 =	vld [tilespmem:$0x3AA0];
	_ =	sdelay $0x1  }
0xad: {  	v62 =	vnsel vm0, $0x0, v3  }
0xae: {  	v4 =	vnsel vm0, $0x0, v60;
	_ =	sdelay $0x1  }
0xaf: {  	v5 =	vnsel vm0, $0x0, v61;
	_ =	sdelay $0x1  }
0xb0: {  	v6 =	vld.idx.msk [tilespmem:v62+s21+$0x0], $0xffff  }
0xb1: {  	v4 =	vld.idx.msk [tilespmem:v4+s22+$0x0], $0xffff;
	_ =	sdelay $0x1  }
0xb2: {  	v5 =	vld.idx.msk [tilespmem:v5+s23+$0x0], $0xffff;
	_ =	sdelay $0x1  }
0xb3: {  	v7 =	vld [tilespmem:$0x4E30]  }
0xb4: {  	v4 =	vadd.f32 v4, v6;
	_ =	sdelay $0x1  }
0xb5: {  	v4 =	vadd.f32 v5, v4;
	_ =	sdelay $0x1  }
0xb6: {  	v4 =	vadd.f32 v4, v7;
	_ =	sdelay $0x1  }
0xb7: {  	v63 =	vmul.f32 $2.000000030e-01, v4  }
0xb8: {  	vm1 =	vge.f32 v4, $0.0e+00  }
0xb9: {  	v4 =	vsel vm1, v4, v63  }
0xba: {  	v4 =	vmax.f32 v4, $-2.000000000e+00  }
0xbb: {  	v4 =	vmin.f32 v4, $2.000000000e+00  }
0xbc: {  	v4 =	vmul.f32 $1.442695020e+00, v4;
	_ =	sdelay $0x1  }
0xbd: {  	(erf) = vpow2.f32 v4;
	_ =	sdelay $0x7  }
0xbe: {  	v3 =	vnsel vm0, $0x2710, v3  }
0xbf: {  	[tilespmem:$0x1380] =	vst v3;
	v4 =	vpop (erf)  }
0xc0: {  	[tilespmem:$0xD9C0] =	vst v4  }
0xc1: {  	[hbm4b:s14+s4] =	stream.linear.scatter [tilespmem:s3], [sflag:$0x8], $0x1388, $0x38;
	[tilespmem:$0xF4E0] =	vst v63  }
0xc2: {  	[bflag:$0x0] =	sbarrier.arrive $0xFFFF  }
0xc3: {  	s5 =	simm.s32 $0xD9D0;
	s6 =	rddreg [dreg:$0x2]  }
0xc4: {  	[spmem:s6] =	stream.indirect.scatter.add.f32 [tilespmem:s5], [sflag:$0x9], $0x1, s4, s18, $0xb8;
	[tilespmem:$0xF4E0] =	vst v63  }
0xc5: {  	_ =	swait.ge [sflag:s25], $0x1390  }
0xc6: {  	[sflag:s25] =	ssyncset.done $0x0  }
0xc7: {  	[sflag:s25] =	ssyncadd.s32 $0xFFFFEC70  }
0xc8: {  	s6 =	rddreg [dreg:$0x3]  }
0xc9: {  	[spmem:s6] =	stream.indirect.scatter.add.f32 [tilespmem:s3], [sflag:$0x9], $0x1, s4, s18, $0xb8;
	[tilespmem:$0xF4E0] =	vst v63  }
0xca: {  	_ =	swait.ge [sflag:s25], $0x1390  }
0xcb: {  	s5 =	stileid.u32;
	[sflag:s25] =	ssyncset.done $0x0  }
0xcc: {  	s1 =	sshll.u32 s5, $0x6;
	[sflag:s25] =	ssyncadd.s32 $0xFFFFEC70  }
0xcd: {  	s1 =	sor.u32 $0x1C09, s1;
	s6 =	sshrl.u32 s12, $0x3;
	[bflag:$0x0] =	sbarrier.arrive $0xFFFF  }
0xce: {  	[hbm:s15], [sflag:s1] =	dma.local [spmem:s6], $0x50  }
0xcf: {  	_ =	swait.ge [sflag:s25], $0x50  }
0xd0: {  	[sflag:s25] =	ssyncset.done $0x0  }
0xd1: {  	s20 =	sadd.s32 $0x1, s20;
	s6 =	sshrl.u32 s13, $0x3;
	[sflag:s25] =	ssyncadd.s32 $0xFFFFFFB0  }
0xd2: {  	[hbm:s16], [sflag:s1] =	dma.local [spmem:s6], $0x50  }
0xd3: {  	p0 =	sne.s32 s20, s17;
	_ =	swait.ge [sflag:s25], $0x50  }
.Ltmp2:
0xd4: {  	[sflag:s25] =	ssyncset.done $0x0;
	(pc) =	sbr.rel @p0 .LBB2_1-.Ltmp2, $4  }
0xd5: {  	[sflag:s25] =	ssyncadd.s32 $0xFFFFFFB0  }
0xd6: {  	_ =	swait.ge [sflag:s19], $0x1388  }
0xd7: {  	[sflag:s19] =	ssyncset.done $0x0  }
0xd8: {  	[sflag:s19] =	ssyncadd.s32 $0xFFFFEC78  }
0xd9: {  	_ =	sfence.sel $0x180000  }
0xda: {  	[bflag:$0x0] =	sbarrier.arrive $0xFFFF  }
0xdb: {  	_ =	strace $0x90000047  }
0xdc: {  	s0 =	stileid.u32;
	[bflag:$0x2] =	sbarrier.arrive $0xFFFF  }
0xdd: {  	p0 =	sne.s32 s0, $0x0;
	s0 =	rddreg [dreg:$0x4]  }
0xde: {  	s0 =	sadd.s32 @!p0 $0x100000, s0  }
0xdf: {  	[sflag:s0] =	ssyncadd.tile.s32 @!p0 $0x1;
	_ =	shalt  }
.Lfunc_end2:
_tile_overlayer_lowered:
.L_overlay_start_2:
0xe0: {  	(tag) =	ssettag $0x2  }
0xe1: {  	s0 =	rddreg [dreg:$0x0];
	s2 =	stileid.u32  }
0xe2: {  	s1 =	rddreg [dreg:$0x1];
	p0 =	sne.s32 s2, $0x0  }
0xe3: {  	s3 =	rddreg [dreg:$0x2];
	[bflag:$0x3] =	sbarrier.arrive $0xFFFF;
	s2 =	simm.s32 @!p0 $0x1C09  }
0xe4: {  	[timem:s3], [sflag:s2] =	dma.local @!p0 [hbm:s0], s1  }
0xe5: {  	s0 =	simm.s32 @!p0 $0x9  }
0xe6: {  	_ =	swait.ge @!p0 [sflag:s0], s1  }
0xe7: {  	s1 =	ssub.s32 @!p0 $0x0, s1;
	[sflag:s0] =	ssyncset.done @!p0 $0x0  }
0xe8: {  	[sflag:s0] =	ssyncadd.s32 @!p0 s1  }
0xe9: {  	[bflag:$0x3] =	sbarrier.arrive $0xFFFF  }
0xea: {  	_ =	shalt  }

// kernel: kernel.9.cloned.1.call-start
scs
__scs_entry_jumppad:
0x0: {  	(pc) =	sbr.rel $0x88, $3  }
0x1: {  	(tag) =	ssettag $0x0;
	lr =	simm.s32 $0x1  }
0x2: {  	[smem:$0x3F99] =	sst lr;
	_ =	strace $0xD0000000  }
0x3: {  	_ = 	snop  }
0x4: {  	_ = 	snop  }
0x5: {  	_ = 	snop  }
0x6: {  	_ = 	snop  }
0x7: {  	_ = 	snop  }
__scs_overlays_trampoline_lowered:
0x8: {  	[smem:$0x3FA8] =	sst s0  }
0x9: {  	[smem:$0x3FA9] =	sst s1  }
0xa: {  	[smem:$0x3FAA] =	sst s2  }
0xb: {  	[smem:$0x3FAB] =	sst s3  }
0xc: {  	[smem:$0x3FAC] =	sst s4  }
0xd: {  	[smem:$0x3FAD] =	sst s5  }
0xe: {  	[smem:$0x3FAE] =	sst s6  }
0xf: {  	[smem:$0x3FAF] =	sst s7  }
0x10: {  	[smem:$0x3FB0] =	sst s8  }
0x11: {  	[smem:$0x3FB1] =	sst s9;
	s0 =	simm.s32 @!p0 $0x0  }
0x12: {  	s1 =	sld [smem:$0x3F97];
	s0 =	simm.s32 @p0 $0x1  }
0x13: {  	[smem:$0x3FB2] =	sst s0;
	s0 =	simm.s32 @!p1 $0x0  }
0x14: {  	s2 =	sld [smem:$0x3F96];
	s0 =	simm.s32 @p1 $0x1  }
0x15: {  	[smem:$0x3FB3] =	sst s0;
	s0 =	simm.s32 @!p2 $0x0  }
0x16: {  	s3 =	sld [smem:$0x3FDB];
	s0 =	simm.s32 @p2 $0x1  }
0x17: {  	s4 =	simm.s32 $0x1BF5;
	[smem:$0x3FB5] =	sst s0  }
0x18: {  	s0 =	sld [smem:$0x3F98];
	_ =	swait.ge [sflag:s4], $0x0  }
0x19: {  	s7 =	sld [smem:$0x3F99]  }
0x1a: {  	s8 =	sadd.s32 $0xFFFFE003, lr  }
0x1b: {  	s9 =	sadd.s32 $0xFFFFFEF7, lr;
	s5 =	simm.s32 $0xFFFFFFFF;
	p2 =	slt.u32 s8, $0xFFFFF086  }
0x1c: {  	p1 =	slt.u32 s9, $0xF7A;
	s5 =	simm.s32 @!p2 $0x0  }
0x1d: {  	s5 =	simm.s32 @p1 $0x1;
	p0 =	seq.s32 s7, s2  }
0x1e: {  	s7 =	smul.u32 @!p0 $0xF7A, s2;
	p2 =	seq.s32 @!p0 s5, $0x0  }
0x1f: {  	s9 =	smul.u32 $0xF7A, s1;
	s8 =	simm.s32 @!p0 $0x1BF5;
	p2 =	por !p2, p0  }
0x20: {  	[sflag:s8] =	ssyncset.s32 @!p0 $0xFFFFF086;
	s6 =	sadd.s32 @!p0 s3, s7;
	s7 =	simm.s32 @!p0 $0x108  }
0x21: {  	s3 =	sadd.s32 s3, s9;
	s6 =	sadd.s32 @!p0 $0x88, s6;
	s7 =	simm.s32 @p2 $0x1082  }
0x22: {  	[simem:s7], [sflag:s8] =	dma.local @!p0 [hbm:s6], $0xF7A  }
0x23: {  	s9 =	sor.u32 $0xD0000000, s2;
	s6 =	simm.s32 $0x108;
	_ =	swait.ge @!p0 [sflag:s8], $0x0  }
0x24: {  	s3 =	sadd.s32 $0x88, s3;
	s6 =	simm.s32 @!p1 $0x1082;
	[sflag:s4] =	ssyncset.s32 $0xFFFFF086  }
0x25: {  	[simem:s6], [sflag:s4] =	dma.local [hbm:s3], $0xF7A  }
0x26: {  	[smem:$0x3F99] =	sst s1;
	(tag) =	ssettag s2;
	_ =	strace s9  }
0x27: {  	s1 =	sld [smem:$0x3FA9]  }
0x28: {  	s2 =	sld [smem:$0x3FAA]  }
0x29: {  	s4 =	sld [smem:$0x3FAC]  }
0x2a: {  	p0 =	seq.s32 s5, $0x0;
	s5 =	sld [smem:$0x3FAD]  }
0x2b: {  	s6 =	sld [smem:$0x3FAE]  }
0x2c: {  	s7 =	sld [smem:$0x3FAF]  }
0x2d: {  	s3 =	simm.s32 $0x108;
	s8 =	sld [smem:$0x3FB0]  }
0x2e: {  	s3 =	simm.s32 @!p0 $0x1082;
	s9 =	sld [smem:$0x3FB1]  }
0x2f: {  	lr =	sadd.s32 s0, s3;
	s0 =	sld [smem:$0x3FA8]  }
0x30: {  	s3 =	sld [smem:$0x3FAB]  }
0x31: {  	[smem:$0x3FB4] =	sst s10  }
0x32: {  	s10 =	sld [smem:$0x3FB2];
	_ =	sdelay $0x3  }
0x33: {  	p0 =	seq.s32 s10, $0x1;
	s10 =	sld [smem:$0x3FB4];
	_ =	sdelay $0x3  }
0x34: {  	[smem:$0x3FB4] =	sst s10  }
0x35: {  	s10 =	sld [smem:$0x3FB3];
	_ =	sdelay $0x3  }
0x36: {  	p1 =	seq.s32 s10, $0x1;
	s10 =	sld [smem:$0x3FB4];
	_ =	sdelay $0x3  }
0x37: {  	[smem:$0x3FB4] =	sst s10  }
0x38: {  	s10 =	sld [smem:$0x3FB5]  }
0x39: {  	_ = 	snop;
	(pc) =	sbr.ind lr, $3  }
0x3a: {  	_ = 	snop  }
0x3b: {  	_ = 	snop  }
0x3c: {  	p2 =	seq.s32 s10, $0x1;
	s10 =	sld [smem:$0x3FB4]  }
0x3d: {  	_ =	shalt  }
0x3e: {  	_ =	shalt  }
0x3f: {  	_ =	shalt  }
0x40: {  	_ =	shalt  }
0x41: {  	_ =	shalt  }
0x42: {  	_ =	shalt  }
0x43: {  	_ =	shalt  }
0x44: {  	_ =	shalt  }
0x45: {  	_ =	shalt  }
0x46: {  	_ =	shalt  }
0x47: {  	_ =	shalt  }
0x48: {  	_ =	shalt  }
0x49: {  	_ =	shalt  }
0x4a: {  	_ =	shalt  }
0x4b: {  	_ =	shalt  }
0x4c: {  	_ =	shalt  }
0x4d: {  	_ =	shalt  }
0x4e: {  	_ =	shalt  }
0x4f: {  	_ =	shalt  }
0x50: {  	_ =	shalt  }
0x51: {  	_ =	shalt  }
0x52: {  	_ =	shalt  }
0x53: {  	_ =	shalt  }
0x54: {  	_ =	shalt  }
0x55: {  	_ =	shalt  }
0x56: {  	_ =	shalt  }
0x57: {  	_ =	shalt  }
0x58: {  	_ =	shalt  }
0x59: {  	_ =	shalt  }
0x5a: {  	_ =	shalt  }
0x5b: {  	_ =	shalt  }
0x5c: {  	_ =	shalt  }
0x5d: {  	_ =	shalt  }
0x5e: {  	_ =	shalt  }
0x5f: {  	_ =	shalt  }
0x60: {  	_ =	shalt  }
0x61: {  	_ =	shalt  }
0x62: {  	_ =	shalt  }
0x63: {  	_ =	shalt  }
0x64: {  	_ =	shalt  }
0x65: {  	_ =	shalt  }
0x66: {  	_ =	shalt  }
0x67: {  	_ =	shalt  }
0x68: {  	_ =	shalt  }
0x69: {  	_ =	shalt  }
0x6a: {  	_ =	shalt  }
0x6b: {  	_ =	shalt  }
0x6c: {  	_ =	shalt  }
0x6d: {  	_ =	shalt  }
0x6e: {  	_ =	shalt  }
0x6f: {  	_ =	shalt  }
0x70: {  	_ =	shalt  }
0x71: {  	_ =	shalt  }
0x72: {  	_ =	shalt  }
0x73: {  	_ =	shalt  }
0x74: {  	_ =	shalt  }
0x75: {  	_ =	shalt  }
0x76: {  	_ =	shalt  }
0x77: {  	_ =	shalt  }
0x78: {  	_ =	shalt  }
0x79: {  	_ =	shalt  }
0x7a: {  	_ =	shalt  }
0x7b: {  	_ =	shalt  }
0x7c: {  	_ =	shalt  }
0x7d: {  	_ =	shalt  }
0x7e: {  	_ =	shalt  }
0x7f: {  	_ =	shalt  }
0x80: {  	_ =	shalt  }
0x81: {  	_ =	shalt  }
0x82: {  	_ =	shalt  }
0x83: {  	_ =	shalt  }
0x84: {  	_ =	shalt  }
0x85: {  	_ =	shalt  }
0x86: {  	_ =	shalt  }
0x87: {  	_ =	shalt  }
.Lfunc_end0:
.L_simem_size_0:
called_computation.1_lowered:
.L_overlay_start_0:
0x88: {  	s2 =	sld [smem:$0x3FD9]  }
0x89: {  	s3 =	sld [smem:$0x3FFE];
	_ =	sdelay $0x1  }
0x8a: {  	s1 =	srdreg.scid  }
0x8b: {  	s0 =	sand.u32 $0x1, s1  }
0x8c: {  	s17 =	sshll.u32 s0, $0xA;
	s2 =	sadd.s32 s3, s2  }
0x8d: {  	s2 =	sadd.s32 s2, s17  }
0x8e: {  	[smem:$0x3FC0] =	sst s2  }
0x8f: {  	_ = 	snop  }
0x90: {  	s2 =	sld [smem:$0x3FD0];
	(tm) =	ssettm $0x1  }
0x91: {  	s18 =	sld [smem:$0x3FFB];
	_ =	sdelay $0x3  }
0x92: {  	_ =	strace s18  }
0x93: {  	s3 =	sld [smem:$0x3FFC];
	_ =	sdelay $0x3  }
0x94: {  	_ =	strace s3  }
0x95: {  	s3 =	sld [smem:$0x3FFD];
	_ =	sdelay $0x3  }
0x96: {  	_ =	strace s3  }
0x97: {  	_ =	strace $0x8FFFFFFF  }
0x98: {  	s19 =	sld [smem:$0x3FDB];
	_ =	sdelay $0x1  }
0x99: {  	s4 =	simm.s32 $_scs_section_size  }
0x9a: {  	s5 =	simm.s32 $_size__tile_overlayer_lowered;
	s6 =	simm.s32 $_tile_overlayer_lowered  }
0x9b: {  	s22 =	simm.s32 $0x1BFF;
	s21 =	sshll.u32 s6, $0x1;
	s3 =	sadd.s32 s4, s19  }
0x9c: {  	s7 =	simm.s32 $0x0;
	s20 =	sshll.u32 s5, $0x1;
	s5 =	sadd.s32 s21, s3  }
0x9d: {  	[timem:s7], [sflag:s22] =	dma.local [hbm:s5], s20  }
0x9e: {  	_ =	swait.ge [sflag:s22], s20  }
0x9f: {  	s4 =	ssub.s32 $0x0, s20;
	[sflag:s22] =	ssyncset.done $0x0  }
0xa0: {  	[sflag:s22] =	ssyncadd.s32 s4;
	_ =	sdelay $0x1  }
0xa1: {  	s23 =	simm.s32 $0x1B8B  }
0xa2: {  	_ =	swait.ge [sflag:s23], $0x1  }
0xa3: {  	[sflag:s23] =	ssyncset.done $0x0  }
0xa4: {  	s25 =	simm.s32 $0x1B8E;
	s24 =	sld [smem:$0x3FFE];
	[sflag:s23] =	ssyncadd.s32 $0xFFFFFFFF  }
0xa5: {  	s26 =	simm.s32 $execute0_lowered;
	[smem:$0x3FD2] =	sst s25  }
0xa6: {  	s5 =	sshll.u32 s26, $0x1;
	_ =	strace $0x80000049;
	[dreg:$0x1] =	wrdreg $0xFFFFFFFF  }
0xa7: {  	s28 =	simm.s32 $_size_execute0_lowered;
	s3 =	sadd.s32 s3, s5;
	[dreg:$0x0] =	wrdreg $0x0  }
0xa8: {  	s5 =	sshll.u32 s28, $0x1;
	[dreg:$0x2] =	wrdreg s3  }
0xa9: {  	[dreg:$0x3] =	wrdreg s5  }
0xaa: {  	[dreg:$0x4] =	wrdreg $0xC0  }
0xab: {  	_ =	task [dreg:s7], $0x5FFFF  }
0xac: {  	[dreg:$0x1] =	wrdreg $0xFFFFFFFF  }
0xad: {  	[dreg:$0x0] =	wrdreg $0x60  }
0xae: {  	[dreg:$0x2] =	wrdreg s24  }
0xaf: {  	[dreg:$0x3] =	wrdreg s2  }
0xb0: {  	[dreg:$0x4] =	wrdreg $0x1D7800  }
0xb1: {  	[dreg:$0x5] =	wrdreg $0x9  }
0xb2: {  	_ =	task.clear_ibuf [dreg:s7], $0x6FFFF;
	_ =	strace $0x90000049  }
0xb3: {  	s29 =	simm.s32 $0x9;
	_ =	strace $0x8000004B  }
0xb4: {  	_ =	swait.ge [sflag:s29], $0x1  }
0xb5: {  	[sflag:s29] =	ssyncadd.s32 $0xFFFFFFFF  }
0xb6: {  	_ =	strace $0x9000004B  }
0xb7: {  	_ =	sfence  }
0xb8: {  	s30 =	sld [smem:$0x0];
	_ =	sdelay $0x2  }
0xb9: {  	s31 =	sshll.u32 s1, $0xD;
	s1 =	sshrl.u32 s1, $0x2  }
0xba: {  	s3 =	sand.u32 $0x4000, s31;
	s1 =	sadd.s32 s1, s30  }
0xbb: {  	s0 =	sor.u32 s3, s0;
	s1 =	sshll.u32 s1, $0x11  }
0xbc: {  	s0 =	sor.u32 s1, s0  }
0xbd: {  	s0 =	sadd.s32 $0x8F2B, s0  }
0xbe: {  	[sflag:s0] =	ssyncadd.remote.s32 $0x1  }
0xbf: {  	_ =	sfence.sel $0xFFFF  }
0xc0: {  	[dreg:$0x0] =	wrdreg $0xFFFFFFFF;
	(pc) =	sbr.abs _section_cstart, $3  }
0xc1: {  	[dreg:$0x1] =	wrdreg $0xFFFFFFFF  }
0xc2: {  	_ =	task.clear_ibuf [dreg:s7], $0x2FFFF;
	_ =	strace $0x9FFFFFFF  }
0xc3: {  	(tm) =	ssettm $0x7FFFFFFF  }
tec
execute0_lowered:
.L_overlay_start_1:
0x0: {  	(tag) =	ssettag $0x1  }
0x1: {  	s0 =	rddreg [dreg:$0x0]  }
0x2: {  	s2 =	rddreg [dreg:$0x1]  }
0x3: {  	s1 =	srdreg.scid;
	s10 =	rddreg [dreg:$0x2]  }
0x4: {  	s9 =	stileid.u32;
	s3 =	simm.s32 $0x0;
	s1 =	sand.u32 $0x1, s1  }
0x5: {  	[smem:$0x7FF] =	sst s3;
	s6 =	sadd.s32 $0x17200, s0;
	s8 =	smul.u32 $0xA000, s9  }
0x6: {  	s22 =	sadd.s32 $0x17C00, s0;
	s24 =	sadd.s32 $0x17700, s0;
	s12 =	smul.u32 $0x500, s9  }
0x7: {  	s20 =	smul.u32 $0x1388, s9;
	_ =	strace $0x8000004A;
	[dreg:$0x4] =	wrdreg s6  }
0x8: {  	s4 =	sshll.u32 s1, $0x4;
	[dreg:$0x5] =	wrdreg s22;
	s16 =	smul.u32 $0x5000, s1  }
0x9: {  	s23 =	ssub.s32 $0x2, s1;
	[dreg:$0x6] =	wrdreg s24;
	s1 =	smul.u32 $0x13880, s1  }
0xa: {  	s4 =	sor.u32 s9, s4;
	s7 =	sshrl.u32 s23, $0x1;
	s11 =	sshrl.u32 s8, $0x2  }
0xb: {  	s8 =	simm.s32 $0x6BA0;
	s5 =	smul.u32 $0x1388, s4;
	s11 =	sadd.s32 s11, s10  }
0xc: {  	s9 =	simm.s32 $0x7560;
	s4 =	smul.u32 $0x2710, s4;
	s13 =	sadd.s32 $0x200, s11  }
0xd: {  	s6 =	ssub.s32 s23, s7;
	s14 =	sadd.s32 $0x400, s11;
	[dreg:$0xc] =	wrdreg s13  }
0xe: {  	s7 =	simm.s32 $0x61D0;
	s15 =	sadd.s32 $0x600, s11;
	[dreg:$0xd] =	wrdreg s14  }
0xf: {  	s10 =	simm.s32 $0x1;
	s17 =	sadd.s32 $0x800, s11;
	[dreg:$0xe] =	wrdreg s15  }
0x10: {  	s18 =	sadd.s32 $0xA00, s11;
	s19 =	sadd.s32 $0xC00, s11;
	[dreg:$0xf] =	wrdreg s17  }
0x11: {  	s21 =	sadd.s32 $0xE00, s11;
	s22 =	sadd.s32 $0x1000, s11;
	[dreg:$0x10] =	wrdreg s18  }
0x12: {  	s23 =	sadd.s32 $0x1200, s11;
	s24 =	sadd.s32 $0x1400, s11;
	[dreg:$0x11] =	wrdreg s19  }
0x13: {  	s28 =	sadd.s32 $0x1800, s11;
	s29 =	sadd.s32 $0x1A00, s11;
	[dreg:$0x12] =	wrdreg s21  }
0x14: {  	s30 =	sadd.s32 $0x1C00, s11;
	s31 =	sadd.s32 $0x1E00, s11;
	[dreg:$0x13] =	wrdreg s22  }
0x15: {  	s5 =	sshrl.u32 s5, $0x3;
	s4 =	sadd.s32 s4, s0;
	[dreg:$0x15] =	wrdreg s23  }
0x16: {  	s23 =	sadd.s32 s20, s1;
	[dreg:$0x16] =	wrdreg s24;
	s1 =	sadd.s32 $0x2200, s11  }
0x17: {  	s13 =	simm.s32 $0x9;
	s14 =	simm.s32 $0x1D580;
	s15 =	simm.s32 $0x3  }
0x18: {  	s17 =	simm.s32 $0x7;
	s18 =	simm.s32 $0x5;
	s19 =	simm.s32 $0x6  }
0x19: {  	s20 =	simm.s32 $0x8;
	s21 =	simm.s32 $0x0;
	s4 =	sadd.s32 $0x273000, s4  }
0x1a: {  	s5 =	sadd.s32 s5, s0;
	s0 =	sadd.s32 $0x18100, s0;
	[dreg:$0xa] =	wrdreg s4  }
0x1b: {  	s25 =	sadd.s32 $0x12200, s5;
	s26 =	sadd.s32 $0xD200, s5;
	[dreg:$0xb] =	wrdreg s0  }
0x1c: {  	s5 =	sadd.s32 $0xD33A, s5;
	s0 =	sadd.s32 s12, s16;
	[dreg:$0x7] =	wrdreg s25  }
0x1d: {  	v2 =	vimm.s32 $0x1FFF;
	s4 =	sadd.s32 $0x2600, s11;
	s12 =	simm.s32 $0x2;
	[dreg:$0x8] =	wrdreg s26  }
0x1e: {  	s16 =	simm.s32 $0x4;
	[dreg:$0x9] =	wrdreg s5;
	s0 =	sadd.s32 s2, s0  }
0x1f: {  	s25 =	smax.u32 s6, $0x1;
	s26 =	sadd.s32 $0x1600, s11;
	[dreg:$0x14] =	wrdreg s0  }
0x20: {  	v0 =	vimm.f32 $0.0e+00;
	s2 =	sadd.s32 $0x2400, s11;
	s5 =	simm.s32 $0x2720;
	[dreg:$0x17] =	wrdreg s25  }
0x21: {  	v1 =	vlaneseq.u32;
	v3 =	vimm.s32 $0x0;
	vm0 =	vmmov $0xff;
	s6 =	simm.s32 $0x1AE60;
	[dreg:$0x18] =	wrdreg s26;
	s0 =	sadd.s32 $0x2000, s11  }
.LBB2_1:
0x22: {  	s22 =	rddreg [dreg:$0x4]  }
0x23: {  	[tilespmem:s3], [sflag:$0x1] =	stream.linear.gather [hbm4b:s22+s3], $0x2720, $0x38;
	[tilespmem:$0x1FF80] =	vst v63  }
0x24: {  	s24 =	rddreg [dreg:$0x6]  }
0x25: {  	[tilespmem:s5], [sflag:$0x2] =	stream.linear.gather [hbm4b:s24+s3], $0x2720, $0x38;
	[tilespmem:$0x1FF80] =	vst v63  }
0x26: {  	s25 =	rddreg [dreg:$0x5]  }
0x27: {  	[tilespmem:s6], [sflag:$0x3] =	stream.linear.gather [hbm4b:s25+s3], $0x2720, $0x38;
	[tilespmem:$0x1FF80] =	vst v63  }
0x28: {  	s26 =	rddreg [dreg:$0x7];
	s24 =	simm.s32 $0x4E40  }
0x29: {  	[tilespmem:s24], [sflag:$0x4] =	stream.linear.gather [hbm4b:s26+s3], $0x1388, $0x38;
	[tilespmem:$0x1FF80] =	vst v63  }
0x2a: {  	s24 =	rddreg [dreg:$0x8]  }
0x2b: {  	[tilespmem:s7], [sflag:$0x5] =	stream.linear.gather [hbm4b:s24+s3], $0x9D0, $0x38;
	[tilespmem:$0x1FF80] =	vst v63  }
0x2c: {  	s25 =	rddreg [dreg:$0x9]  }
0x2d: {  	[tilespmem:s8], [sflag:$0x6] =	stream.linear.gather [hbm4b:s25+s3], $0x9B8, $0x38;
	[tilespmem:$0x1FF80] =	vst v63  }
0x2e: {  	s26 =	rddreg [dreg:$0xa]  }
0x2f: {  	[tilespmem:s9], [sflag:$0x7] =	stream.linear.gather [hbm4b:s26+s3], $0x13880, $0x38;
	[tilespmem:$0x1FF80] =	vst v63  }
0x30: {  	_ =	swait.ge [sflag:s10], $0x2720  }
0x31: {  	[sflag:s10] =	ssyncset.done $0x0  }
0x32: {  	[sflag:s10] =	ssyncadd.s32 $0xFFFFD8E0  }
0x33: {  	_ =	swait.ge [sflag:s12], $0x2720  }
0x34: {  	[sflag:s12] =	ssyncset.done $0x0  }
0x35: {  	s26 =	simm.s32 $0x0;
	[sflag:s12] =	ssyncadd.s32 $0xFFFFD8E0  }
0x36: {  	v4 =	vld [tilespmem:s26+$0x2720]  }
0x37: {  	v5 =	vld [tilespmem:s26+$0x0];
	_ =	sdelay $0x4  }
0x38: {  	v4 =	vadd.f32 v4, v5;
	_ =	sdelay $0x1  }
0x39: {  	(xrf2) =	vadd.scan.msk.f32 $0xffff, v4;
	_ =	sdelay $0x9  }
0x3a: {  	s22 =	simm.f32 $0.0e+00;
	v5, _, _ =	vpop (xrf2)  }
0x3b: {  	v6 =	vadd.f32 s22, v5;
	(v2sf) =	vpush v5, $0xF  }
0x3c: {  	s24 =	simm.s32 $0x10  }
0x3d: {  	s25 =	simm.s32 $0x80;
	v4 =	vld [tilespmem:s24+$0x2720];
	[tilespmem:s26+$0x0] =	vst v6  }
.LBB2_2:
0x3e: {  	p0 =	sne.s32 s25, $0x9C40;
	v5 =	vld [tilespmem:s24+$0x0];
	_ =	sdelay $0x4  }
0x3f: {  	v4 =	vadd.f32 v4, v5;
	_ =	sdelay $0x1  }
0x40: {  	(xrf2) =	vadd.scan.msk.f32 $0xffff, v4;
	_ =	sdelay $0x4  }
0x41: {  	s26 =	spop (v2sf)  }
0x42: {  	s22 =	sadd.f32 s26, s22;
	_ =	sdelay $0x2  }
.Ltmp0:
0x43: {  	(pc) =	sbr.rel @p0 .LBB2_2-.Ltmp0, $4  }
0x44: {  	v4, _, _ =	vpop (xrf2)  }
0x45: {  	v5 =	vadd.f32 s22, v4;
	(v2sf) =	vpush v4, $0xF  }
0x46: {  	s26 =	sshra.s32 s25, $0x2  }
0x47: {  	s25 =	sadd.s32 $0x40, s25;
	v4 =	vld [tilespmem:s26+$0x2720];
	[tilespmem:s24+$0x0] =	vst v5;
	s24 =	smov.u32 s26  }
0x48: {  	v5 =	vld [tilespmem:s24+$0x0];
	_ =	sdelay $0x4  }
0x49: {  	v4 =	vadd.f32 v4, v5;
	_ =	sdelay $0x1  }
0x4a: {  	(xrf2) =	vadd.scan.msk.f32 $0xffff, v4;
	_ =	sdelay $0x9  }
0x4b: {  	v4, _, _ =	vpop (xrf2)  }
0x4c: {  	(v2sf) =	vpush v4, $0xF;
	_ =	sdelay $0x7  }
0x4d: {  	s25 =	spop (v2sf)  }
0x4e: {  	s22 =	sadd.f32 s25, s22;
	_ =	sdelay $0x1  }
0x4f: {  	v4 =	vadd.f32 s22, v4;
	_ =	sdelay $0x1  }
0x50: {  	s25 =	rddreg [dreg:$0xb];
	s22 =	simm.s32 $0x0;
	[tilespmem:s24+$0x0] =	vst v4  }
0x51: {  	[tilespmem:s5], [sflag:$0x9] =	stream.linear.gather [hbm4b:s25+s22], $0x2720, $0x38;
	[tilespmem:$0x1FF80] =	vst v63  }
0x52: {  	s24 =	spop (v2sf)  }
0x53: {  	_ =	swait.ge [sflag:s13], $0x2720  }
0x54: {  	[sflag:s13] =	ssyncset.done $0x0  }
0x55: {  	[sflag:s13] =	ssyncadd.s32 $0xFFFFD8E0  }
0x56: {  	[tilespmem:$0x1D580] =	vst v0  }
0x57: {  	[tilespmem:$0x1D590] =	vst v0  }
0x58: {  	[tilespmem:$0x1D5A0] =	vst v0  }
0x59: {  	[tilespmem:$0x1D5B0] =	vst v0  }
0x5a: {  	[tilespmem:$0x1D5C0] =	vst v0  }
0x5b: {  	[tilespmem:$0x1D5D0] =	vst v0  }
0x5c: {  	[tilespmem:$0x1D5E0] =	vst v0  }
0x5d: {  	[tilespmem:$0x1D5F0] =	vst v0  }
0x5e: {  	[tilespmem:$0x1D600] =	vst v0  }
0x5f: {  	[tilespmem:$0x1D610] =	vst v0  }
0x60: {  	[tilespmem:$0x1D620] =	vst v0  }
0x61: {  	[tilespmem:$0x1D630] =	vst v0  }
0x62: {  	[tilespmem:$0x1D640] =	vst v0  }
0x63: {  	[tilespmem:$0x1D650] =	vst v0  }
0x64: {  	[tilespmem:$0x1D660] =	vst v0  }
0x65: {  	[tilespmem:$0x1D670] =	vst v0  }
0x66: {  	[tilespmem:$0x1D680] =	vst v0  }
0x67: {  	[tilespmem:$0x1D690] =	vst v0  }
0x68: {  	[tilespmem:$0x1D6A0] =	vst v0  }
0x69: {  	[tilespmem:$0x1D6B0] =	vst v0  }
0x6a: {  	[tilespmem:$0x1D6C0] =	vst v0  }
0x6b: {  	[tilespmem:$0x1D6D0] =	vst v0  }
0x6c: {  	[tilespmem:$0x1D6E0] =	vst v0  }
0x6d: {  	[tilespmem:$0x1D6F0] =	vst v0  }
0x6e: {  	[tilespmem:$0x1D700] =	vst v0  }
0x6f: {  	[tilespmem:$0x1D710] =	vst v0  }
0x70: {  	[tilespmem:$0x1D720] =	vst v0  }
0x71: {  	[tilespmem:$0x1D730] =	vst v0  }
0x72: {  	[tilespmem:$0x1D740] =	vst v0  }
0x73: {  	[tilespmem:$0x1D750] =	vst v0  }
0x74: {  	[tilespmem:$0x1D760] =	vst v0  }
0x75: {  	[tilespmem:$0x1D770] =	vst v0  }
0x76: {  	[spmem:s11] =	stream.linear.scatter [tilespmem:s14], [sflag:$0x9], $0x200, $0x38;
	[tilespmem:$0x1FF80] =	vst v63  }
0x77: {  	_ =	swait.ge [sflag:s13], $0x200  }
0x78: {  	[sflag:s13] =	ssyncset.done $0x0  }
0x79: {  	s26 =	rddreg [dreg:$0xc];
	[sflag:s13] =	ssyncadd.s32 $0xFFFFFE00  }
0x7a: {  	[spmem:s26] =	stream.linear.scatter [tilespmem:s14], [sflag:$0x9], $0x200, $0x38;
	[tilespmem:$0x1FF80] =	vst v63  }
0x7b: {  	_ =	swait.ge [sflag:s13], $0x200  }
0x7c: {  	[sflag:s13] =	ssyncset.done $0x0  }
0x7d: {  	s25 =	rddreg [dreg:$0xd];
	[sflag:s13] =	ssyncadd.s32 $0xFFFFFE00  }
0x7e: {  	[spmem:s25] =	stream.linear.scatter [tilespmem:s14], [sflag:$0x9], $0x200, $0x38;
	[tilespmem:$0x1FF80] =	vst v63  }
0x7f: {  	_ =	swait.ge [sflag:s13], $0x200  }
0x80: {  	[sflag:s13] =	ssyncset.done $0x0  }
0x81: {  	s26 =	rddreg [dreg:$0xe];
	[sflag:s13] =	ssyncadd.s32 $0xFFFFFE00  }
0x82: {  	[spmem:s26] =	stream.linear.scatter [tilespmem:s14], [sflag:$0x9], $0x200, $0x38;
	[tilespmem:$0x1FF80] =	vst v63  }
0x83: {  	_ =	swait.ge [sflag:s13], $0x200  }
0x84: {  	[sflag:s13] =	ssyncset.done $0x0  }
0x85: {  	s25 =	rddreg [dreg:$0xf];
	[sflag:s13] =	ssyncadd.s32 $0xFFFFFE00  }
0x86: {  	[spmem:s25] =	stream.linear.scatter [tilespmem:s14], [sflag:$0x9], $0x200, $0x38;
	[tilespmem:$0x1FF80] =	vst v63  }
0x87: {  	_ =	swait.ge [sflag:s13], $0x200  }
0x88: {  	[sflag:s13] =	ssyncset.done $0x0  }
0x89: {  	s26 =	rddreg [dreg:$0x10];
	[sflag:s13] =	ssyncadd.s32 $0xFFFFFE00  }
0x8a: {  	[spmem:s26] =	stream.linear.scatter [tilespmem:s14], [sflag:$0x9], $0x200, $0x38;
	[tilespmem:$0x1FF80] =	vst v63  }
0x8b: {  	_ =	swait.ge [sflag:s13], $0x200  }
0x8c: {  	[sflag:s13] =	ssyncset.done $0x0  }
0x8d: {  	s25 =	rddreg [dreg:$0x11];
	[sflag:s13] =	ssyncadd.s32 $0xFFFFFE00  }
0x8e: {  	[spmem:s25] =	stream.linear.scatter [tilespmem:s14], [sflag:$0x9], $0x200, $0x38;
	[tilespmem:$0x1FF80] =	vst v63  }
0x8f: {  	_ =	swait.ge [sflag:s13], $0x200  }
0x90: {  	[sflag:s13] =	ssyncset.done $0x0  }
0x91: {  	s26 =	rddreg [dreg:$0x12];
	[sflag:s13] =	ssyncadd.s32 $0xFFFFFE00  }
0x92: {  	[spmem:s26] =	stream.linear.scatter [tilespmem:s14], [sflag:$0x9], $0x200, $0x38;
	[tilespmem:$0x1FF80] =	vst v63  }
0x93: {  	_ =	swait.ge [sflag:s13], $0x200  }
0x94: {  	[sflag:s13] =	ssyncset.done $0x0  }
0x95: {  	s25 =	rddreg [dreg:$0x13];
	[sflag:s13] =	ssyncadd.s32 $0xFFFFFE00  }
0x96: {  	[spmem:s25] =	stream.linear.scatter [tilespmem:s14], [sflag:$0x9], $0x200, $0x38;
	[tilespmem:$0x1FF80] =	vst v63  }
0x97: {  	_ =	swait.ge [sflag:s13], $0x200  }
0x98: {  	[sflag:s13] =	ssyncset.done $0x0  }
0x99: {  	s26 =	rddreg [dreg:$0x15];
	[sflag:s13] =	ssyncadd.s32 $0xFFFFFE00  }
0x9a: {  	[spmem:s26] =	stream.linear.scatter [tilespmem:s14], [sflag:$0x9], $0x200, $0x38;
	[tilespmem:$0x1FF80] =	vst v63  }
0x9b: {  	_ =	swait.ge [sflag:s13], $0x200  }
0x9c: {  	[sflag:s13] =	ssyncset.done $0x0  }
0x9d: {  	s25 =	rddreg [dreg:$0x16];
	[sflag:s13] =	ssyncadd.s32 $0xFFFFFE00  }
0x9e: {  	[spmem:s25] =	stream.linear.scatter [tilespmem:s14], [sflag:$0x9], $0x200, $0x38;
	[tilespmem:$0x1FF80] =	vst v63  }
0x9f: {  	_ =	swait.ge [sflag:s13], $0x200  }
0xa0: {  	[sflag:s13] =	ssyncset.done $0x0  }
0xa1: {  	s26 =	rddreg [dreg:$0x18];
	[sflag:s13] =	ssyncadd.s32 $0xFFFFFE00  }
0xa2: {  	[spmem:s26] =	stream.linear.scatter [tilespmem:s14], [sflag:$0x9], $0x200, $0x38;
	[tilespmem:$0x1FF80] =	vst v63  }
0xa3: {  	_ =	swait.ge [sflag:s13], $0x200  }
0xa4: {  	[sflag:s13] =	ssyncset.done $0x0  }
0xa5: {  	[sflag:s13] =	ssyncadd.s32 $0xFFFFFE00  }
0xa6: {  	[spmem:s28] =	stream.linear.scatter [tilespmem:s14], [sflag:$0x9], $0x200, $0x38;
	[tilespmem:$0x1FF80] =	vst v63  }
0xa7: {  	_ =	swait.ge [sflag:s13], $0x200  }
0xa8: {  	[sflag:s13] =	ssyncset.done $0x0  }
0xa9: {  	[sflag:s13] =	ssyncadd.s32 $0xFFFFFE00  }
0xaa: {  	[spmem:s29] =	stream.linear.scatter [tilespmem:s14], [sflag:$0x9], $0x200, $0x38;
	[tilespmem:$0x1FF80] =	vst v63  }
0xab: {  	_ =	swait.ge [sflag:s13], $0x200  }
0xac: {  	[sflag:s13] =	ssyncset.done $0x0  }
0xad: {  	[sflag:s13] =	ssyncadd.s32 $0xFFFFFE00  }
0xae: {  	[spmem:s30] =	stream.linear.scatter [tilespmem:s14], [sflag:$0x9], $0x200, $0x38;
	[tilespmem:$0x1FF80] =	vst v63  }
0xaf: {  	_ =	swait.ge [sflag:s13], $0x200  }
0xb0: {  	[sflag:s13] =	ssyncset.done $0x0  }
0xb1: {  	[sflag:s13] =	ssyncadd.s32 $0xFFFFFE00  }
0xb2: {  	[spmem:s31] =	stream.linear.scatter [tilespmem:s14], [sflag:$0x9], $0x200, $0x38;
	[tilespmem:$0x1FF80] =	vst v63  }
0xb3: {  	_ =	swait.ge [sflag:s13], $0x200  }
0xb4: {  	[sflag:s13] =	ssyncset.done $0x0  }
0xb5: {  	[sflag:s13] =	ssyncadd.s32 $0xFFFFFE00  }
0xb6: {  	[spmem:s0] =	stream.linear.scatter [tilespmem:s14], [sflag:$0x9], $0x200, $0x38;
	[tilespmem:$0x1FF80] =	vst v63  }
0xb7: {  	_ =	swait.ge [sflag:s13], $0x200  }
0xb8: {  	[sflag:s13] =	ssyncset.done $0x0  }
0xb9: {  	[sflag:s13] =	ssyncadd.s32 $0xFFFFFE00  }
0xba: {  	[spmem:s1] =	stream.linear.scatter [tilespmem:s14], [sflag:$0x9], $0x200, $0x38;
	[tilespmem:$0x1FF80] =	vst v63  }
0xbb: {  	_ =	swait.ge [sflag:s13], $0x200  }
0xbc: {  	[sflag:s13] =	ssyncset.done $0x0  }
0xbd: {  	[sflag:s13] =	ssyncadd.s32 $0xFFFFFE00  }
0xbe: {  	[spmem:s2] =	stream.linear.scatter [tilespmem:s14], [sflag:$0x9], $0x200, $0x38;
	[tilespmem:$0x1FF80] =	vst v63  }
0xbf: {  	_ =	swait.ge [sflag:s13], $0x200  }
0xc0: {  	[sflag:s13] =	ssyncset.done $0x0  }
0xc1: {  	[sflag:s13] =	ssyncadd.s32 $0xFFFFFE00  }
0xc2: {  	[spmem:s4] =	stream.linear.scatter [tilespmem:s14], [sflag:$0x9], $0x200, $0x38;
	[tilespmem:$0x1FF80] =	vst v63  }
0xc3: {  	_ =	swait.ge [sflag:s13], $0x200  }
0xc4: {  	[sflag:s13] =	ssyncset.done $0x0  }
0xc5: {  	[sflag:s13] =	ssyncadd.s32 $0xFFFFFE00  }
0xc6: {  	[bflag:$0x0] =	sbarrier.arrive $0xFFFF  }
0xc7: {  	_ =	swait.ge [sflag:s15], $0x2720  }
0xc8: {  	[sflag:s15] =	ssyncset.done $0x0  }
0xc9: {  	[sflag:s15] =	ssyncadd.s32 $0xFFFFD8E0  }
0xca: {  	_ =	swait.ge [sflag:s16], $0x1388  }
0xcb: {  	[sflag:s16] =	ssyncset.done $0x0  }
0xcc: {  	[sflag:s16] =	ssyncadd.s32 $0xFFFFEC78  }
0xcd: {  	_ =	swait.ge [sflag:s17], $0x13880  }
0xce: {  	[sflag:s17] =	ssyncset.done $0x0  }
0xcf: {  	s24 =	smov.u32 s23;
	[sflag:s17] =	ssyncadd.s32 $0xFFFEC780  }
.LBB2_4:
0xd0: {  	v4 =	vld.idx.msk [tilespmem:v2+s3+$0x0], $0xffff;
	_ =	sdelay $0x1  }
0xd1: {  	v5 =	vadd.s32 s24, v1  }
0xd2: {  	v5 =	vcvt.s32.f32 v5;
	_ =	sdelay $0x1  }
0xd3: {  	vm1 =	vle.f32 v4, v5  }
0xd4: {  	v4 =	vsel vm1, $0x2000, v3  }
0xd5: {  	v6 =	vor.u32 $0x1000, v4  }
0xd6: {  	v7 =	vmin.u32 v6, $0x2710  }
0xd7: {  	v7 =	vadd.s32 $0xFFFFFFFF, v7;
	_ =	sdelay $0x4  }
0xd8: {  	v7 =	vld.idx.msk [tilespmem:v7+s3+$0x0], $0xffff;
	_ =	sdelay $0x4  }
0xd9: {  	vm1 =	vlt.u32 v6, $0x2711;
	vm2 =	vle.f32 v7, v5  }
0xda: {  	vm1 =	vmand vm2, vm1  }
0xdb: {  	v4 =	vsel vm1, v6, v4  }
0xdc: {  	v6 =	vor.u32 $0x800, v4  }
0xdd: {  	v52 =	vmin.u32 v6, $0x2710  }
0xde: {  	v7 =	vadd.s32 $0xFFFFFFFF, v52;
	_ =	sdelay $0x4  }
0xdf: {  	v7 =	vld.idx.msk [tilespmem:v7+s3+$0x0], $0xffff;
	_ =	sdelay $0x4  }
0xe0: {  	vm1 =	vlt.u32 v6, $0x2711;
	vm2 =	vle.f32 v7, v5  }
0xe1: {  	vm1 =	vmand vm2, vm1  }
0xe2: {  	v4 =	vsel vm1, v6, v4  }
0xe3: {  	v6 =	vor.u32 $0x400, v4  }
0xe4: {  	v53 =	vmin.u32 v6, $0x2710  }
0xe5: {  	v7 =	vadd.s32 $0xFFFFFFFF, v53;
	_ =	sdelay $0x4  }
0xe6: {  	v7 =	vld.idx.msk [tilespmem:v7+s3+$0x0], $0xffff;
	_ =	sdelay $0x4  }
0xe7: {  	vm1 =	vlt.u32 v6, $0x2711;
	vm2 =	vle.f32 v7, v5  }
0xe8: {  	vm1 =	vmand vm2, vm1  }
0xe9: {  	v4 =	vsel vm1, v6, v4  }
0xea: {  	v6 =	vadd.s32 $0x200, v4  }
0xeb: {  	v54 =	vmin.u32 v6, $0x2710  }
0xec: {  	v7 =	vadd.s32 $0xFFFFFFFF, v54;
	_ =	sdelay $0x4  }
0xed: {  	v7 =	vld.idx.msk [tilespmem:v7+s3+$0x0], $0xffff;
	_ =	sdelay $0x4  }
0xee: {  	vm1 =	vlt.u32 v4, $0x2511;
	vm2 =	vle.f32 v7, v5  }
0xef: {  	vm1 =	vmand vm2, vm1  }
0xf0: {  	v4 =	vsel vm1, v6, v4  }
0xf1: {  	v6 =	vadd.s32 $0x100, v4  }
0xf2: {  	v55 =	vmin.u32 v6, $0x2710  }
0xf3: {  	v7 =	vadd.s32 $0xFFFFFFFF, v55;
	_ =	sdelay $0x4  }
0xf4: {  	v7 =	vld.idx.msk [tilespmem:v7+s3+$0x0], $0xffff;
	_ =	sdelay $0x4  }
0xf5: {  	vm1 =	vlt.u32 v4, $0x2611;
	vm2 =	vle.f32 v7, v5  }
0xf6: {  	vm1 =	vmand vm2, vm1  }
0xf7: {  	v4 =	vsel vm1, v6, v4  }
0xf8: {  	v6 =	vadd.s32 $0x80, v4  }
0xf9: {  	v56 =	vmin.u32 v6, $0x2710  }
0xfa: {  	v7 =	vadd.s32 $0xFFFFFFFF, v56;
	_ =	sdelay $0x4  }
0xfb: {  	v7 =	vld.idx.msk [tilespmem:v7+s3+$0x0], $0xffff;
	_ =	sdelay $0x4  }
0xfc: {  	vm1 =	vlt.u32 v4, $0x2691;
	vm2 =	vle.f32 v7, v5  }
0xfd: {  	vm1 =	vmand vm2, vm1  }
0xfe: {  	v4 =	vsel vm1, v6, v4  }
0xff: {  	v6 =	vadd.s32 $0x40, v4  }
0x100: {  	v57 =	vmin.u32 v6, $0x2710  }
0x101: {  	v7 =	vadd.s32 $0xFFFFFFFF, v57;
	_ =	sdelay $0x4  }
0x102: {  	v7 =	vld.idx.msk [tilespmem:v7+s3+$0x0], $0xffff;
	_ =	sdelay $0x4  }
0x103: {  	vm1 =	vlt.u32 v4, $0x26D1;
	vm2 =	vle.f32 v7, v5  }
0x104: {  	vm1 =	vmand vm2, vm1  }
0x105: {  	v4 =	vsel vm1, v6, v4  }
0x106: {  	v6 =	vadd.s32 $0x20, v4  }
0x107: {  	v58 =	vmin.u32 v6, $0x2710  }
0x108: {  	v7 =	vadd.s32 $0xFFFFFFFF, v58;
	_ =	sdelay $0x4  }
0x109: {  	v7 =	vld.idx.msk [tilespmem:v7+s3+$0x0], $0xffff;
	_ =	sdelay $0x4  }
0x10a: {  	vm1 =	vlt.u32 v4, $0x26F1;
	vm2 =	vle.f32 v7, v5  }
0x10b: {  	vm1 =	vmand vm2, vm1  }
0x10c: {  	v4 =	vsel vm1, v6, v4  }
0x10d: {  	v6 =	vadd.s32 $0x10, v4  }
0x10e: {  	v59 =	vmin.u32 v6, $0x2710  }
0x10f: {  	v7 =	vadd.s32 $0xFFFFFFFF, v59;
	_ =	sdelay $0x4  }
0x110: {  	v7 =	vld.idx.msk [tilespmem:v7+s3+$0x0], $0xffff;
	_ =	sdelay $0x4  }
0x111: {  	vm1 =	vlt.u32 v4, $0x2701;
	vm2 =	vle.f32 v7, v5  }
0x112: {  	vm1 =	vmand vm2, vm1  }
0x113: {  	v4 =	vsel vm1, v6, v4  }
0x114: {  	v6 =	vadd.s32 $0x8, v4  }
0x115: {  	v60 =	vmin.u32 v6, $0x2710  }
0x116: {  	v7 =	vadd.s32 $0xFFFFFFFF, v60;
	_ =	sdelay $0x4  }
0x117: {  	v7 =	vld.idx.msk [tilespmem:v7+s3+$0x0], $0xffff;
	_ =	sdelay $0x4  }
0x118: {  	vm1 =	vlt.u32 v4, $0x2709;
	vm2 =	vle.f32 v7, v5  }
0x119: {  	vm1 =	vmand vm2, vm1  }
0x11a: {  	v4 =	vsel vm1, v6, v4  }
0x11b: {  	v6 =	vadd.s32 $0x4, v4  }
0x11c: {  	v61 =	vmin.u32 v6, $0x2710  }
0x11d: {  	v7 =	vadd.s32 $0xFFFFFFFF, v61;
	_ =	sdelay $0x4  }
0x11e: {  	v7 =	vld.idx.msk [tilespmem:v7+s3+$0x0], $0xffff;
	_ =	sdelay $0x4  }
0x11f: {  	vm1 =	vlt.u32 v4, $0x270D;
	vm2 =	vle.f32 v7, v5  }
0x120: {  	vm1 =	vmand vm2, vm1  }
0x121: {  	v4 =	vsel vm1, v6, v4  }
0x122: {  	v6 =	vadd.s32 $0x2, v4  }
0x123: {  	v62 =	vmin.u32 v6, $0x2710  }
0x124: {  	v7 =	vadd.s32 $0xFFFFFFFF, v62;
	_ =	sdelay $0x4  }
0x125: {  	v7 =	vld.idx.msk [tilespmem:v7+s3+$0x0], $0xffff;
	_ =	sdelay $0x4  }
0x126: {  	vm1 =	vlt.u32 v4, $0x270F;
	vm2 =	vle.f32 v7, v5  }
0x127: {  	vm1 =	vmand vm2, vm1  }
0x128: {  	v4 =	vsel vm1, v6, v4  }
0x129: {  	v6 =	vadd.s32 $0x1, v4  }
0x12a: {  	v63 =	vmin.u32 v6, $0x2710  }
0x12b: {  	v7 =	vadd.s32 $0xFFFFFFFF, v63;
	_ =	sdelay $0x4  }
0x12c: {  	v7 =	vld.idx.msk [tilespmem:v7+s3+$0x0], $0xffff;
	_ =	sdelay $0x4  }
0x12d: {  	vm1 =	vlt.u32 v4, $0x2710;
	vm2 =	vle.f32 v7, v5  }
0x12e: {  	vm1 =	vmand vm2, vm1  }
0x12f: {  	v4 =	vsel vm1, v6, v4;
	_ =	sdelay $0x4  }
0x130: {  	v5 =	vld.idx.msk [tilespmem:v4+s6+$0x0], $0xffff  }
0x131: {  	v4 =	vld.idx.msk [tilespmem:v4+s5+$0x0], $0xffff;
	_ =	sdelay $0x4  }
0x132: {  	v4 =	vadd.f32 v4, v5;
	_ =	sdelay $0x1  }
0x133: {  	(erf) = vrcp.f32 v4;
	_ =	sdelay $0x3  }
0x134: {  	s25 =	sshra.s32 s22, $0x2  }
0x135: {  	v4 =	vld [tilespmem:s25+$0x4E40];
	_ =	sdelay $0x1  }
0x136: {  	p0 =	sne.s32 s22, $0x4E00  }
.Ltmp1:
0x137: {  	_ = 	snop;
	(pc) =	sbr.rel @p0 .LBB2_4-.Ltmp1, $3  }
0x138: {  	v5 =	vpop (erf)  }
0x139: {  	v4 =	vmul.f32 v5, v4;
	_ =	sdelay $0x1  }
0x13a: {  	s24 =	sadd.s32 $0x10, s24;
	s22 =	sadd.s32 $0x40, s22;
	[tilespmem:s25+$0x4E40] =	vst v4  }
0x13b: {  	_ =	swait.ge [sflag:s18], $0x9D0  }
0x13c: {  	[sflag:s18] =	ssyncset.done $0x0  }
0x13d: {  	[sflag:s18] =	ssyncadd.s32 $0xFFFFF630  }
0x13e: {  	_ =	swait.ge [sflag:s19], $0x9B8  }
0x13f: {  	[sflag:s19] =	ssyncset.done $0x0  }
0x140: {  	[sflag:s19] =	ssyncadd.s32 $0xFFFFF648  }
0x141: {  	v4 =	vld [tilespmem:$0x7550];
	_ =	sdelay $0x4  }
0x142: {  	v4 =	vnsel vm0, $0x2710, v4  }
0x143: {  	s22 =	simm.s32 $0x75E0;
	[tilespmem:$0x7550] =	vst v4  }
0x144: {  	s26 =	simm.s32 $0x0;
	s25 =	simm.s32 $0x40;
	s24 =	simm.s32 $0x75E0;
	v4 =	vld [tilespmem:s22+$0xFFFFFFB0]  }
.LBB2_6:
0x145: {  	p0 =	sne.s32 s25, $0x2700;
	v5 =	vld [tilespmem:s26+$0x4E40]  }
0x146: {  	v6 =	vld [tilespmem:s22+$0xFFFFFF90]  }
0x147: {  	v7 =	vld [tilespmem:s22+$0xFFFFFF80]  }
0x148: {  	v8 =	vld [tilespmem:s22+$0xFFFFFFA0]  }
0x149: {  	v9 =	vld [tilespmem:s22+$0xFFFFFFF0]  }
0x14a: {  	v10 =	vbroadcast v5, $0x0;
	v11 =	vbroadcast v5, $0x1;
	v12 =	vld [tilespmem:s22+$0xFFFFFFD0]  }
0x14b: {  	v13 =	vbroadcast v5, $0x2;
	v14 =	vbroadcast v5, $0x3;
	v15 =	vld [tilespmem:s22+$0xFFFFFFC0]  }
0x14c: {  	v7 =	vmul.f32 v10, v7;
	v6 =	vmul.f32 v6, v11;
	v10 =	vld [tilespmem:s22+$0xFFFFFFE0]  }
0x14d: {  	v4 =	vmul.f32 v4, v14;
	v8 =	vmul.f32 v8, v13;
	v11 =	vld [tilespmem:s22+$0x30]  }
0x14e: {  	v13 =	vbroadcast v5, $0x5;
	[tilespmem:s22+$0xFFFFFF80] =	vst v7;
	v7 =	vbroadcast v5, $0x4;
	v14 =	vld [tilespmem:s22+$0x10]  }
0x14f: {  	v16 =	vbroadcast v5, $0x7;
	[tilespmem:s22+$0xFFFFFF90] =	vst v6;
	v6 =	vbroadcast v5, $0x6;
	v17 =	vld [tilespmem:s22+$0x0]  }
0x150: {  	[tilespmem:s22+$0xFFFFFFA0] =	vst v8;
	v7 =	vmul.f32 v15, v7;
	v8 =	vmul.f32 v12, v13;
	v12 =	vld [tilespmem:s22+$0x20]  }
0x151: {  	[tilespmem:s22+$0xFFFFFFB0] =	vst v4;
	v4 =	vmul.f32 v10, v6;
	v6 =	vmul.f32 v9, v16;
	v9 =	vld [tilespmem:s22+$0x70]  }
0x152: {  	v10 =	vbroadcast v5, $0x9;
	[tilespmem:s22+$0xFFFFFFC0] =	vst v7;
	v7 =	vbroadcast v5, $0x8;
	v13 =	vld [tilespmem:s22+$0x50]  }
0x153: {  	v15 =	vbroadcast v5, $0xB;
	[tilespmem:s22+$0xFFFFFFD0] =	vst v8;
	v8 =	vbroadcast v5, $0xA;
	v16 =	vld [tilespmem:s22+$0x40]  }
0x154: {  	[tilespmem:s22+$0xFFFFFFE0] =	vst v4;
	v4 =	vmul.f32 v17, v7;
	v7 =	vmul.f32 v14, v10;
	v10 =	vld [tilespmem:s22+$0x60]  }
0x155: {  	[tilespmem:s22+$0xFFFFFFF0] =	vst v6;
	v6 =	vmul.f32 v12, v8;
	v8 =	vmul.f32 v11, v15  }
0x156: {  	v11 =	vbroadcast v5, $0xD;
	[tilespmem:s22+$0x0] =	vst v4;
	v4 =	vbroadcast v5, $0xC  }
0x157: {  	[tilespmem:s22+$0x10] =	vst v7;
	v7 =	vbroadcast v5, $0xE;
	v5 =	vbroadcast v5, $0xF  }
0x158: {  	[tilespmem:s22+$0x20] =	vst v6;
	v4 =	vmul.f32 v16, v4;
	v6 =	vmul.f32 v13, v11  }
.Ltmp2:
0x159: {  	[tilespmem:s22+$0x30] =	vst v8;
	v7 =	vmul.f32 v10, v7;
	v5 =	vmul.f32 v9, v5;
	(pc) =	sbr.rel @p0 .LBB2_6-.Ltmp2, $4  }
0x15a: {  	[tilespmem:s22+$0x40] =	vst v4  }
0x15b: {  	[tilespmem:s22+$0x50] =	vst v6  }
0x15c: {  	s22 =	sadd.s32 $0x100, s22;
	[tilespmem:s24+$0x60] =	vst v7  }
0x15d: {  	s26 =	sshra.s32 s25, $0x2;
	s25 =	sadd.s32 $0x40, s25;
	v4 =	vld [tilespmem:s22+$0xFFFFFFB0];
	[tilespmem:s24+$0x70] =	vst v5;
	s24 =	smov.u32 s22  }
0x15e: {  	v5 =	vld [tilespmem:s26+$0x4E40];
	_ =	sdelay $0x1  }
0x15f: {  	v6 =	vld [tilespmem:s22+$0xFFFFFF80]  }
0x160: {  	v7 =	vld [tilespmem:s22+$0xFFFFFF90]  }
0x161: {  	v8 =	vld [tilespmem:s22+$0xFFFFFFA0]  }
0x162: {  	v9 =	vbroadcast v5, $0x0  }
0x163: {  	v11 =	vld [tilespmem:s22+$0xFFFFFFC0];
	v10 =	vbroadcast v5, $0x1  }
0x164: {  	v12 =	vld [tilespmem:s22+$0xFFFFFFD0];
	v13 =	vbroadcast v5, $0x2;
	v6 =	vmul.f32 v9, v6  }
0x165: {  	v51 =	vld [tilespmem:s22+$0xFFFFFFE0];
	v50 =	vbroadcast v5, $0x3;
	v7 =	vmul.f32 v7, v10  }
0x166: {  	v53 =	vld [tilespmem:s22+$0x10];
	v8 =	vmul.f32 v8, v13;
	[tilespmem:s22+$0xFFFFFF80] =	vst v6;
	v6 =	vbroadcast v5, $0x4  }
0x167: {  	v52 =	vbroadcast v5, $0x5;
	v4 =	vmul.f32 v4, v50;
	[tilespmem:s22+$0xFFFFFF90] =	vst v7;
	v7 =	vld [tilespmem:s22+$0x0]  }
0x168: {  	v14 =	vld [tilespmem:s22+$0xFFFFFFF0];
	v15 =	vbroadcast v5, $0x6;
	[tilespmem:s22+$0xFFFFFFA0] =	vst v8;
	v6 =	vmul.f32 v11, v6  }
0x169: {  	v55 =	vld [tilespmem:s22+$0x20];
	v56 =	vbroadcast v5, $0x9;
	v9 =	vmul.f32 v12, v52;
	[tilespmem:s22+$0xFFFFFFB0] =	vst v4  }
0x16a: {  	v10 =	vmul.f32 v51, v15;
	v4 =	vld [tilespmem:s22+$0x30];
	[tilespmem:s22+$0xFFFFFFC0] =	vst v6;
	v6 =	vbroadcast v5, $0x8  }
0x16b: {  	v57 =	vld [tilespmem:s22+$0x40];
	v54 =	vbroadcast v5, $0x7;
	v60 =	vmul.f32 v53, v56;
	[tilespmem:s22+$0xFFFFFFD0] =	vst v9  }
0x16c: {  	v58 =	vld [tilespmem:s22+$0x50];
	v59 =	vbroadcast v5, $0xA;
	[tilespmem:s22+$0xFFFFFFE0] =	vst v10;
	v6 =	vmul.f32 v7, v6  }
0x16d: {  	v61 =	vld [tilespmem:s22+$0x60];
	v8 =	vmul.f32 v14, v54;
	[tilespmem:s22+$0x10] =	vst v60;
	v7 =	vbroadcast v5, $0xB  }
0x16e: {  	v62 =	vld [tilespmem:s22+$0x70];
	v11 =	vmul.f32 v55, v59;
	[tilespmem:s22+$0x0] =	vst v6;
	v6 =	vbroadcast v5, $0xC  }
0x16f: {  	[tilespmem:s22+$0xFFFFFFF0] =	vst v8;
	v4 =	vmul.f32 v4, v7;
	v7 =	vbroadcast v5, $0xD  }
0x170: {  	v63 =	vbroadcast v5, $0xE;
	[tilespmem:s22+$0x20] =	vst v11;
	v6 =	vmul.f32 v57, v6  }
0x171: {  	v5 =	vbroadcast v5, $0xF;
	v7 =	vmul.f32 v58, v7;
	[tilespmem:s22+$0x30] =	vst v4  }
0x172: {  	v4 =	vmul.f32 v61, v63;
	[tilespmem:s22+$0x40] =	vst v6  }
0x173: {  	v5 =	vmul.f32 v62, v5;
	[tilespmem:s22+$0x50] =	vst v7  }
0x174: {  	[tilespmem:s24+$0x60] =	vst v4  }
0x175: {  	s25 =	rddreg [dreg:$0x2];
	s26 =	simm.s32 $0x9D0;
	s22 =	simm.s32 $0x0;
	[tilespmem:s24+$0x70] =	vst v5  }
0x176: {  	[spmem:s25] =	stream.indirect.scatter.add.f32 [tilespmem:s9], [sflag:$0x8], $0x10, s7, s26, $0xb8;
	[tilespmem:$0x1FF80] =	vst v63  }
0x177: {  	s24 =	simm.s32 $0x5810;
	v5 =	vld [tilespmem:s22+$0x11290]  }
0x178: {  	s25 =	simm.s32 $0x400;
	v4 =	vld [tilespmem:s24+$0x0]  }
.LBB2_8:
0x179: {  	p0 =	sne.s32 s25, $0x26800;
	v6 =	vld [tilespmem:s22+$0x11270]  }
0x17a: {  	v7 =	vld [tilespmem:s22+$0x11260]  }
0x17b: {  	v8 =	vld [tilespmem:s22+$0x11280]  }
0x17c: {  	v9 =	vld [tilespmem:s22+$0x112D0]  }
0x17d: {  	v10 =	vbroadcast v4, $0x0;
	v11 =	vbroadcast v4, $0x1;
	v12 =	vld [tilespmem:s22+$0x112B0]  }
0x17e: {  	v13 =	vbroadcast v4, $0x2;
	v14 =	vbroadcast v4, $0x3;
	v15 =	vld [tilespmem:s22+$0x112A0]  }
0x17f: {  	v7 =	vmul.f32 v10, v7;
	v6 =	vmul.f32 v6, v11;
	v10 =	vld [tilespmem:s22+$0x112C0]  }
0x180: {  	v5 =	vmul.f32 v5, v14;
	v8 =	vmul.f32 v8, v13;
	v11 =	vld [tilespmem:s22+$0x11310]  }
0x181: {  	v13 =	vbroadcast v4, $0x5;
	[tilespmem:s22+$0x11260] =	vst v7;
	v7 =	vbroadcast v4, $0x4;
	v14 =	vld [tilespmem:s22+$0x112F0]  }
0x182: {  	v16 =	vbroadcast v4, $0x7;
	[tilespmem:s22+$0x11270] =	vst v6;
	v6 =	vbroadcast v4, $0x6;
	v17 =	vld [tilespmem:s22+$0x112E0]  }
0x183: {  	[tilespmem:s22+$0x11280] =	vst v8;
	v7 =	vmul.f32 v15, v7;
	v8 =	vmul.f32 v12, v13;
	v12 =	vld [tilespmem:s22+$0x11300]  }
0x184: {  	[tilespmem:s22+$0x11290] =	vst v5;
	v5 =	vmul.f32 v10, v6;
	v6 =	vmul.f32 v9, v16;
	v9 =	vld [tilespmem:s22+$0x11350]  }
0x185: {  	v10 =	vbroadcast v4, $0x9;
	[tilespmem:s22+$0x112A0] =	vst v7;
	v7 =	vbroadcast v4, $0x8;
	v13 =	vld [tilespmem:s22+$0x11330]  }
0x186: {  	v15 =	vbroadcast v4, $0xB;
	[tilespmem:s22+$0x112B0] =	vst v8;
	v8 =	vbroadcast v4, $0xA;
	v16 =	vld [tilespmem:s22+$0x11320]  }
0x187: {  	[tilespmem:s22+$0x112C0] =	vst v5;
	v5 =	vmul.f32 v17, v7;
	v7 =	vmul.f32 v14, v10;
	v10 =	vld [tilespmem:s22+$0x11340]  }
0x188: {  	[tilespmem:s22+$0x112D0] =	vst v6;
	v6 =	vmul.f32 v12, v8;
	v8 =	vmul.f32 v11, v15  }
0x189: {  	v11 =	vbroadcast v4, $0xD;
	[tilespmem:s22+$0x112E0] =	vst v5;
	v5 =	vbroadcast v4, $0xC  }
0x18a: {  	[tilespmem:s22+$0x112F0] =	vst v7;
	v7 =	vbroadcast v4, $0xE;
	v4 =	vbroadcast v4, $0xF  }
0x18b: {  	[tilespmem:s22+$0x11300] =	vst v6;
	v5 =	vmul.f32 v16, v5;
	v6 =	vmul.f32 v13, v11  }
0x18c: {  	[tilespmem:s22+$0x11310] =	vst v8;
	v7 =	vmul.f32 v10, v7;
	v4 =	vmul.f32 v9, v4  }
.Ltmp3:
0x18d: {  	[tilespmem:s22+$0x11320] =	vst v5;
	(pc) =	sbr.rel @p0 .LBB2_8-.Ltmp3, $4  }
0x18e: {  	[tilespmem:s22+$0x11330] =	vst v6  }
0x18f: {  	s26 =	sshra.s32 s25, $0x2;
	[tilespmem:s22+$0x11340] =	vst v7  }
0x190: {  	s24 =	sadd.s32 $0x10, s24;
	v5 =	vld [tilespmem:s26+$0x11290];
	[tilespmem:s22+$0x11350] =	vst v4;
	s22 =	smov.u32 s26  }
0x191: {  	s25 =	sadd.s32 $0x400, s25;
	v4 =	vld [tilespmem:s24+$0x0]  }
0x192: {  	_ = 	snop  }
0x193: {  	v7 =	vld [tilespmem:s22+$0x11260]  }
0x194: {  	v6 =	vld [tilespmem:s22+$0x11270]  }
0x195: {  	v8 =	vld [tilespmem:s22+$0x11280]  }
0x196: {  	v10 =	vbroadcast v4, $0x0  }
0x197: {  	v12 =	vld [tilespmem:s22+$0x112A0];
	v13 =	vbroadcast v4, $0x1  }
0x198: {  	v11 =	vld [tilespmem:s22+$0x112B0];
	v15 =	vbroadcast v4, $0x2;
	v7 =	vmul.f32 v10, v7  }
0x199: {  	v31 =	vld [tilespmem:s22+$0x112C0];
	v33 =	vbroadcast v4, $0x3;
	v6 =	vmul.f32 v6, v13  }
0x19a: {  	v9 =	vld [tilespmem:s22+$0x112D0];
	v35 =	vbroadcast v4, $0x4;
	v8 =	vmul.f32 v8, v15;
	[tilespmem:s22+$0x11260] =	vst v7  }
0x19b: {  	v14 =	vld [tilespmem:s22+$0x11310];
	v37 =	vbroadcast v4, $0x5;
	v5 =	vmul.f32 v5, v33;
	[tilespmem:s22+$0x11270] =	vst v6  }
0x19c: {  	v39 =	vld [tilespmem:s22+$0x11330];
	v38 =	vbroadcast v4, $0x6;
	v12 =	vmul.f32 v12, v35;
	[tilespmem:s22+$0x11280] =	vst v8  }
0x19d: {  	v34 =	vld [tilespmem:s22+$0x112E0];
	v40 =	vbroadcast v4, $0x7;
	v11 =	vmul.f32 v11, v37;
	[tilespmem:s22+$0x11290] =	vst v5  }
0x19e: {  	v32 =	vld [tilespmem:s22+$0x112F0];
	v16 =	vbroadcast v4, $0xB;
	v10 =	vmul.f32 v31, v38;
	[tilespmem:s22+$0x112A0] =	vst v12  }
0x19f: {  	v36 =	vld [tilespmem:s22+$0x11300];
	v48 =	vbroadcast v4, $0xD;
	v9 =	vmul.f32 v9, v40;
	[tilespmem:s22+$0x112B0] =	vst v11  }
0x1a0: {  	v42 =	vld [tilespmem:s22+$0x11320];
	v41 =	vbroadcast v4, $0x8;
	v47 =	vmul.f32 v14, v16;
	[tilespmem:s22+$0x112C0] =	vst v10  }
0x1a1: {  	v45 =	vld [tilespmem:s22+$0x11340];
	v43 =	vbroadcast v4, $0x9;
	v50 =	vmul.f32 v39, v48;
	[tilespmem:s22+$0x112D0] =	vst v9  }
0x1a2: {  	v44 =	vbroadcast v4, $0xA;
	v5 =	vld [tilespmem:s22+$0x11350];
	v6 =	vmul.f32 v34, v41;
	[tilespmem:s22+$0x11310] =	vst v47  }
0x1a3: {  	v46 =	vbroadcast v4, $0xC;
	v7 =	vmul.f32 v32, v43;
	[tilespmem:s22+$0x11330] =	vst v50  }
0x1a4: {  	v49 =	vbroadcast v4, $0xE;
	v8 =	vmul.f32 v36, v44;
	[tilespmem:s22+$0x112E0] =	vst v6  }
0x1a5: {  	v4 =	vbroadcast v4, $0xF;
	[tilespmem:s22+$0x112F0] =	vst v7;
	v6 =	vmul.f32 v42, v46  }
0x1a6: {  	[tilespmem:s22+$0x11300] =	vst v8;
	v7 =	vmul.f32 v45, v49  }
0x1a7: {  	[tilespmem:s22+$0x11320] =	vst v6;
	v4 =	vmul.f32 v5, v4  }
0x1a8: {  	[tilespmem:s22+$0x11340] =	vst v7  }
0x1a9: {  	[tilespmem:s22+$0x11350] =	vst v4  }
0x1aa: {  	v4 =	vld [tilespmem:$0x61C0];
	_ =	sdelay $0x1  }
0x1ab: {  	v5 =	vld [tilespmem:$0x1AD60]  }
0x1ac: {  	v6 =	vld [tilespmem:$0x1AD70]  }
0x1ad: {  	v9 =	vld [tilespmem:$0x1AD90]  }
0x1ae: {  	v7 =	vld [tilespmem:$0x1AD80];
	v51 =	vbroadcast v4, $0x0  }
0x1af: {  	v55 =	vld [tilespmem:$0x1ADB0];
	v52 =	vbroadcast v4, $0x1;
	v54 =	vbroadcast v4, $0x2  }
0x1b0: {  	v53 =	vld [tilespmem:$0x1ADA0];
	v56 =	vbroadcast v4, $0x3;
	v5 =	vmul.f32 v51, v5  }
0x1b1: {  	v59 =	vld [tilespmem:$0x1ADD0];
	v58 =	vbroadcast v4, $0x4;
	v6 =	vmul.f32 v6, v52  }
0x1b2: {  	v57 =	vld [tilespmem:$0x1ADC0];
	v61 =	vbroadcast v4, $0x5;
	v60 =	vmul.f32 v9, v56;
	[tilespmem:$0x1AD60] =	vst v5  }
0x1b3: {  	v62 =	vbroadcast v4, $0x6;
	v5 =	vmul.f32 v7, v54;
	[tilespmem:$0x1AD70] =	vst v6  }
0x1b4: {  	v4 =	vbroadcast v4, $0x7;
	v63 =	vmul.f32 v55, v61;
	[tilespmem:$0x1AD90] =	vst v60  }
0x1b5: {  	[tilespmem:$0x1AD80] =	vst v5;
	v5 =	vmul.f32 v53, v58  }
0x1b6: {  	v4 =	vmul.f32 v59, v4;
	[tilespmem:$0x1ADB0] =	vst v63  }
0x1b7: {  	[tilespmem:$0x1ADA0] =	vst v5;
	v5 =	vmul.f32 v57, v62  }
0x1b8: {  	[tilespmem:$0x1ADD0] =	vst v4  }
0x1b9: {  	s26 =	rddreg [dreg:$0x2];
	s24 =	simm.s32 $0x9C0;
	s25 =	simm.s32 $0x11260;
	[tilespmem:$0x1ADC0] =	vst v5  }
0x1ba: {  	[spmem:s26] =	stream.indirect.scatter.add.f32 [tilespmem:s25], [sflag:$0x3], $0x10, s8, s24, $0xb8;
	[tilespmem:$0x1FF80] =	vst v63  }
0x1bb: {  	_ =	swait.ge [sflag:s20], $0x9D00  }
0x1bc: {  	[sflag:s20] =	ssyncset.done $0x0  }
0x1bd: {  	[sflag:s20] =	ssyncadd.s32 $0xFFFF6300  }
0x1be: {  	_ =	swait.ge [sflag:s15], $0x9C00  }
0x1bf: {  	[sflag:s15] =	ssyncset.done $0x0  }
0x1c0: {  	s24 =	stileid.u32;
	[sflag:s15] =	ssyncadd.s32 $0xFFFF6400  }
0x1c1: {  	s22 =	sshll.u32 s24, $0x6;
	[bflag:$0x0] =	sbarrier.arrive $0xFFFF  }
0x1c2: {  	s25 =	sshrl.u32 s11, $0x3;
	s22 =	sor.u32 $0x1C09, s22;
	s26 =	rddreg [dreg:$0x14]  }
0x1c3: {  	[hbm:s26], [sflag:s22] =	dma.local [spmem:s25], $0x500  }
0x1c4: {  	_ =	swait.ge [sflag:s13], $0x500  }
0x1c5: {  	s21 =	sadd.s32 $0x1, s21;
	s26 =	rddreg [dreg:$0x17]  }
0x1c6: {  	p0 =	sne.s32 s21, s26  }
.Ltmp4:
0x1c7: {  	_ = 	snop;
	(pc) =	sbr.rel @p0 .LBB2_1-.Ltmp4, $3  }
0x1c8: {  	_ =	sdelay $0x1  }
0x1c9: {  	[sflag:s13] =	ssyncset.done $0x0  }
0x1ca: {  	[sflag:s13] =	ssyncadd.s32 $0xFFFFFB00  }
0x1cb: {  	_ =	sfence.sel $0x180000  }
0x1cc: {  	[bflag:$0x0] =	sbarrier.arrive $0xFFFF  }
0x1cd: {  	_ =	strace $0x9000004A  }
0x1ce: {  	s0 =	stileid.u32;
	[bflag:$0x2] =	sbarrier.arrive $0xFFFF  }
0x1cf: {  	p0 =	sne.s32 s0, $0x0;
	s0 =	rddreg [dreg:$0x3]  }
0x1d0: {  	s0 =	sadd.s32 @!p0 $0x100000, s0  }
0x1d1: {  	[sflag:s0] =	ssyncadd.tile.s32 @!p0 $0x1;
	_ =	shalt  }
.Lfunc_end2:
_tile_overlayer_lowered:
.L_overlay_start_2:
0x1d2: {  	(tag) =	ssettag $0x2  }
0x1d3: {  	s0 =	rddreg [dreg:$0x0];
	s2 =	stileid.u32  }
0x1d4: {  	s1 =	rddreg [dreg:$0x1];
	p0 =	sne.s32 s2, $0x0  }
0x1d5: {  	s3 =	rddreg [dreg:$0x2];
	[bflag:$0x3] =	sbarrier.arrive $0xFFFF;
	s2 =	simm.s32 @!p0 $0x1C09  }
0x1d6: {  	[timem:s3], [sflag:s2] =	dma.local @!p0 [hbm:s0], s1  }
0x1d7: {  	s0 =	simm.s32 @!p0 $0x9  }
0x1d8: {  	_ =	swait.ge @!p0 [sflag:s0], s1  }
0x1d9: {  	s1 =	ssub.s32 @!p0 $0x0, s1;
	[sflag:s0] =	ssyncset.done @!p0 $0x0  }
0x1da: {  	[sflag:s0] =	ssyncadd.s32 @!p0 s1  }
0x1db: {  	[bflag:$0x3] =	sbarrier.arrive $0xFFFF  }
0x1dc: {  	_ =	shalt  }

</sc_bundles>
